<compile_context>
chip_gen: v7x
topology: tpu7x:2x2x1
jax: 0.10.2.dev20260603
libtpu: 0.0.44.dev20260713+nightly
codegen_flags: <defaults>
</compile_context>

<pallas_src>
import jax
import jax.numpy as jnp
from jax import lax
from jax.experimental import pallas as pl
from jax.experimental.pallas import tpu as pltpu
from jax.experimental.pallas import tpu_sc as plsc

N_GENES = 128
N_REFLATENT = 16
N_CUTS = 2048
B1 = 64
B2 = 32
W1 = 4 * B1
W2 = 4 * B2

_NC = 2
_NS = 16
_NW = _NC * _NS
_CPW = N_CUTS // _NW

_HIGH = lax.Precision.HIGHEST


def _strict_lower(n):
    ii = lax.broadcasted_iota(jnp.int32, (n, n), 0)
    jj = lax.broadcasted_iota(jnp.int32, (n, n), 1)
    return (ii < jj).astype(jnp.float32)


def _shift_down_genes(x, k):
    pad = jnp.zeros((N_REFLATENT, k, 1), jnp.float32)
    return jnp.concatenate([pad, x[:, : N_GENES - k, :]], axis=1)


def _excl_cumsum_genes(s):
    incl = s
    k = 1
    while k < N_GENES:
        incl = incl + _shift_down_genes(incl, k)
        k *= 2
    return incl - s


def _tables_body(uw_ref, uh_ref, d_ref, o1_ref, o2_ref):
    f32 = jnp.float32
    M64 = _strict_lower(B1)
    M32 = _strict_lower(B2)
    neg = jnp.full((N_GENES, 1), -1e9, f32)
    uw1 = jnp.concatenate([uw_ref[:, : B1 - 1], neg], axis=-1)
    uw2 = jnp.concatenate([uw_ref[:, B1 - 1:], neg], axis=-1)
    uh1 = uh_ref[:, :B1]
    uh2 = uh_ref[:, B1:]
    d1 = d_ref[:, :, :B1]
    d2 = d_ref[:, :, B1:]

    def transform(uw, uh, d, gspace, nb, M, o_ref):
        e = jnp.exp(uw)
        sm = e / jnp.sum(e, axis=-1, keepdims=True)
        w3 = sm[None, :, :] * gspace
        cum_in = jnp.dot(w3.reshape(N_REFLATENT * N_GENES, nb), M,
                         precision=_HIGH).reshape(N_REFLATENT, N_GENES, nb)
        s_w = jnp.sum(w3, axis=-1, keepdims=True)
        offs_w = _excl_cumsum_genes(s_w)
        gg = lax.broadcasted_iota(jnp.int32, (N_REFLATENT, N_GENES, nb), 1)
        bb = lax.broadcasted_iota(jnp.int32, (N_REFLATENT, N_GENES, nb), 2)
        last = jnp.logical_and(gg == N_GENES - 1, bb == nb - 1)
        locs = jnp.where(last, f32(1.0), offs_w + cum_in)
        o_ref[:, :, 0:nb] = locs
        o_ref[:, :, nb:2 * nb] = w3
        h = jnp.exp(d + uh[None, :, :])
        hn = jnp.concatenate([h[:, :, 1:], h[:, :, nb - 1:]], axis=-1)
        c = (h + hn) * 0.5 * w3
        s_c = jnp.sum(c, axis=-1, keepdims=True)
        area = jnp.sum(s_c, axis=1, keepdims=True)
        inv_area = 1.0 / area
        o_ref[:, :, 2 * nb:3 * nb] = h * inv_area
        cn = c * inv_area
        cdf_in = jnp.dot(cn.reshape(N_REFLATENT * N_GENES, nb), M,
                         precision=_HIGH).reshape(N_REFLATENT, N_GENES, nb)
        s_cn = s_c * inv_area
        offs_c = _excl_cumsum_genes(s_cn)
        cdf = jnp.where(last, f32(1.0), offs_c + cdf_in)
        o_ref[:, :, 3 * nb:4 * nb] = cdf
        gs = offs_c + s_cn
        gg1 = lax.broadcasted_iota(jnp.int32, (N_REFLATENT, N_GENES, 1), 1)
        gs = jnp.where(gg1 == N_GENES - 1, f32(1.0), gs)
        return gs - _shift_down_genes(gs, 1)

    gs1 = jnp.full((N_REFLATENT, N_GENES, 1), 1.0 / N_GENES, jnp.float32)
    gs2 = transform(uw1, uh1, d1, gs1, B1, M64, o1_ref)
    transform(uw2, uh2, d2, gs2, B2, M32, o2_ref)


def _compute_tables(uw, uh, d):
    f32 = jnp.float32
    sds = jax.ShapeDtypeStruct
    out_shape = [
        sds((N_REFLATENT, N_GENES, W1), f32),
        sds((N_REFLATENT, N_GENES, W2), f32),
    ]
    return pl.pallas_call(_tables_body, out_shape=out_shape)(uw, uh, d)


def _spline_batch(tab, rows, x, nb):
    i32 = jnp.int32
    lo = jnp.zeros((16,), i32)
    step = nb // 2
    while step >= 1:
        edge = plsc.load_gather(tab, [rows, lo + (step - 1)])
        lo = lo + jnp.where(edge < x, i32(step), i32(0))
        step //= 2
    jr = jnp.minimum(jnp.maximum(lo - 1, i32(0)), i32(nb - 2))
    ll = plsc.load_gather(tab, [rows, jr])
    w = plsc.load_gather(tab, [rows, nb + jr])
    hl = plsc.load_gather(tab, [rows, 2 * nb + jr])
    hr = plsc.load_gather(tab, [rows, 2 * nb + 1 + jr])
    cl = plsc.load_gather(tab, [rows, 3 * nb + jr])
    alpha = (x - ll) / w
    dh = hr - hl
    out = (0.5 * dh * w) * alpha * alpha + (hl * w) * alpha + cl
    out = jnp.minimum(jnp.maximum(out, 0.0), 1.0)
    hval = hl + alpha * dh
    return out, hval


def _ln16(x):
    i32 = jnp.int32
    bits = plsc.bitcast(x, jnp.int32)
    e = lax.shift_right_logical(bits, 23) - 127
    m = plsc.bitcast((bits & i32(0x7FFFFF)) | i32(127 << 23), jnp.float32)
    big = m > 1.4142135
    m = jnp.where(big, m * 0.5, m)
    e = e + jnp.where(big, i32(1), i32(0))
    r = (m - 1.0) / (m + 1.0)
    r2 = r * r
    p = 2.0 * r * (1.0 + r2 * (1.0 / 3.0 + r2 * (0.2 + r2 * (1.0 / 7.0))))
    return e.astype(jnp.float32) * 0.6931471805599453 + p


def _sc_body(x_hbm, rxg_hbm, t1, t2, out_hbm, lad_hbm,
             idxv, xbuf, hp, outb, tab1, tab2, sem1, sem2):
    wid = lax.axis_index("s") * _NC + lax.axis_index("c")
    base = wid * _CPW
    pltpu.sync_copy(rxg_hbm.at[pl.ds(base, _CPW)], idxv)
    cp1 = pltpu.async_copy(t1.at[idxv], tab1, sem1)
    cp2 = pltpu.async_copy(t2.at[idxv], tab2, sem2)
    pltpu.sync_copy(x_hbm.at[pl.ds(base, _CPW)], xbuf)
    cp1.wait()
    iota = lax.broadcasted_iota(jnp.int32, (16,), 0)
    for v in range(_CPW // 16):
        sl = pl.ds(v * 16, 16)
        rows = iota + (v * 16)
        out, hval = _spline_batch(tab1, rows, xbuf[sl], B1)
        xbuf[sl] = out
        hp[sl] = hval
    cp2.wait()
    for v in range(_CPW // 16):
        sl = pl.ds(v * 16, 16)
        rows = iota + (v * 16)
        out, hval = _spline_batch(tab2, rows, xbuf[sl], B2)
        outb[sl] = out
        hp[sl] = _ln16(hp[sl] * hval)
    pltpu.sync_copy(outb, out_hbm.at[pl.ds(base, _CPW)])
    pltpu.sync_copy(hp, lad_hbm.at[pl.ds(base, _CPW)])


def _sc_transform(x, rxg, t1, t2):
    f32 = jnp.float32
    sds = jax.ShapeDtypeStruct
    mesh = plsc.VectorSubcoreMesh(core_axis_name="c", subcore_axis_name="s",
                                  num_cores=_NC, num_subcores=_NS)
    scratch = [
        pltpu.VMEM((_CPW,), jnp.int32),
        pltpu.VMEM((_CPW,), f32),
        pltpu.VMEM((_CPW,), f32),
        pltpu.VMEM((_CPW,), f32),
        pltpu.VMEM((_CPW, W1), f32),
        pltpu.VMEM((_CPW, W2), f32),
        pltpu.SemaphoreType.DMA,
        pltpu.SemaphoreType.DMA,
    ]
    fn = pl.kernel(_sc_body,
                   out_type=(sds((N_CUTS,), f32), sds((N_CUTS,), f32)),
                   mesh=mesh, scratch_types=scratch,
                   compiler_params=pltpu.CompilerParams(
                       needs_layout_passes=False))
    return fn(x, rxg, t1, t2)


def kernel(cut_positions, cut_local_reflatentxgene_ix, cut_local_gene_ix,
           cut_local_reflatent_ix, mixture_delta_reflatentxgene,
           unnormalized_heights, unnormalized_widths):
    del cut_local_gene_ix, cut_local_reflatent_ix
    t1, t2 = _compute_tables(unnormalized_widths, unnormalized_heights,
                             mixture_delta_reflatentxgene)
    t1 = t1.reshape(N_REFLATENT * N_GENES, W1)
    t2 = t2.reshape(N_REFLATENT * N_GENES, W2)
    rxg = cut_local_reflatentxgene_ix.astype(jnp.int32)
    out, logabsdet = _sc_transform(cut_positions, rxg, t1, t2)
    return out, logabsdet

# --- scband reference (transcript-rebuilt; emitter-appended) ---
"""Pipeline reference for scband-differential-quadratic-spline-stack-16106127360534 (READ-ONLY COPY).

The authoritative reference and input builder live on the scoring server;
editing this copy changes nothing except your own understanding.
"""

import jax, jax.numpy as jnp
import numpy as np

NBINS = (64, 32)
N_GENES = 128
N_REFLATENT = 16
N_CUTS = 2048


def calculate_widths(uw):
    return jax.nn.softmax(uw, axis=-1)


def calculate_bin_locations(widths):
    bl = jnp.cumsum(widths, axis=-1)
    bl = bl.at[..., -1].set(1.0)
    pad = [(0, 0)] * (bl.ndim - 1) + [(1, 0)]
    return jnp.pad(bl, pad)


def calculate_heights(uh, widths):
    h = jnp.exp(uh)
    area = jnp.sum((h[..., :-1] + h[..., 1:]) / 2.0 * widths, axis=-1, keepdims=True)
    return h / area


def calculate_bin_left_cdf(heights, widths):
    cdf = jnp.cumsum((heights[..., :-1] + heights[..., 1:]) / 2.0 * widths, axis=-1)
    cdf = cdf.at[..., -1].set(1.0)
    pad = [(0, 0)] * (cdf.ndim - 1) + [(1, 0)]
    return jnp.pad(cdf, pad)


def take_last(a, idx):
    return jnp.take_along_axis(a, idx[..., None], axis=-1)[..., 0]


def quadratic_spline(inputs, widths, heights, bin_left_cdf, bin_locations, input_bin_locations, bin_idx):
    input_left_cdf = take_last(bin_left_cdf, bin_idx)
    input_left_heights = take_last(heights, bin_idx)
    input_right_heights = take_last(heights, bin_idx + 1)
    input_widths = take_last(widths, bin_idx)
    a = 0.5 * (input_right_heights - input_left_heights) * input_widths
    b = input_left_heights * input_widths
    alpha = (inputs - input_bin_locations) / input_widths
    outputs = a * alpha ** 2 + b * alpha + input_left_cdf
    outputs = jnp.clip(outputs, 0.0, 1.0)
    logabsdet = jnp.log(input_left_heights + alpha * (input_right_heights - input_left_heights))
    return outputs, logabsdet


def _forward(cut_positions, cut_local_reflatentxgene_ix, cut_local_gene_ix, cut_local_reflatent_ix, mixture_delta_reflatentxgene, unnormalized_heights, unnormalized_widths):
    n_reflatent = mixture_delta_reflatentxgene.shape[0]
    n_genes = mixture_delta_reflatentxgene.shape[1]
    splits_heights = list(NBINS)
    h_cuts = np.cumsum(splits_heights)[:-1].tolist()
    w_cuts = np.cumsum([n - 1 for n in NBINS])[:-1].tolist()
    uh_splits = jnp.split(unnormalized_heights, h_cuts, axis=-1)
    uw_splits = jnp.split(unnormalized_widths, w_cuts, axis=-1)
    delta_splits = jnp.split(mixture_delta_reflatentxgene, h_cuts, axis=-1)
    genespacing = jnp.ones((n_reflatent, n_genes), dtype=cut_positions.dtype) / n_genes
    transformation_data = []
    for uh, uw, delta, num_bins in zip(uh_splits, uw_splits, delta_splits, NBINS):
        gene_bin_positions = (jnp.arange(n_genes) + 1) * uh.shape[-1] - 1
        w = calculate_widths(uw)[None, :, :] * genespacing[:, :, None]
        w = jnp.pad(w, [(0, 0), (0, 0), (0, 1)])
        widths = w.reshape(n_reflatent, -1)[..., :-1]
        bin_locations = calculate_bin_locations(widths)
        uh_full = (uh[None, :, :] + delta).reshape(n_reflatent, -1)
        heights = calculate_heights(uh_full, widths)
        bin_left_cdf = calculate_bin_left_cdf(heights, widths)
        gs = bin_left_cdf[..., gene_bin_positions]
        genespacing = jnp.diff(jnp.pad(gs, [(0, 0), (1, 0)]), axis=-1)
        transformation_data.append((widths, heights, bin_left_cdf, bin_locations, num_bins))
    output = cut_positions
    logabsdet = jnp.zeros_like(cut_positions)
    for widths, heights, bin_left_cdf, bin_locations, num_bins in transformation_data:
        bin_locations_genewise = bin_locations.reshape((n_reflatent * n_genes, num_bins))
        cut_bin_locations_genewise = jnp.take(bin_locations_genewise, cut_local_reflatentxgene_ix, axis=0)
        local = jax.vmap(lambda row, v: jnp.searchsorted(row, v, side='left'))(cut_bin_locations_genewise, output)
        bin_idx = cut_local_gene_ix * num_bins + jnp.clip(local - 1, 0, num_bins - 2)
        cut_widths = jnp.take(widths, cut_local_reflatent_ix, axis=0)
        cut_heights = jnp.take(heights, cut_local_reflatent_ix, axis=0)
        cut_bin_left_cdf = jnp.take(bin_left_cdf, cut_local_reflatent_ix, axis=0)
        cut_bin_locations = jnp.take(bin_locations, cut_local_reflatent_ix, axis=0)
        input_bin_locations = take_last(cut_bin_locations, bin_idx)
        output, lad = quadratic_spline(output, cut_widths, cut_heights, cut_bin_left_cdf, cut_bin_locations, input_bin_locations, bin_idx)
        logabsdet = logabsdet + lad
    return output, logabsdet


def setup_inputs(seed: int = 0):
    key = jax.random.key(seed)
    k0, k1, k2, k3 = jax.random.split(key, 4)
    gene_ix = jax.random.randint(k0, (N_CUTS,), 0, N_GENES)
    refl_ix = jax.random.randint(k1, (N_CUTS,), 0, N_REFLATENT)
    rxg_ix = refl_ix * N_GENES + gene_ix
    u = jax.random.uniform(k2, (N_CUTS,), dtype=jnp.float32)
    cut_positions = (gene_ix.astype(jnp.float32) + u) / N_GENES
    mixture_delta = jax.random.normal(k3, (N_REFLATENT, N_GENES, sum(NBINS)), dtype=jnp.float32) * 0.1
    unnormalized_heights = jnp.zeros((N_GENES, sum(NBINS)), dtype=jnp.float32)
    unnormalized_widths = jnp.zeros((N_GENES, sum(n - 1 for n in NBINS)), dtype=jnp.float32)
    return {'cut_positions': cut_positions, 'cut_local_reflatentxgene_ix': rxg_ix, 'cut_local_gene_ix': gene_ix, 'cut_local_reflatent_ix': refl_ix, 'mixture_delta_reflatentxgene': mixture_delta, 'unnormalized_heights': unnormalized_heights, 'unnormalized_widths': unnormalized_widths}


def reference(cut_positions, cut_local_reflatentxgene_ix, cut_local_gene_ix, cut_local_reflatent_ix, mixture_delta_reflatentxgene, unnormalized_heights, unnormalized_widths):
    return _forward(cut_positions, cut_local_reflatentxgene_ix, cut_local_gene_ix, cut_local_reflatent_ix, mixture_delta_reflatentxgene, unnormalized_heights, unnormalized_widths)

if __name__ == "__main__":
    import jax
    _d = setup_inputs()
    print(jax.jit(kernel)(*tuple(_d.values())))

</pallas_src>

<mosaic_0001>
#map = affine_map<(d0, d1) -> (0)>
#map1 = affine_map<(d0, d1) -> (0, 0)>
module attributes {stable_mosaic.version = 14 : i64} {
  func.func @_sc_body(%arg0: i32, %arg1: i32, %arg2: memref<2048xf32, #tpu.memory_space<hbm>>, %arg3: memref<2048xi32, #tpu.memory_space<hbm>>, %arg4: memref<2048x256xf32, #tpu.memory_space<hbm>>, %arg5: memref<2048x128xf32, #tpu.memory_space<hbm>>, %arg6: memref<2048xf32, #tpu.memory_space<hbm>>, %arg7: memref<2048xf32, #tpu.memory_space<hbm>>, %arg8: memref<64xi32, #tpu.memory_space<vmem>>, %arg9: memref<64xf32, #tpu.memory_space<vmem>>, %arg10: memref<64xf32, #tpu.memory_space<vmem>>, %arg11: memref<64xf32, #tpu.memory_space<vmem>>, %arg12: memref<64x256xf32, #tpu.memory_space<vmem>>, %arg13: memref<64x128xf32, #tpu.memory_space<vmem>>, %arg14: memref<!tpu.dma_semaphore, #tpu.memory_space<semaphore_mem>>, %arg15: memref<!tpu.dma_semaphore, #tpu.memory_space<semaphore_mem>>) attributes {dimension_semantics = [#tpu.dimension_semantics<core_parallel>, #tpu.dimension_semantics<subcore_parallel>], iteration_bounds = array<i64: 2, 16>, scalar_prefetch = 0 : i64, scratch_operands = 8 : i64, tpu.core_type = #tpu.core_type<sc_vector_subcore>, window_params = [{transform_indices = #map}, {transform_indices = #map}, {transform_indices = #map1}, {transform_indices = #map1}, {transform_indices = #map}, {transform_indices = #map}]} {
    %mul3A = arith.constant 2 : i32
    %mul3A_0 = arith.muli %arg1, %mul3A : i32
    %add3A = arith.addi %mul3A_0, %arg0 : i32
    %mul3A_1 = arith.constant 64 : i32
    %mul3A_2 = arith.muli %add3A, %mul3A_1 : i32
    "tpu.region"() ({
      %run_scoped3A = tpu.sem_alloc : memref<!tpu.dma_semaphore, #tpu.memory_space<semaphore_mem>>
      %dma_start3A_1188 = tpu.memref_slice %arg3[%mul3A_2] : memref<2048xi32, #tpu.memory_space<hbm>> -> memref<64xi32, #tpu.memory_space<hbm>>
      %dma_start3A_1189 = tpu.memref_slice %arg3[%mul3A_2] : memref<2048xi32, #tpu.memory_space<hbm>> -> memref<64xi32, #tpu.memory_space<hbm>>
      tpu.enqueue_dma source(%dma_start3A_1189 : memref<64xi32, #tpu.memory_space<hbm>>) target(%arg8 : memref<64xi32, #tpu.memory_space<vmem>>) target_semaphore(%run_scoped3A : memref<!tpu.dma_semaphore, #tpu.memory_space<semaphore_mem>>)
      %dma_wait3A_1190 = tpu.memref_slice %arg3[%mul3A_2] : memref<2048xi32, #tpu.memory_space<hbm>> -> memref<64xi32, #tpu.memory_space<hbm>>
      %dma_wait3A_1191 = tpu.memref_slice %arg3[%mul3A_2] : memref<2048xi32, #tpu.memory_space<hbm>> -> memref<64xi32, #tpu.memory_space<hbm>>
      tpu.wait_dma2 semaphore(%run_scoped3A : memref<!tpu.dma_semaphore, #tpu.memory_space<semaphore_mem>>) src(%dma_wait3A_1191 : memref<64xi32, #tpu.memory_space<hbm>>) dst(%arg8 : memref<64xi32, #tpu.memory_space<vmem>>)
      tpu.yield
    }) : () -> ()
    %dma_start3A = arith.constant 0 : i32
    %dma_start3A_3 = arith.constant 0 : i32
    %dma_start3A_4 = tpu.memref_slice %arg4[%dma_start3A, %dma_start3A_3] : memref<2048x256xf32, #tpu.memory_space<hbm>> -> memref<2048x256xf32, #tpu.memory_space<hbm>>
    tpu.enqueue_indirect_dma source(%dma_start3A_4 : memref<2048x256xf32, #tpu.memory_space<hbm>>) target(%arg12 : memref<64x256xf32, #tpu.memory_space<vmem>>) offsets(%arg8 : memref<64xi32, #tpu.memory_space<vmem>>) semaphore(%arg14 : memref<!tpu.dma_semaphore, #tpu.memory_space<semaphore_mem>>)
    %dma_start3A_5 = arith.constant 0 : i32
    %dma_start3A_6 = arith.constant 0 : i32
    %dma_start3A_7 = tpu.memref_slice %arg5[%dma_start3A_5, %dma_start3A_6] : memref<2048x128xf32, #tpu.memory_space<hbm>> -> memref<2048x128xf32, #tpu.memory_space<hbm>>
    tpu.enqueue_indirect_dma source(%dma_start3A_7 : memref<2048x128xf32, #tpu.memory_space<hbm>>) target(%arg13 : memref<64x128xf32, #tpu.memory_space<vmem>>) offsets(%arg8 : memref<64xi32, #tpu.memory_space<vmem>>) semaphore(%arg15 : memref<!tpu.dma_semaphore, #tpu.memory_space<semaphore_mem>>)
    "tpu.region"() ({
      %run_scoped3A = tpu.sem_alloc : memref<!tpu.dma_semaphore, #tpu.memory_space<semaphore_mem>>
      %dma_start3A_1188 = tpu.memref_slice %arg2[%mul3A_2] : memref<2048xf32, #tpu.memory_space<hbm>> -> memref<64xf32, #tpu.memory_space<hbm>>
      %dma_start3A_1189 = tpu.memref_slice %arg2[%mul3A_2] : memref<2048xf32, #tpu.memory_space<hbm>> -> memref<64xf32, #tpu.memory_space<hbm>>
      tpu.enqueue_dma source(%dma_start3A_1189 : memref<64xf32, #tpu.memory_space<hbm>>) target(%arg9 : memref<64xf32, #tpu.memory_space<vmem>>) target_semaphore(%run_scoped3A : memref<!tpu.dma_semaphore, #tpu.memory_space<semaphore_mem>>)
      %dma_wait3A_1190 = tpu.memref_slice %arg2[%mul3A_2] : memref<2048xf32, #tpu.memory_space<hbm>> -> memref<64xf32, #tpu.memory_space<hbm>>
      %dma_wait3A_1191 = tpu.memref_slice %arg2[%mul3A_2] : memref<2048xf32, #tpu.memory_space<hbm>> -> memref<64xf32, #tpu.memory_space<hbm>>
      tpu.wait_dma2 semaphore(%run_scoped3A : memref<!tpu.dma_semaphore, #tpu.memory_space<semaphore_mem>>) src(%dma_wait3A_1191 : memref<64xf32, #tpu.memory_space<hbm>>) dst(%arg9 : memref<64xf32, #tpu.memory_space<vmem>>)
      tpu.yield
    }) : () -> ()
    %dma_wait3A = arith.constant 0 : i32
    %dma_wait3A_8 = arith.constant 0 : i32
    %dma_wait3A_9 = tpu.memref_slice %arg4[%dma_wait3A, %dma_wait3A_8] : memref<2048x256xf32, #tpu.memory_space<hbm>> -> memref<2048x256xf32, #tpu.memory_space<hbm>>
    tpu.wait_indirect_dma semaphore(%arg14 : memref<!tpu.dma_semaphore, #tpu.memory_space<semaphore_mem>>) src(%dma_wait3A_9 : memref<2048x256xf32, #tpu.memory_space<hbm>>) dst(%arg12 : memref<64x256xf32, #tpu.memory_space<vmem>>)
    %iota3A = tpu.iota {dimensions = array<i32: 0>} : vector<16xi32>
    %add3A_10 = arith.constant 0 : i32
    %add3A_11 = vector.broadcast %add3A_10 : i32 to vector<16xi32>
    %add3A_12 = arith.addi %iota3A, %add3A_11 : vector<16xi32>
    %get3A = arith.constant 0 : index
    %get3A_13 = tpu.vector_load %arg9[%get3A] {strides = array<i32>} : memref<64xf32, #tpu.memory_space<vmem>>, vector<16xf32>,
    %broadcast_in_dim3A = arith.constant 0 : i32
    %broadcast_in_dim3A_14 = vector.broadcast %broadcast_in_dim3A : i32 to vector<16xi32>
    %add3A_15 = arith.constant 31 : i32
    %add3A_16 = vector.broadcast %add3A_15 : i32 to vector<16xi32>
    %add3A_17 = arith.addi %broadcast_in_dim3A_14, %add3A_16 : vector<16xi32>
    %gather3A = tpu.vector_load_idx %arg12[%add3A_12, %add3A_17] : memref<64x256xf32, #tpu.memory_space<vmem>>[vector<16xi32>, vector<16xi32>], vector<16xf32>,
    %lt3A = arith.cmpf olt, %gather3A, %get3A_13 : vector<16xf32>
    %jit3A = arith.constant 32 : i32
    %jit3A_18 = arith.constant 0 : i32
    %broadcast_in_dim3A_19 = vector.broadcast %jit3A : i32 to vector<16xi32>
    %broadcast_in_dim3A_20 = vector.broadcast %jit3A_18 : i32 to vector<16xi32>
    %select_n3A = arith.select %lt3A, %broadcast_in_dim3A_19, %broadcast_in_dim3A_20 : vector<16xi1>, vector<16xi32>
    %add3A_21 = arith.addi %broadcast_in_dim3A_14, %select_n3A : vector<16xi32>
    %add3A_22 = arith.constant 15 : i32
    %add3A_23 = vector.broadcast %add3A_22 : i32 to vector<16xi32>
    %add3A_24 = arith.addi %add3A_21, %add3A_23 : vector<16xi32>
    %gather3A_25 = tpu.vector_load_idx %arg12[%add3A_12, %add3A_24] : memref<64x256xf32, #tpu.memory_space<vmem>>[vector<16xi32>, vector<16xi32>], vector<16xf32>,
    %lt3A_26 = arith.cmpf olt, %gather3A_25, %get3A_13 : vector<16xf32>
    %jit3A_27 = arith.constant 16 : i32
    %jit3A_28 = arith.constant 0 : i32
    %broadcast_in_dim3A_29 = vector.broadcast %jit3A_27 : i32 to vector<16xi32>
    %broadcast_in_dim3A_30 = vector.broadcast %jit3A_28 : i32 to vector<16xi32>
    %select_n3A_31 = arith.select %lt3A_26, %broadcast_in_dim3A_29, %broadcast_in_dim3A_30 : vector<16xi1>, vector<16xi32>
    %add3A_32 = arith.addi %add3A_21, %select_n3A_31 : vector<16xi32>
    %add3A_33 = arith.constant 7 : i32
    %add3A_34 = vector.broadcast %add3A_33 : i32 to vector<16xi32>
    %add3A_35 = arith.addi %add3A_32, %add3A_34 : vector<16xi32>
    %gather3A_36 = tpu.vector_load_idx %arg12[%add3A_12, %add3A_35] : memref<64x256xf32, #tpu.memory_space<vmem>>[vector<16xi32>, vector<16xi32>], vector<16xf32>,
    %lt3A_37 = arith.cmpf olt, %gather3A_36, %get3A_13 : vector<16xf32>
    %jit3A_38 = arith.constant 8 : i32
    %jit3A_39 = arith.constant 0 : i32
    %broadcast_in_dim3A_40 = vector.broadcast %jit3A_38 : i32 to vector<16xi32>
    %broadcast_in_dim3A_41 = vector.broadcast %jit3A_39 : i32 to vector<16xi32>
    %select_n3A_42 = arith.select %lt3A_37, %broadcast_in_dim3A_40, %broadcast_in_dim3A_41 : vector<16xi1>, vector<16xi32>
    %add3A_43 = arith.addi %add3A_32, %select_n3A_42 : vector<16xi32>
    %add3A_44 = arith.constant 3 : i32
    %add3A_45 = vector.broadcast %add3A_44 : i32 to vector<16xi32>
    %add3A_46 = arith.addi %add3A_43, %add3A_45 : vector<16xi32>
    %gather3A_47 = tpu.vector_load_idx %arg12[%add3A_12, %add3A_46] : memref<64x256xf32, #tpu.memory_space<vmem>>[vector<16xi32>, vector<16xi32>], vector<16xf32>,
    %lt3A_48 = arith.cmpf olt, %gather3A_47, %get3A_13 : vector<16xf32>
    %jit3A_49 = arith.constant 4 : i32
    %jit3A_50 = arith.constant 0 : i32
    %broadcast_in_dim3A_51 = vector.broadcast %jit3A_49 : i32 to vector<16xi32>
    %broadcast_in_dim3A_52 = vector.broadcast %jit3A_50 : i32 to vector<16xi32>
    %select_n3A_53 = arith.select %lt3A_48, %broadcast_in_dim3A_51, %broadcast_in_dim3A_52 : vector<16xi1>, vector<16xi32>
    %add3A_54 = arith.addi %add3A_43, %select_n3A_53 : vector<16xi32>
    %add3A_55 = arith.constant 1 : i32
    %add3A_56 = vector.broadcast %add3A_55 : i32 to vector<16xi32>
    %add3A_57 = arith.addi %add3A_54, %add3A_56 : vector<16xi32>
    %gather3A_58 = tpu.vector_load_idx %arg12[%add3A_12, %add3A_57] : memref<64x256xf32, #tpu.memory_space<vmem>>[vector<16xi32>, vector<16xi32>], vector<16xf32>,
    %lt3A_59 = arith.cmpf olt, %gather3A_58, %get3A_13 : vector<16xf32>
    %jit3A_60 = arith.constant 2 : i32
    %jit3A_61 = arith.constant 0 : i32
    %broadcast_in_dim3A_62 = vector.broadcast %jit3A_60 : i32 to vector<16xi32>
    %broadcast_in_dim3A_63 = vector.broadcast %jit3A_61 : i32 to vector<16xi32>
    %select_n3A_64 = arith.select %lt3A_59, %broadcast_in_dim3A_62, %broadcast_in_dim3A_63 : vector<16xi1>, vector<16xi32>
    %add3A_65 = arith.addi %add3A_54, %select_n3A_64 : vector<16xi32>
    %add3A_66 = arith.constant 0 : i32
    %add3A_67 = vector.broadcast %add3A_66 : i32 to vector<16xi32>
    %add3A_68 = arith.addi %add3A_65, %add3A_67 : vector<16xi32>
    %gather3A_69 = tpu.vector_load_idx %arg12[%add3A_12, %add3A_68] : memref<64x256xf32, #tpu.memory_space<vmem>>[vector<16xi32>, vector<16xi32>], vector<16xf32>,
    %lt3A_70 = arith.cmpf olt, %gather3A_69, %get3A_13 : vector<16xf32>
    %jit3A_71 = arith.constant 1 : i32
    %jit3A_72 = arith.constant 0 : i32
    %broadcast_in_dim3A_73 = vector.broadcast %jit3A_71 : i32 to vector<16xi32>
    %broadcast_in_dim3A_74 = vector.broadcast %jit3A_72 : i32 to vector<16xi32>
    %select_n3A_75 = arith.select %lt3A_70, %broadcast_in_dim3A_73, %broadcast_in_dim3A_74 : vector<16xi1>, vector<16xi32>
    %add3A_76 = arith.addi %add3A_65, %select_n3A_75 : vector<16xi32>
    %sub3A = arith.constant 1 : i32
    %sub3A_77 = vector.broadcast %sub3A : i32 to vector<16xi32>
    %sub3A_78 = arith.subi %add3A_76, %sub3A_77 : vector<16xi32>
    %max3A = arith.constant 0 : i32
    %max3A_79 = vector.broadcast %max3A : i32 to vector<16xi32>
    %max3A_80 = arith.maxsi %sub3A_78, %max3A_79 : vector<16xi32>
    %min3A = arith.constant 62 : i32
    %min3A_81 = vector.broadcast %min3A : i32 to vector<16xi32>
    %min3A_82 = arith.minsi %max3A_80, %min3A_81 : vector<16xi32>
    %gather3A_83 = tpu.vector_load_idx %arg12[%add3A_12, %min3A_82] : memref<64x256xf32, #tpu.memory_space<vmem>>[vector<16xi32>, vector<16xi32>], vector<16xf32>,
    %add3A_84 = arith.constant 64 : i32
    %add3A_85 = vector.broadcast %add3A_84 : i32 to vector<16xi32>
    %add3A_86 = arith.addi %add3A_85, %min3A_82 : vector<16xi32>
    %gather3A_87 = tpu.vector_load_idx %arg12[%add3A_12, %add3A_86] : memref<64x256xf32, #tpu.memory_space<vmem>>[vector<16xi32>, vector<16xi32>], vector<16xf32>,
    %add3A_88 = arith.constant 128 : i32
    %add3A_89 = vector.broadcast %add3A_88 : i32 to vector<16xi32>
    %add3A_90 = arith.addi %add3A_89, %min3A_82 : vector<16xi32>
    %gather3A_91 = tpu.vector_load_idx %arg12[%add3A_12, %add3A_90] : memref<64x256xf32, #tpu.memory_space<vmem>>[vector<16xi32>, vector<16xi32>], vector<16xf32>,
    %add3A_92 = arith.constant 129 : i32
    %add3A_93 = vector.broadcast %add3A_92 : i32 to vector<16xi32>
    %add3A_94 = arith.addi %add3A_93, %min3A_82 : vector<16xi32>
    %gather3A_95 = tpu.vector_load_idx %arg12[%add3A_12, %add3A_94] : memref<64x256xf32, #tpu.memory_space<vmem>>[vector<16xi32>, vector<16xi32>], vector<16xf32>,
    %add3A_96 = arith.constant 192 : i32
    %add3A_97 = vector.broadcast %add3A_96 : i32 to vector<16xi32>
    %add3A_98 = arith.addi %add3A_97, %min3A_82 : vector<16xi32>
    %gather3A_99 = tpu.vector_load_idx %arg12[%add3A_12, %add3A_98] : memref<64x256xf32, #tpu.memory_space<vmem>>[vector<16xi32>, vector<16xi32>], vector<16xf32>,
    %sub3A_100 = arith.subf %get3A_13, %gather3A_83 : vector<16xf32>
    %div3A = arith.divf %sub3A_100, %gather3A_87 : vector<16xf32>
    %sub3A_101 = arith.subf %gather3A_95, %gather3A_91 : vector<16xf32>
    %mul3A_102 = arith.constant 5.000000e-01 : f32
    %mul3A_103 = vector.broadcast %mul3A_102 : f32 to vector<16xf32>
    %mul3A_104 = arith.mulf %mul3A_103, %sub3A_101 : vector<16xf32>
    %mul3A_105 = arith.mulf %mul3A_104, %gather3A_87 : vector<16xf32>
    %mul3A_106 = arith.mulf %mul3A_105, %div3A : vector<16xf32>
    %mul3A_107 = arith.mulf %mul3A_106, %div3A : vector<16xf32>
    %mul3A_108 = arith.mulf %gather3A_91, %gather3A_87 : vector<16xf32>
    %mul3A_109 = arith.mulf %mul3A_108, %div3A : vector<16xf32>
    %add3A_110 = arith.addf %mul3A_107, %mul3A_109 : vector<16xf32>
    %add3A_111 = arith.addf %add3A_110, %gather3A_99 : vector<16xf32>
    %max3A_112 = arith.constant 0.000000e+00 : f32
    %max3A_113 = vector.broadcast %max3A_112 : f32 to vector<16xf32>
    %max3A_114 = arith.maximumf %add3A_111, %max3A_113 : vector<16xf32>
    %min3A_115 = arith.constant 1.000000e+00 : f32
    %min3A_116 = vector.broadcast %min3A_115 : f32 to vector<16xf32>
    %min3A_117 = arith.minimumf %max3A_114, %min3A_116 : vector<16xf32>
    %mul3A_118 = arith.mulf %div3A, %sub3A_101 : vector<16xf32>
    %add3A_119 = arith.addf %gather3A_91, %mul3A_118 : vector<16xf32>
    %swap3A = arith.constant 0 : index
    %swap3A_120 = tpu.vector_load %arg9[%swap3A] {strides = array<i32>} : memref<64xf32, #tpu.memory_space<vmem>>, vector<16xf32>,
    tpu.vector_store %arg9[%swap3A], %min3A_117 {strides = array<i32>} : memref<64xf32, #tpu.memory_space<vmem>>, vector<16xf32>,
    %swap3A_121 = arith.constant 0 : index
    %swap3A_122 = tpu.vector_load %arg10[%swap3A_121] {strides = array<i32>} : memref<64xf32, #tpu.memory_space<vmem>>, vector<16xf32>,
    tpu.vector_store %arg10[%swap3A_121], %add3A_119 {strides = array<i32>} : memref<64xf32, #tpu.memory_space<vmem>>, vector<16xf32>,
    %add3A_123 = arith.constant 16 : i32
    %add3A_124 = vector.broadcast %add3A_123 : i32 to vector<16xi32>
    %add3A_125 = arith.addi %iota3A, %add3A_124 : vector<16xi32>
    %get3A_126 = arith.constant 16 : index
    %get3A_127 = tpu.vector_load %arg9[%get3A_126] {strides = array<i32>} : memref<64xf32, #tpu.memory_space<vmem>>, vector<16xf32>,
    %broadcast_in_dim3A_128 = arith.constant 0 : i32
    %broadcast_in_dim3A_129 = vector.broadcast %broadcast_in_dim3A_128 : i32 to vector<16xi32>
    %add3A_130 = arith.constant 31 : i32
    %add3A_131 = vector.broadcast %add3A_130 : i32 to vector<16xi32>
    %add3A_132 = arith.addi %broadcast_in_dim3A_129, %add3A_131 : vector<16xi32>
    %gather3A_133 = tpu.vector_load_idx %arg12[%add3A_125, %add3A_132] : memref<64x256xf32, #tpu.memory_space<vmem>>[vector<16xi32>, vector<16xi32>], vector<16xf32>,
    %lt3A_134 = arith.cmpf olt, %gather3A_133, %get3A_127 : vector<16xf32>
    %jit3A_135 = arith.constant 32 : i32
    %jit3A_136 = arith.constant 0 : i32
    %broadcast_in_dim3A_137 = vector.broadcast %jit3A_135 : i32 to vector<16xi32>
    %broadcast_in_dim3A_138 = vector.broadcast %jit3A_136 : i32 to vector<16xi32>
    %select_n3A_139 = arith.select %lt3A_134, %broadcast_in_dim3A_137, %broadcast_in_dim3A_138 : vector<16xi1>, vector<16xi32>
    %add3A_140 = arith.addi %broadcast_in_dim3A_129, %select_n3A_139 : vector<16xi32>
    %add3A_141 = arith.constant 15 : i32
    %add3A_142 = vector.broadcast %add3A_141 : i32 to vector<16xi32>
    %add3A_143 = arith.addi %add3A_140, %add3A_142 : vector<16xi32>
    %gather3A_144 = tpu.vector_load_idx %arg12[%add3A_125, %add3A_143] : memref<64x256xf32, #tpu.memory_space<vmem>>[vector<16xi32>, vector<16xi32>], vector<16xf32>,
    %lt3A_145 = arith.cmpf olt, %gather3A_144, %get3A_127 : vector<16xf32>
    %jit3A_146 = arith.constant 16 : i32
    %jit3A_147 = arith.constant 0 : i32
    %broadcast_in_dim3A_148 = vector.broadcast %jit3A_146 : i32 to vector<16xi32>
    %broadcast_in_dim3A_149 = vector.broadcast %jit3A_147 : i32 to vector<16xi32>
    %select_n3A_150 = arith.select %lt3A_145, %broadcast_in_dim3A_148, %broadcast_in_dim3A_149 : vector<16xi1>, vector<16xi32>
    %add3A_151 = arith.addi %add3A_140, %select_n3A_150 : vector<16xi32>
    %add3A_152 = arith.constant 7 : i32
    %add3A_153 = vector.broadcast %add3A_152 : i32 to vector<16xi32>
    %add3A_154 = arith.addi %add3A_151, %add3A_153 : vector<16xi32>
    %gather3A_155 = tpu.vector_load_idx %arg12[%add3A_125, %add3A_154] : memref<64x256xf32, #tpu.memory_space<vmem>>[vector<16xi32>, vector<16xi32>], vector<16xf32>,
    %lt3A_156 = arith.cmpf olt, %gather3A_155, %get3A_127 : vector<16xf32>
    %jit3A_157 = arith.constant 8 : i32
    %jit3A_158 = arith.constant 0 : i32
    %broadcast_in_dim3A_159 = vector.broadcast %jit3A_157 : i32 to vector<16xi32>
    %broadcast_in_dim3A_160 = vector.broadcast %jit3A_158 : i32 to vector<16xi32>
    %select_n3A_161 = arith.select %lt3A_156, %broadcast_in_dim3A_159, %broadcast_in_dim3A_160 : vector<16xi1>, vector<16xi32>
    %add3A_162 = arith.addi %add3A_151, %select_n3A_161 : vector<16xi32>
    %add3A_163 = arith.constant 3 : i32
    %add3A_164 = vector.broadcast %add3A_163 : i32 to vector<16xi32>
    %add3A_165 = arith.addi %add3A_162, %add3A_164 : vector<16xi32>
    %gather3A_166 = tpu.vector_load_idx %arg12[%add3A_125, %add3A_165] : memref<64x256xf32, #tpu.memory_space<vmem>>[vector<16xi32>, vector<16xi32>], vector<16xf32>,
    %lt3A_167 = arith.cmpf olt, %gather3A_166, %get3A_127 : vector<16xf32>
    %jit3A_168 = arith.constant 4 : i32
    %jit3A_169 = arith.constant 0 : i32
    %broadcast_in_dim3A_170 = vector.broadcast %jit3A_168 : i32 to vector<16xi32>
    %broadcast_in_dim3A_171 = vector.broadcast %jit3A_169 : i32 to vector<16xi32>
    %select_n3A_172 = arith.select %lt3A_167, %broadcast_in_dim3A_170, %broadcast_in_dim3A_171 : vector<16xi1>, vector<16xi32>
    %add3A_173 = arith.addi %add3A_162, %select_n3A_172 : vector<16xi32>
    %add3A_174 = arith.constant 1 : i32
    %add3A_175 = vector.broadcast %add3A_174 : i32 to vector<16xi32>
    %add3A_176 = arith.addi %add3A_173, %add3A_175 : vector<16xi32>
    %gather3A_177 = tpu.vector_load_idx %arg12[%add3A_125, %add3A_176] : memref<64x256xf32, #tpu.memory_space<vmem>>[vector<16xi32>, vector<16xi32>], vector<16xf32>,
    %lt3A_178 = arith.cmpf olt, %gather3A_177, %get3A_127 : vector<16xf32>
    %jit3A_179 = arith.constant 2 : i32
    %jit3A_180 = arith.constant 0 : i32
    %broadcast_in_dim3A_181 = vector.broadcast %jit3A_179 : i32 to vector<16xi32>
    %broadcast_in_dim3A_182 = vector.broadcast %jit3A_180 : i32 to vector<16xi32>
    %select_n3A_183 = arith.select %lt3A_178, %broadcast_in_dim3A_181, %broadcast_in_dim3A_182 : vector<16xi1>, vector<16xi32>
    %add3A_184 = arith.addi %add3A_173, %select_n3A_183 : vector<16xi32>
    %add3A_185 = arith.constant 0 : i32
    %add3A_186 = vector.broadcast %add3A_185 : i32 to vector<16xi32>
    %add3A_187 = arith.addi %add3A_184, %add3A_186 : vector<16xi32>
    %gather3A_188 = tpu.vector_load_idx %arg12[%add3A_125, %add3A_187] : memref<64x256xf32, #tpu.memory_space<vmem>>[vector<16xi32>, vector<16xi32>], vector<16xf32>,
    %lt3A_189 = arith.cmpf olt, %gather3A_188, %get3A_127 : vector<16xf32>
    %jit3A_190 = arith.constant 1 : i32
    %jit3A_191 = arith.constant 0 : i32
    %broadcast_in_dim3A_192 = vector.broadcast %jit3A_190 : i32 to vector<16xi32>
    %broadcast_in_dim3A_193 = vector.broadcast %jit3A_191 : i32 to vector<16xi32>
    %select_n3A_194 = arith.select %lt3A_189, %broadcast_in_dim3A_192, %broadcast_in_dim3A_193 : vector<16xi1>, vector<16xi32>
    %add3A_195 = arith.addi %add3A_184, %select_n3A_194 : vector<16xi32>
    %sub3A_196 = arith.constant 1 : i32
    %sub3A_197 = vector.broadcast %sub3A_196 : i32 to vector<16xi32>
    %sub3A_198 = arith.subi %add3A_195, %sub3A_197 : vector<16xi32>
    %max3A_199 = arith.constant 0 : i32
    %max3A_200 = vector.broadcast %max3A_199 : i32 to vector<16xi32>
    %max3A_201 = arith.maxsi %sub3A_198, %max3A_200 : vector<16xi32>
    %min3A_202 = arith.constant 62 : i32
    %min3A_203 = vector.broadcast %min3A_202 : i32 to vector<16xi32>
    %min3A_204 = arith.minsi %max3A_201, %min3A_203 : vector<16xi32>
    %gather3A_205 = tpu.vector_load_idx %arg12[%add3A_125, %min3A_204] : memref<64x256xf32, #tpu.memory_space<vmem>>[vector<16xi32>, vector<16xi32>], vector<16xf32>,
    %add3A_206 = arith.constant 64 : i32
    %add3A_207 = vector.broadcast %add3A_206 : i32 to vector<16xi32>
    %add3A_208 = arith.addi %add3A_207, %min3A_204 : vector<16xi32>
    %gather3A_209 = tpu.vector_load_idx %arg12[%add3A_125, %add3A_208] : memref<64x256xf32, #tpu.memory_space<vmem>>[vector<16xi32>, vector<16xi32>], vector<16xf32>,
    %add3A_210 = arith.constant 128 : i32
    %add3A_211 = vector.broadcast %add3A_210 : i32 to vector<16xi32>
    %add3A_212 = arith.addi %add3A_211, %min3A_204 : vector<16xi32>
    %gather3A_213 = tpu.vector_load_idx %arg12[%add3A_125, %add3A_212] : memref<64x256xf32, #tpu.memory_space<vmem>>[vector<16xi32>, vector<16xi32>], vector<16xf32>,
    %add3A_214 = arith.constant 129 : i32
    %add3A_215 = vector.broadcast %add3A_214 : i32 to vector<16xi32>
    %add3A_216 = arith.addi %add3A_215, %min3A_204 : vector<16xi32>
    %gather3A_217 = tpu.vector_load_idx %arg12[%add3A_125, %add3A_216] : memref<64x256xf32, #tpu.memory_space<vmem>>[vector<16xi32>, vector<16xi32>], vector<16xf32>,
    %add3A_218 = arith.constant 192 : i32
    %add3A_219 = vector.broadcast %add3A_218 : i32 to vector<16xi32>
    %add3A_220 = arith.addi %add3A_219, %min3A_204 : vector<16xi32>
    %gather3A_221 = tpu.vector_load_idx %arg12[%add3A_125, %add3A_220] : memref<64x256xf32, #tpu.memory_space<vmem>>[vector<16xi32>, vector<16xi32>], vector<16xf32>,
    %sub3A_222 = arith.subf %get3A_127, %gather3A_205 : vector<16xf32>
    %div3A_223 = arith.divf %sub3A_222, %gather3A_209 : vector<16xf32>
    %sub3A_224 = arith.subf %gather3A_217, %gather3A_213 : vector<16xf32>
    %mul3A_225 = arith.constant 5.000000e-01 : f32
    %mul3A_226 = vector.broadcast %mul3A_225 : f32 to vector<16xf32>
    %mul3A_227 = arith.mulf %mul3A_226, %sub3A_224 : vector<16xf32>
    %mul3A_228 = arith.mulf %mul3A_227, %gather3A_209 : vector<16xf32>
    %mul3A_229 = arith.mulf %mul3A_228, %div3A_223 : vector<16xf32>
    %mul3A_230 = arith.mulf %mul3A_229, %div3A_223 : vector<16xf32>
    %mul3A_231 = arith.mulf %gather3A_213, %gather3A_209 : vector<16xf32>
    %mul3A_232 = arith.mulf %mul3A_231, %div3A_223 : vector<16xf32>
    %add3A_233 = arith.addf %mul3A_230, %mul3A_232 : vector<16xf32>
    %add3A_234 = arith.addf %add3A_233, %gather3A_221 : vector<16xf32>
    %max3A_235 = arith.constant 0.000000e+00 : f32
    %max3A_236 = vector.broadcast %max3A_235 : f32 to vector<16xf32>
    %max3A_237 = arith.maximumf %add3A_234, %max3A_236 : vector<16xf32>
    %min3A_238 = arith.constant 1.000000e+00 : f32
    %min3A_239 = vector.broadcast %min3A_238 : f32 to vector<16xf32>
    %min3A_240 = arith.minimumf %max3A_237, %min3A_239 : vector<16xf32>
    %mul3A_241 = arith.mulf %div3A_223, %sub3A_224 : vector<16xf32>
    %add3A_242 = arith.addf %gather3A_213, %mul3A_241 : vector<16xf32>
    %swap3A_243 = arith.constant 16 : index
    %swap3A_244 = tpu.vector_load %arg9[%swap3A_243] {strides = array<i32>} : memref<64xf32, #tpu.memory_space<vmem>>, vector<16xf32>,
    tpu.vector_store %arg9[%swap3A_243], %min3A_240 {strides = array<i32>} : memref<64xf32, #tpu.memory_space<vmem>>, vector<16xf32>,
    %swap3A_245 = arith.constant 16 : index
    %swap3A_246 = tpu.vector_load %arg10[%swap3A_245] {strides = array<i32>} : memref<64xf32, #tpu.memory_space<vmem>>, vector<16xf32>,
    tpu.vector_store %arg10[%swap3A_245], %add3A_242 {strides = array<i32>} : memref<64xf32, #tpu.memory_space<vmem>>, vector<16xf32>,
    %add3A_247 = arith.constant 32 : i32
    %add3A_248 = vector.broadcast %add3A_247 : i32 to vector<16xi32>
    %add3A_249 = arith.addi %iota3A, %add3A_248 : vector<16xi32>
    %get3A_250 = arith.constant 32 : index
    %get3A_251 = tpu.vector_load %arg9[%get3A_250] {strides = array<i32>} : memref<64xf32, #tpu.memory_space<vmem>>, vector<16xf32>,
    %broadcast_in_dim3A_252 = arith.constant 0 : i32
    %broadcast_in_dim3A_253 = vector.broadcast %broadcast_in_dim3A_252 : i32 to vector<16xi32>
    %add3A_254 = arith.constant 31 : i32
    %add3A_255 = vector.broadcast %add3A_254 : i32 to vector<16xi32>
    %add3A_256 = arith.addi %broadcast_in_dim3A_253, %add3A_255 : vector<16xi32>
    %gather3A_257 = tpu.vector_load_idx %arg12[%add3A_249, %add3A_256] : memref<64x256xf32, #tpu.memory_space<vmem>>[vector<16xi32>, vector<16xi32>], vector<16xf32>,
    %lt3A_258 = arith.cmpf olt, %gather3A_257, %get3A_251 : vector<16xf32>
    %jit3A_259 = arith.constant 32 : i32
    %jit3A_260 = arith.constant 0 : i32
    %broadcast_in_dim3A_261 = vector.broadcast %jit3A_259 : i32 to vector<16xi32>
    %broadcast_in_dim3A_262 = vector.broadcast %jit3A_260 : i32 to vector<16xi32>
    %select_n3A_263 = arith.select %lt3A_258, %broadcast_in_dim3A_261, %broadcast_in_dim3A_262 : vector<16xi1>, vector<16xi32>
    %add3A_264 = arith.addi %broadcast_in_dim3A_253, %select_n3A_263 : vector<16xi32>
    %add3A_265 = arith.constant 15 : i32
    %add3A_266 = vector.broadcast %add3A_265 : i32 to vector<16xi32>
    %add3A_267 = arith.addi %add3A_264, %add3A_266 : vector<16xi32>
    %gather3A_268 = tpu.vector_load_idx %arg12[%add3A_249, %add3A_267] : memref<64x256xf32, #tpu.memory_space<vmem>>[vector<16xi32>, vector<16xi32>], vector<16xf32>,
    %lt3A_269 = arith.cmpf olt, %gather3A_268, %get3A_251 : vector<16xf32>
    %jit3A_270 = arith.constant 16 : i32
    %jit3A_271 = arith.constant 0 : i32
    %broadcast_in_dim3A_272 = vector.broadcast %jit3A_270 : i32 to vector<16xi32>
    %broadcast_in_dim3A_273 = vector.broadcast %jit3A_271 : i32 to vector<16xi32>
    %select_n3A_274 = arith.select %lt3A_269, %broadcast_in_dim3A_272, %broadcast_in_dim3A_273 : vector<16xi1>, vector<16xi32>
    %add3A_275 = arith.addi %add3A_264, %select_n3A_274 : vector<16xi32>
    %add3A_276 = arith.constant 7 : i32
    %add3A_277 = vector.broadcast %add3A_276 : i32 to vector<16xi32>
    %add3A_278 = arith.addi %add3A_275, %add3A_277 : vector<16xi32>
    %gather3A_279 = tpu.vector_load_idx %arg12[%add3A_249, %add3A_278] : memref<64x256xf32, #tpu.memory_space<vmem>>[vector<16xi32>, vector<16xi32>], vector<16xf32>,
    %lt3A_280 = arith.cmpf olt, %gather3A_279, %get3A_251 : vector<16xf32>
    %jit3A_281 = arith.constant 8 : i32
    %jit3A_282 = arith.constant 0 : i32
    %broadcast_in_dim3A_283 = vector.broadcast %jit3A_281 : i32 to vector<16xi32>
    %broadcast_in_dim3A_284 = vector.broadcast %jit3A_282 : i32 to vector<16xi32>
    %select_n3A_285 = arith.select %lt3A_280, %broadcast_in_dim3A_283, %broadcast_in_dim3A_284 : vector<16xi1>, vector<16xi32>
    %add3A_286 = arith.addi %add3A_275, %select_n3A_285 : vector<16xi32>
    %add3A_287 = arith.constant 3 : i32
    %add3A_288 = vector.broadcast %add3A_287 : i32 to vector<16xi32>
    %add3A_289 = arith.addi %add3A_286, %add3A_288 : vector<16xi32>
    %gather3A_290 = tpu.vector_load_idx %arg12[%add3A_249, %add3A_289] : memref<64x256xf32, #tpu.memory_space<vmem>>[vector<16xi32>, vector<16xi32>], vector<16xf32>,
    %lt3A_291 = arith.cmpf olt, %gather3A_290, %get3A_251 : vector<16xf32>
    %jit3A_292 = arith.constant 4 : i32
    %jit3A_293 = arith.constant 0 : i32
    %broadcast_in_dim3A_294 = vector.broadcast %jit3A_292 : i32 to vector<16xi32>
    %broadcast_in_dim3A_295 = vector.broadcast %jit3A_293 : i32 to vector<16xi32>
    %select_n3A_296 = arith.select %lt3A_291, %broadcast_in_dim3A_294, %broadcast_in_dim3A_295 : vector<16xi1>, vector<16xi32>
    %add3A_297 = arith.addi %add3A_286, %select_n3A_296 : vector<16xi32>
    %add3A_298 = arith.constant 1 : i32
    %add3A_299 = vector.broadcast %add3A_298 : i32 to vector<16xi32>
    %add3A_300 = arith.addi %add3A_297, %add3A_299 : vector<16xi32>
    %gather3A_301 = tpu.vector_load_idx %arg12[%add3A_249, %add3A_300] : memref<64x256xf32, #tpu.memory_space<vmem>>[vector<16xi32>, vector<16xi32>], vector<16xf32>,
    %lt3A_302 = arith.cmpf olt, %gather3A_301, %get3A_251 : vector<16xf32>
    %jit3A_303 = arith.constant 2 : i32
    %jit3A_304 = arith.constant 0 : i32
    %broadcast_in_dim3A_305 = vector.broadcast %jit3A_303 : i32 to vector<16xi32>
    %broadcast_in_dim3A_306 = vector.broadcast %jit3A_304 : i32 to vector<16xi32>
    %select_n3A_307 = arith.select %lt3A_302, %broadcast_in_dim3A_305, %broadcast_in_dim3A_306 : vector<16xi1>, vector<16xi32>
    %add3A_308 = arith.addi %add3A_297, %select_n3A_307 : vector<16xi32>
    %add3A_309 = arith.constant 0 : i32
    %add3A_310 = vector.broadcast %add3A_309 : i32 to vector<16xi32>
    %add3A_311 = arith.addi %add3A_308, %add3A_310 : vector<16xi32>
    %gather3A_312 = tpu.vector_load_idx %arg12[%add3A_249, %add3A_311] : memref<64x256xf32, #tpu.memory_space<vmem>>[vector<16xi32>, vector<16xi32>], vector<16xf32>,
    %lt3A_313 = arith.cmpf olt, %gather3A_312, %get3A_251 : vector<16xf32>
    %jit3A_314 = arith.constant 1 : i32
    %jit3A_315 = arith.constant 0 : i32
    %broadcast_in_dim3A_316 = vector.broadcast %jit3A_314 : i32 to vector<16xi32>
    %broadcast_in_dim3A_317 = vector.broadcast %jit3A_315 : i32 to vector<16xi32>
    %select_n3A_318 = arith.select %lt3A_313, %broadcast_in_dim3A_316, %broadcast_in_dim3A_317 : vector<16xi1>, vector<16xi32>
    %add3A_319 = arith.addi %add3A_308, %select_n3A_318 : vector<16xi32>
    %sub3A_320 = arith.constant 1 : i32
    %sub3A_321 = vector.broadcast %sub3A_320 : i32 to vector<16xi32>
    %sub3A_322 = arith.subi %add3A_319, %sub3A_321 : vector<16xi32>
    %max3A_323 = arith.constant 0 : i32
    %max3A_324 = vector.broadcast %max3A_323 : i32 to vector<16xi32>
    %max3A_325 = arith.maxsi %sub3A_322, %max3A_324 : vector<16xi32>
    %min3A_326 = arith.constant 62 : i32
    %min3A_327 = vector.broadcast %min3A_326 : i32 to vector<16xi32>
    %min3A_328 = arith.minsi %max3A_325, %min3A_327 : vector<16xi32>
    %gather3A_329 = tpu.vector_load_idx %arg12[%add3A_249, %min3A_328] : memref<64x256xf32, #tpu.memory_space<vmem>>[vector<16xi32>, vector<16xi32>], vector<16xf32>,
    %add3A_330 = arith.constant 64 : i32
    %add3A_331 = vector.broadcast %add3A_330 : i32 to vector<16xi32>
    %add3A_332 = arith.addi %add3A_331, %min3A_328 : vector<16xi32>
    %gather3A_333 = tpu.vector_load_idx %arg12[%add3A_249, %add3A_332] : memref<64x256xf32, #tpu.memory_space<vmem>>[vector<16xi32>, vector<16xi32>], vector<16xf32>,
    %add3A_334 = arith.constant 128 : i32
    %add3A_335 = vector.broadcast %add3A_334 : i32 to vector<16xi32>
    %add3A_336 = arith.addi %add3A_335, %min3A_328 : vector<16xi32>
    %gather3A_337 = tpu.vector_load_idx %arg12[%add3A_249, %add3A_336] : memref<64x256xf32, #tpu.memory_space<vmem>>[vector<16xi32>, vector<16xi32>], vector<16xf32>,
    %add3A_338 = arith.constant 129 : i32
    %add3A_339 = vector.broadcast %add3A_338 : i32 to vector<16xi32>
    %add3A_340 = arith.addi %add3A_339, %min3A_328 : vector<16xi32>
    %gather3A_341 = tpu.vector_load_idx %arg12[%add3A_249, %add3A_340] : memref<64x256xf32, #tpu.memory_space<vmem>>[vector<16xi32>, vector<16xi32>], vector<16xf32>,
    %add3A_342 = arith.constant 192 : i32
    %add3A_343 = vector.broadcast %add3A_342 : i32 to vector<16xi32>
    %add3A_344 = arith.addi %add3A_343, %min3A_328 : vector<16xi32>
    %gather3A_345 = tpu.vector_load_idx %arg12[%add3A_249, %add3A_344] : memref<64x256xf32, #tpu.memory_space<vmem>>[vector<16xi32>, vector<16xi32>], vector<16xf32>,
    %sub3A_346 = arith.subf %get3A_251, %gather3A_329 : vector<16xf32>
    %div3A_347 = arith.divf %sub3A_346, %gather3A_333 : vector<16xf32>
    %sub3A_348 = arith.subf %gather3A_341, %gather3A_337 : vector<16xf32>
    %mul3A_349 = arith.constant 5.000000e-01 : f32
    %mul3A_350 = vector.broadcast %mul3A_349 : f32 to vector<16xf32>
    %mul3A_351 = arith.mulf %mul3A_350, %sub3A_348 : vector<16xf32>
    %mul3A_352 = arith.mulf %mul3A_351, %gather3A_333 : vector<16xf32>
    %mul3A_353 = arith.mulf %mul3A_352, %div3A_347 : vector<16xf32>
    %mul3A_354 = arith.mulf %mul3A_353, %div3A_347 : vector<16xf32>
    %mul3A_355 = arith.mulf %gather3A_337, %gather3A_333 : vector<16xf32>
    %mul3A_356 = arith.mulf %mul3A_355, %div3A_347 : vector<16xf32>
    %add3A_357 = arith.addf %mul3A_354, %mul3A_356 : vector<16xf32>
    %add3A_358 = arith.addf %add3A_357, %gather3A_345 : vector<16xf32>
    %max3A_359 = arith.constant 0.000000e+00 : f32
    %max3A_360 = vector.broadcast %max3A_359 : f32 to vector<16xf32>
    %max3A_361 = arith.maximumf %add3A_358, %max3A_360 : vector<16xf32>
    %min3A_362 = arith.constant 1.000000e+00 : f32
    %min3A_363 = vector.broadcast %min3A_362 : f32 to vector<16xf32>
    %min3A_364 = arith.minimumf %max3A_361, %min3A_363 : vector<16xf32>
    %mul3A_365 = arith.mulf %div3A_347, %sub3A_348 : vector<16xf32>
    %add3A_366 = arith.addf %gather3A_337, %mul3A_365 : vector<16xf32>
    %swap3A_367 = arith.constant 32 : index
    %swap3A_368 = tpu.vector_load %arg9[%swap3A_367] {strides = array<i32>} : memref<64xf32, #tpu.memory_space<vmem>>, vector<16xf32>,
    tpu.vector_store %arg9[%swap3A_367], %min3A_364 {strides = array<i32>} : memref<64xf32, #tpu.memory_space<vmem>>, vector<16xf32>,
    %swap3A_369 = arith.constant 32 : index
    %swap3A_370 = tpu.vector_load %arg10[%swap3A_369] {strides = array<i32>} : memref<64xf32, #tpu.memory_space<vmem>>, vector<16xf32>,
    tpu.vector_store %arg10[%swap3A_369], %add3A_366 {strides = array<i32>} : memref<64xf32, #tpu.memory_space<vmem>>, vector<16xf32>,
    %add3A_371 = arith.constant 48 : i32
    %add3A_372 = vector.broadcast %add3A_371 : i32 to vector<16xi32>
    %add3A_373 = arith.addi %iota3A, %add3A_372 : vector<16xi32>
    %get3A_374 = arith.constant 48 : index
    %get3A_375 = tpu.vector_load %arg9[%get3A_374] {strides = array<i32>} : memref<64xf32, #tpu.memory_space<vmem>>, vector<16xf32>,
    %broadcast_in_dim3A_376 = arith.constant 0 : i32
    %broadcast_in_dim3A_377 = vector.broadcast %broadcast_in_dim3A_376 : i32 to vector<16xi32>
    %add3A_378 = arith.constant 31 : i32
    %add3A_379 = vector.broadcast %add3A_378 : i32 to vector<16xi32>
    %add3A_380 = arith.addi %broadcast_in_dim3A_377, %add3A_379 : vector<16xi32>
    %gather3A_381 = tpu.vector_load_idx %arg12[%add3A_373, %add3A_380] : memref<64x256xf32, #tpu.memory_space<vmem>>[vector<16xi32>, vector<16xi32>], vector<16xf32>,
    %lt3A_382 = arith.cmpf olt, %gather3A_381, %get3A_375 : vector<16xf32>
    %jit3A_383 = arith.constant 32 : i32
    %jit3A_384 = arith.constant 0 : i32
    %broadcast_in_dim3A_385 = vector.broadcast %jit3A_383 : i32 to vector<16xi32>
    %broadcast_in_dim3A_386 = vector.broadcast %jit3A_384 : i32 to vector<16xi32>
    %select_n3A_387 = arith.select %lt3A_382, %broadcast_in_dim3A_385, %broadcast_in_dim3A_386 : vector<16xi1>, vector<16xi32>
    %add3A_388 = arith.addi %broadcast_in_dim3A_377, %select_n3A_387 : vector<16xi32>
    %add3A_389 = arith.constant 15 : i32
    %add3A_390 = vector.broadcast %add3A_389 : i32 to vector<16xi32>
    %add3A_391 = arith.addi %add3A_388, %add3A_390 : vector<16xi32>
    %gather3A_392 = tpu.vector_load_idx %arg12[%add3A_373, %add3A_391] : memref<64x256xf32, #tpu.memory_space<vmem>>[vector<16xi32>, vector<16xi32>], vector<16xf32>,
    %lt3A_393 = arith.cmpf olt, %gather3A_392, %get3A_375 : vector<16xf32>
    %jit3A_394 = arith.constant 16 : i32
    %jit3A_395 = arith.constant 0 : i32
    %broadcast_in_dim3A_396 = vector.broadcast %jit3A_394 : i32 to vector<16xi32>
    %broadcast_in_dim3A_397 = vector.broadcast %jit3A_395 : i32 to vector<16xi32>
    %select_n3A_398 = arith.select %lt3A_393, %broadcast_in_dim3A_396, %broadcast_in_dim3A_397 : vector<16xi1>, vector<16xi32>
    %add3A_399 = arith.addi %add3A_388, %select_n3A_398 : vector<16xi32>
    %add3A_400 = arith.constant 7 : i32
    %add3A_401 = vector.broadcast %add3A_400 : i32 to vector<16xi32>
    %add3A_402 = arith.addi %add3A_399, %add3A_401 : vector<16xi32>
    %gather3A_403 = tpu.vector_load_idx %arg12[%add3A_373, %add3A_402] : memref<64x256xf32, #tpu.memory_space<vmem>>[vector<16xi32>, vector<16xi32>], vector<16xf32>,
    %lt3A_404 = arith.cmpf olt, %gather3A_403, %get3A_375 : vector<16xf32>
    %jit3A_405 = arith.constant 8 : i32
    %jit3A_406 = arith.constant 0 : i32
    %broadcast_in_dim3A_407 = vector.broadcast %jit3A_405 : i32 to vector<16xi32>
    %broadcast_in_dim3A_408 = vector.broadcast %jit3A_406 : i32 to vector<16xi32>
    %select_n3A_409 = arith.select %lt3A_404, %broadcast_in_dim3A_407, %broadcast_in_dim3A_408 : vector<16xi1>, vector<16xi32>
    %add3A_410 = arith.addi %add3A_399, %select_n3A_409 : vector<16xi32>
    %add3A_411 = arith.constant 3 : i32
    %add3A_412 = vector.broadcast %add3A_411 : i32 to vector<16xi32>
    %add3A_413 = arith.addi %add3A_410, %add3A_412 : vector<16xi32>
    %gather3A_414 = tpu.vector_load_idx %arg12[%add3A_373, %add3A_413] : memref<64x256xf32, #tpu.memory_space<vmem>>[vector<16xi32>, vector<16xi32>], vector<16xf32>,
    %lt3A_415 = arith.cmpf olt, %gather3A_414, %get3A_375 : vector<16xf32>
    %jit3A_416 = arith.constant 4 : i32
    %jit3A_417 = arith.constant 0 : i32
    %broadcast_in_dim3A_418 = vector.broadcast %jit3A_416 : i32 to vector<16xi32>
    %broadcast_in_dim3A_419 = vector.broadcast %jit3A_417 : i32 to vector<16xi32>
    %select_n3A_420 = arith.select %lt3A_415, %broadcast_in_dim3A_418, %broadcast_in_dim3A_419 : vector<16xi1>, vector<16xi32>
    %add3A_421 = arith.addi %add3A_410, %select_n3A_420 : vector<16xi32>
    %add3A_422 = arith.constant 1 : i32
    %add3A_423 = vector.broadcast %add3A_422 : i32 to vector<16xi32>
    %add3A_424 = arith.addi %add3A_421, %add3A_423 : vector<16xi32>
    %gather3A_425 = tpu.vector_load_idx %arg12[%add3A_373, %add3A_424] : memref<64x256xf32, #tpu.memory_space<vmem>>[vector<16xi32>, vector<16xi32>], vector<16xf32>,
    %lt3A_426 = arith.cmpf olt, %gather3A_425, %get3A_375 : vector<16xf32>
    %jit3A_427 = arith.constant 2 : i32
    %jit3A_428 = arith.constant 0 : i32
    %broadcast_in_dim3A_429 = vector.broadcast %jit3A_427 : i32 to vector<16xi32>
    %broadcast_in_dim3A_430 = vector.broadcast %jit3A_428 : i32 to vector<16xi32>
    %select_n3A_431 = arith.select %lt3A_426, %broadcast_in_dim3A_429, %broadcast_in_dim3A_430 : vector<16xi1>, vector<16xi32>
    %add3A_432 = arith.addi %add3A_421, %select_n3A_431 : vector<16xi32>
    %add3A_433 = arith.constant 0 : i32
    %add3A_434 = vector.broadcast %add3A_433 : i32 to vector<16xi32>
    %add3A_435 = arith.addi %add3A_432, %add3A_434 : vector<16xi32>
    %gather3A_436 = tpu.vector_load_idx %arg12[%add3A_373, %add3A_435] : memref<64x256xf32, #tpu.memory_space<vmem>>[vector<16xi32>, vector<16xi32>], vector<16xf32>,
    %lt3A_437 = arith.cmpf olt, %gather3A_436, %get3A_375 : vector<16xf32>
    %jit3A_438 = arith.constant 1 : i32
    %jit3A_439 = arith.constant 0 : i32
    %broadcast_in_dim3A_440 = vector.broadcast %jit3A_438 : i32 to vector<16xi32>
    %broadcast_in_dim3A_441 = vector.broadcast %jit3A_439 : i32 to vector<16xi32>
    %select_n3A_442 = arith.select %lt3A_437, %broadcast_in_dim3A_440, %broadcast_in_dim3A_441 : vector<16xi1>, vector<16xi32>
    %add3A_443 = arith.addi %add3A_432, %select_n3A_442 : vector<16xi32>
    %sub3A_444 = arith.constant 1 : i32
    %sub3A_445 = vector.broadcast %sub3A_444 : i32 to vector<16xi32>
    %sub3A_446 = arith.subi %add3A_443, %sub3A_445 : vector<16xi32>
    %max3A_447 = arith.constant 0 : i32
    %max3A_448 = vector.broadcast %max3A_447 : i32 to vector<16xi32>
    %max3A_449 = arith.maxsi %sub3A_446, %max3A_448 : vector<16xi32>
    %min3A_450 = arith.constant 62 : i32
    %min3A_451 = vector.broadcast %min3A_450 : i32 to vector<16xi32>
    %min3A_452 = arith.minsi %max3A_449, %min3A_451 : vector<16xi32>
    %gather3A_453 = tpu.vector_load_idx %arg12[%add3A_373, %min3A_452] : memref<64x256xf32, #tpu.memory_space<vmem>>[vector<16xi32>, vector<16xi32>], vector<16xf32>,
    %add3A_454 = arith.constant 64 : i32
    %add3A_455 = vector.broadcast %add3A_454 : i32 to vector<16xi32>
    %add3A_456 = arith.addi %add3A_455, %min3A_452 : vector<16xi32>
    %gather3A_457 = tpu.vector_load_idx %arg12[%add3A_373, %add3A_456] : memref<64x256xf32, #tpu.memory_space<vmem>>[vector<16xi32>, vector<16xi32>], vector<16xf32>,
    %add3A_458 = arith.constant 128 : i32
    %add3A_459 = vector.broadcast %add3A_458 : i32 to vector<16xi32>
    %add3A_460 = arith.addi %add3A_459, %min3A_452 : vector<16xi32>
    %gather3A_461 = tpu.vector_load_idx %arg12[%add3A_373, %add3A_460] : memref<64x256xf32, #tpu.memory_space<vmem>>[vector<16xi32>, vector<16xi32>], vector<16xf32>,
    %add3A_462 = arith.constant 129 : i32
    %add3A_463 = vector.broadcast %add3A_462 : i32 to vector<16xi32>
    %add3A_464 = arith.addi %add3A_463, %min3A_452 : vector<16xi32>
    %gather3A_465 = tpu.vector_load_idx %arg12[%add3A_373, %add3A_464] : memref<64x256xf32, #tpu.memory_space<vmem>>[vector<16xi32>, vector<16xi32>], vector<16xf32>,
    %add3A_466 = arith.constant 192 : i32
    %add3A_467 = vector.broadcast %add3A_466 : i32 to vector<16xi32>
    %add3A_468 = arith.addi %add3A_467, %min3A_452 : vector<16xi32>
    %gather3A_469 = tpu.vector_load_idx %arg12[%add3A_373, %add3A_468] : memref<64x256xf32, #tpu.memory_space<vmem>>[vector<16xi32>, vector<16xi32>], vector<16xf32>,
    %sub3A_470 = arith.subf %get3A_375, %gather3A_453 : vector<16xf32>
    %div3A_471 = arith.divf %sub3A_470, %gather3A_457 : vector<16xf32>
    %sub3A_472 = arith.subf %gather3A_465, %gather3A_461 : vector<16xf32>
    %mul3A_473 = arith.constant 5.000000e-01 : f32
    %mul3A_474 = vector.broadcast %mul3A_473 : f32 to vector<16xf32>
    %mul3A_475 = arith.mulf %mul3A_474, %sub3A_472 : vector<16xf32>
    %mul3A_476 = arith.mulf %mul3A_475, %gather3A_457 : vector<16xf32>
    %mul3A_477 = arith.mulf %mul3A_476, %div3A_471 : vector<16xf32>
    %mul3A_478 = arith.mulf %mul3A_477, %div3A_471 : vector<16xf32>
    %mul3A_479 = arith.mulf %gather3A_461, %gather3A_457 : vector<16xf32>
    %mul3A_480 = arith.mulf %mul3A_479, %div3A_471 : vector<16xf32>
    %add3A_481 = arith.addf %mul3A_478, %mul3A_480 : vector<16xf32>
    %add3A_482 = arith.addf %add3A_481, %gather3A_469 : vector<16xf32>
    %max3A_483 = arith.constant 0.000000e+00 : f32
    %max3A_484 = vector.broadcast %max3A_483 : f32 to vector<16xf32>
    %max3A_485 = arith.maximumf %add3A_482, %max3A_484 : vector<16xf32>
    %min3A_486 = arith.constant 1.000000e+00 : f32
    %min3A_487 = vector.broadcast %min3A_486 : f32 to vector<16xf32>
    %min3A_488 = arith.minimumf %max3A_485, %min3A_487 : vector<16xf32>
    %mul3A_489 = arith.mulf %div3A_471, %sub3A_472 : vector<16xf32>
    %add3A_490 = arith.addf %gather3A_461, %mul3A_489 : vector<16xf32>
    %swap3A_491 = arith.constant 48 : index
    %swap3A_492 = tpu.vector_load %arg9[%swap3A_491] {strides = array<i32>} : memref<64xf32, #tpu.memory_space<vmem>>, vector<16xf32>,
    tpu.vector_store %arg9[%swap3A_491], %min3A_488 {strides = array<i32>} : memref<64xf32, #tpu.memory_space<vmem>>, vector<16xf32>,
    %swap3A_493 = arith.constant 48 : index
    %swap3A_494 = tpu.vector_load %arg10[%swap3A_493] {strides = array<i32>} : memref<64xf32, #tpu.memory_space<vmem>>, vector<16xf32>,
    tpu.vector_store %arg10[%swap3A_493], %add3A_490 {strides = array<i32>} : memref<64xf32, #tpu.memory_space<vmem>>, vector<16xf32>,
    %dma_wait3A_495 = arith.constant 0 : i32
    %dma_wait3A_496 = arith.constant 0 : i32
    %dma_wait3A_497 = tpu.memref_slice %arg5[%dma_wait3A_495, %dma_wait3A_496] : memref<2048x128xf32, #tpu.memory_space<hbm>> -> memref<2048x128xf32, #tpu.memory_space<hbm>>
    tpu.wait_indirect_dma semaphore(%arg15 : memref<!tpu.dma_semaphore, #tpu.memory_space<semaphore_mem>>) src(%dma_wait3A_497 : memref<2048x128xf32, #tpu.memory_space<hbm>>) dst(%arg13 : memref<64x128xf32, #tpu.memory_space<vmem>>)
    %add3A_498 = arith.constant 0 : i32
    %add3A_499 = vector.broadcast %add3A_498 : i32 to vector<16xi32>
    %add3A_500 = arith.addi %iota3A, %add3A_499 : vector<16xi32>
    %get3A_501 = arith.constant 0 : index
    %get3A_502 = tpu.vector_load %arg9[%get3A_501] {strides = array<i32>} : memref<64xf32, #tpu.memory_space<vmem>>, vector<16xf32>,
    %broadcast_in_dim3A_503 = arith.constant 0 : i32
    %broadcast_in_dim3A_504 = vector.broadcast %broadcast_in_dim3A_503 : i32 to vector<16xi32>
    %add3A_505 = arith.constant 15 : i32
    %add3A_506 = vector.broadcast %add3A_505 : i32 to vector<16xi32>
    %add3A_507 = arith.addi %broadcast_in_dim3A_504, %add3A_506 : vector<16xi32>
    %gather3A_508 = tpu.vector_load_idx %arg13[%add3A_500, %add3A_507] : memref<64x128xf32, #tpu.memory_space<vmem>>[vector<16xi32>, vector<16xi32>], vector<16xf32>,
    %lt3A_509 = arith.cmpf olt, %gather3A_508, %get3A_502 : vector<16xf32>
    %jit3A_510 = arith.constant 16 : i32
    %jit3A_511 = arith.constant 0 : i32
    %broadcast_in_dim3A_512 = vector.broadcast %jit3A_510 : i32 to vector<16xi32>
    %broadcast_in_dim3A_513 = vector.broadcast %jit3A_511 : i32 to vector<16xi32>
    %select_n3A_514 = arith.select %lt3A_509, %broadcast_in_dim3A_512, %broadcast_in_dim3A_513 : vector<16xi1>, vector<16xi32>
    %add3A_515 = arith.addi %broadcast_in_dim3A_504, %select_n3A_514 : vector<16xi32>
    %add3A_516 = arith.constant 7 : i32
    %add3A_517 = vector.broadcast %add3A_516 : i32 to vector<16xi32>
    %add3A_518 = arith.addi %add3A_515, %add3A_517 : vector<16xi32>
    %gather3A_519 = tpu.vector_load_idx %arg13[%add3A_500, %add3A_518] : memref<64x128xf32, #tpu.memory_space<vmem>>[vector<16xi32>, vector<16xi32>], vector<16xf32>,
    %lt3A_520 = arith.cmpf olt, %gather3A_519, %get3A_502 : vector<16xf32>
    %jit3A_521 = arith.constant 8 : i32
    %jit3A_522 = arith.constant 0 : i32
    %broadcast_in_dim3A_523 = vector.broadcast %jit3A_521 : i32 to vector<16xi32>
    %broadcast_in_dim3A_524 = vector.broadcast %jit3A_522 : i32 to vector<16xi32>
    %select_n3A_525 = arith.select %lt3A_520, %broadcast_in_dim3A_523, %broadcast_in_dim3A_524 : vector<16xi1>, vector<16xi32>
    %add3A_526 = arith.addi %add3A_515, %select_n3A_525 : vector<16xi32>
    %add3A_527 = arith.constant 3 : i32
    %add3A_528 = vector.broadcast %add3A_527 : i32 to vector<16xi32>
    %add3A_529 = arith.addi %add3A_526, %add3A_528 : vector<16xi32>
    %gather3A_530 = tpu.vector_load_idx %arg13[%add3A_500, %add3A_529] : memref<64x128xf32, #tpu.memory_space<vmem>>[vector<16xi32>, vector<16xi32>], vector<16xf32>,
    %lt3A_531 = arith.cmpf olt, %gather3A_530, %get3A_502 : vector<16xf32>
    %jit3A_532 = arith.constant 4 : i32
    %jit3A_533 = arith.constant 0 : i32
    %broadcast_in_dim3A_534 = vector.broadcast %jit3A_532 : i32 to vector<16xi32>
    %broadcast_in_dim3A_535 = vector.broadcast %jit3A_533 : i32 to vector<16xi32>
    %select_n3A_536 = arith.select %lt3A_531, %broadcast_in_dim3A_534, %broadcast_in_dim3A_535 : vector<16xi1>, vector<16xi32>
    %add3A_537 = arith.addi %add3A_526, %select_n3A_536 : vector<16xi32>
    %add3A_538 = arith.constant 1 : i32
    %add3A_539 = vector.broadcast %add3A_538 : i32 to vector<16xi32>
    %add3A_540 = arith.addi %add3A_537, %add3A_539 : vector<16xi32>
    %gather3A_541 = tpu.vector_load_idx %arg13[%add3A_500, %add3A_540] : memref<64x128xf32, #tpu.memory_space<vmem>>[vector<16xi32>, vector<16xi32>], vector<16xf32>,
    %lt3A_542 = arith.cmpf olt, %gather3A_541, %get3A_502 : vector<16xf32>
    %jit3A_543 = arith.constant 2 : i32
    %jit3A_544 = arith.constant 0 : i32
    %broadcast_in_dim3A_545 = vector.broadcast %jit3A_543 : i32 to vector<16xi32>
    %broadcast_in_dim3A_546 = vector.broadcast %jit3A_544 : i32 to vector<16xi32>
    %select_n3A_547 = arith.select %lt3A_542, %broadcast_in_dim3A_545, %broadcast_in_dim3A_546 : vector<16xi1>, vector<16xi32>
    %add3A_548 = arith.addi %add3A_537, %select_n3A_547 : vector<16xi32>
    %add3A_549 = arith.constant 0 : i32
    %add3A_550 = vector.broadcast %add3A_549 : i32 to vector<16xi32>
    %add3A_551 = arith.addi %add3A_548, %add3A_550 : vector<16xi32>
    %gather3A_552 = tpu.vector_load_idx %arg13[%add3A_500, %add3A_551] : memref<64x128xf32, #tpu.memory_space<vmem>>[vector<16xi32>, vector<16xi32>], vector<16xf32>,
    %lt3A_553 = arith.cmpf olt, %gather3A_552, %get3A_502 : vector<16xf32>
    %jit3A_554 = arith.constant 1 : i32
    %jit3A_555 = arith.constant 0 : i32
    %broadcast_in_dim3A_556 = vector.broadcast %jit3A_554 : i32 to vector<16xi32>
    %broadcast_in_dim3A_557 = vector.broadcast %jit3A_555 : i32 to vector<16xi32>
    %select_n3A_558 = arith.select %lt3A_553, %broadcast_in_dim3A_556, %broadcast_in_dim3A_557 : vector<16xi1>, vector<16xi32>
    %add3A_559 = arith.addi %add3A_548, %select_n3A_558 : vector<16xi32>
    %sub3A_560 = arith.constant 1 : i32
    %sub3A_561 = vector.broadcast %sub3A_560 : i32 to vector<16xi32>
    %sub3A_562 = arith.subi %add3A_559, %sub3A_561 : vector<16xi32>
    %max3A_563 = arith.constant 0 : i32
    %max3A_564 = vector.broadcast %max3A_563 : i32 to vector<16xi32>
    %max3A_565 = arith.maxsi %sub3A_562, %max3A_564 : vector<16xi32>
    %min3A_566 = arith.constant 30 : i32
    %min3A_567 = vector.broadcast %min3A_566 : i32 to vector<16xi32>
    %min3A_568 = arith.minsi %max3A_565, %min3A_567 : vector<16xi32>
    %gather3A_569 = tpu.vector_load_idx %arg13[%add3A_500, %min3A_568] : memref<64x128xf32, #tpu.memory_space<vmem>>[vector<16xi32>, vector<16xi32>], vector<16xf32>,
    %add3A_570 = arith.constant 32 : i32
    %add3A_571 = vector.broadcast %add3A_570 : i32 to vector<16xi32>
    %add3A_572 = arith.addi %add3A_571, %min3A_568 : vector<16xi32>
    %gather3A_573 = tpu.vector_load_idx %arg13[%add3A_500, %add3A_572] : memref<64x128xf32, #tpu.memory_space<vmem>>[vector<16xi32>, vector<16xi32>], vector<16xf32>,
    %add3A_574 = arith.constant 64 : i32
    %add3A_575 = vector.broadcast %add3A_574 : i32 to vector<16xi32>
    %add3A_576 = arith.addi %add3A_575, %min3A_568 : vector<16xi32>
    %gather3A_577 = tpu.vector_load_idx %arg13[%add3A_500, %add3A_576] : memref<64x128xf32, #tpu.memory_space<vmem>>[vector<16xi32>, vector<16xi32>], vector<16xf32>,
    %add3A_578 = arith.constant 65 : i32
    %add3A_579 = vector.broadcast %add3A_578 : i32 to vector<16xi32>
    %add3A_580 = arith.addi %add3A_579, %min3A_568 : vector<16xi32>
    %gather3A_581 = tpu.vector_load_idx %arg13[%add3A_500, %add3A_580] : memref<64x128xf32, #tpu.memory_space<vmem>>[vector<16xi32>, vector<16xi32>], vector<16xf32>,
    %add3A_582 = arith.constant 96 : i32
    %add3A_583 = vector.broadcast %add3A_582 : i32 to vector<16xi32>
    %add3A_584 = arith.addi %add3A_583, %min3A_568 : vector<16xi32>
    %gather3A_585 = tpu.vector_load_idx %arg13[%add3A_500, %add3A_584] : memref<64x128xf32, #tpu.memory_space<vmem>>[vector<16xi32>, vector<16xi32>], vector<16xf32>,
    %sub3A_586 = arith.subf %get3A_502, %gather3A_569 : vector<16xf32>
    %div3A_587 = arith.divf %sub3A_586, %gather3A_573 : vector<16xf32>
    %sub3A_588 = arith.subf %gather3A_581, %gather3A_577 : vector<16xf32>
    %mul3A_589 = arith.constant 5.000000e-01 : f32
    %mul3A_590 = vector.broadcast %mul3A_589 : f32 to vector<16xf32>
    %mul3A_591 = arith.mulf %mul3A_590, %sub3A_588 : vector<16xf32>
    %mul3A_592 = arith.mulf %mul3A_591, %gather3A_573 : vector<16xf32>
    %mul3A_593 = arith.mulf %mul3A_592, %div3A_587 : vector<16xf32>
    %mul3A_594 = arith.mulf %mul3A_593, %div3A_587 : vector<16xf32>
    %mul3A_595 = arith.mulf %gather3A_577, %gather3A_573 : vector<16xf32>
    %mul3A_596 = arith.mulf %mul3A_595, %div3A_587 : vector<16xf32>
    %add3A_597 = arith.addf %mul3A_594, %mul3A_596 : vector<16xf32>
    %add3A_598 = arith.addf %add3A_597, %gather3A_585 : vector<16xf32>
    %max3A_599 = arith.constant 0.000000e+00 : f32
    %max3A_600 = vector.broadcast %max3A_599 : f32 to vector<16xf32>
    %max3A_601 = arith.maximumf %add3A_598, %max3A_600 : vector<16xf32>
    %min3A_602 = arith.constant 1.000000e+00 : f32
    %min3A_603 = vector.broadcast %min3A_602 : f32 to vector<16xf32>
    %min3A_604 = arith.minimumf %max3A_601, %min3A_603 : vector<16xf32>
    %mul3A_605 = arith.mulf %div3A_587, %sub3A_588 : vector<16xf32>
    %add3A_606 = arith.addf %gather3A_577, %mul3A_605 : vector<16xf32>
    %swap3A_607 = arith.constant 0 : index
    %swap3A_608 = tpu.vector_load %arg11[%swap3A_607] {strides = array<i32>} : memref<64xf32, #tpu.memory_space<vmem>>, vector<16xf32>,
    tpu.vector_store %arg11[%swap3A_607], %min3A_604 {strides = array<i32>} : memref<64xf32, #tpu.memory_space<vmem>>, vector<16xf32>,
    %get3A_609 = arith.constant 0 : index
    %get3A_610 = tpu.vector_load %arg10[%get3A_609] {strides = array<i32>} : memref<64xf32, #tpu.memory_space<vmem>>, vector<16xf32>,
    %mul3A_611 = arith.mulf %get3A_610, %add3A_606 : vector<16xf32>
    %bitcast3A = vector.bitcast %mul3A_611 : vector<16xf32> to vector<16xi32>
    %shift_right_logical3A = arith.constant 23 : i32
    %shift_right_logical3A_612 = vector.broadcast %shift_right_logical3A : i32 to vector<16xi32>
    %shift_right_logical3A_613 = arith.shrui %bitcast3A, %shift_right_logical3A_612 : vector<16xi32>
    %sub3A_614 = arith.constant 127 : i32
    %sub3A_615 = vector.broadcast %sub3A_614 : i32 to vector<16xi32>
    %sub3A_616 = arith.subi %shift_right_logical3A_613, %sub3A_615 : vector<16xi32>
    %and3A = arith.constant 8388607 : i32
    %and3A_617 = vector.broadcast %and3A : i32 to vector<16xi32>
    %and3A_618 = arith.andi %bitcast3A, %and3A_617 : vector<16xi32>
    %or3A = arith.constant 1065353216 : i32
    %or3A_619 = vector.broadcast %or3A : i32 to vector<16xi32>
    %or3A_620 = arith.ori %and3A_618, %or3A_619 : vector<16xi32>
    %bitcast3A_621 = vector.bitcast %or3A_620 : vector<16xi32> to vector<16xf32>
    %gt3A = arith.constant 1.41421354 : f32
    %gt3A_622 = vector.broadcast %gt3A : f32 to vector<16xf32>
    %gt3A_623 = arith.cmpf ogt, %bitcast3A_621, %gt3A_622 : vector<16xf32>
    %mul3A_624 = arith.constant 5.000000e-01 : f32
    %mul3A_625 = vector.broadcast %mul3A_624 : f32 to vector<16xf32>
    %mul3A_626 = arith.mulf %bitcast3A_621, %mul3A_625 : vector<16xf32>
    %select_n3A_627 = arith.select %gt3A_623, %mul3A_626, %bitcast3A_621 : vector<16xi1>, vector<16xf32>
    %jit3A_628 = arith.constant 1 : i32
    %jit3A_629 = arith.constant 0 : i32
    %broadcast_in_dim3A_630 = vector.broadcast %jit3A_628 : i32 to vector<16xi32>
    %broadcast_in_dim3A_631 = vector.broadcast %jit3A_629 : i32 to vector<16xi32>
    %select_n3A_632 = arith.select %gt3A_623, %broadcast_in_dim3A_630, %broadcast_in_dim3A_631 : vector<16xi1>, vector<16xi32>
    %add3A_633 = arith.addi %sub3A_616, %select_n3A_632 : vector<16xi32>
    %sub3A_634 = arith.constant 1.000000e+00 : f32
    %sub3A_635 = vector.broadcast %sub3A_634 : f32 to vector<16xf32>
    %sub3A_636 = arith.subf %select_n3A_627, %sub3A_635 : vector<16xf32>
    %add3A_637 = arith.constant 1.000000e+00 : f32
    %add3A_638 = vector.broadcast %add3A_637 : f32 to vector<16xf32>
    %add3A_639 = arith.addf %select_n3A_627, %add3A_638 : vector<16xf32>
    %div3A_640 = arith.divf %sub3A_636, %add3A_639 : vector<16xf32>
    %mul3A_641 = arith.mulf %div3A_640, %div3A_640 : vector<16xf32>
    %mul3A_642 = arith.constant 2.000000e+00 : f32
    %mul3A_643 = vector.broadcast %mul3A_642 : f32 to vector<16xf32>
    %mul3A_644 = arith.mulf %mul3A_643, %div3A_640 : vector<16xf32>
    %mul3A_645 = arith.constant 0.142857149 : f32
    %mul3A_646 = vector.broadcast %mul3A_645 : f32 to vector<16xf32>
    %mul3A_647 = arith.mulf %mul3A_641, %mul3A_646 : vector<16xf32>
    %add3A_648 = arith.constant 2.000000e-01 : f32
    %add3A_649 = vector.broadcast %add3A_648 : f32 to vector<16xf32>
    %add3A_650 = arith.addf %add3A_649, %mul3A_647 : vector<16xf32>
    %mul3A_651 = arith.mulf %mul3A_641, %add3A_650 : vector<16xf32>
    %add3A_652 = arith.constant 0.333333343 : f32
    %add3A_653 = vector.broadcast %add3A_652 : f32 to vector<16xf32>
    %add3A_654 = arith.addf %add3A_653, %mul3A_651 : vector<16xf32>
    %mul3A_655 = arith.mulf %mul3A_641, %add3A_654 : vector<16xf32>
    %add3A_656 = arith.constant 1.000000e+00 : f32
    %add3A_657 = vector.broadcast %add3A_656 : f32 to vector<16xf32>
    %add3A_658 = arith.addf %add3A_657, %mul3A_655 : vector<16xf32>
    %mul3A_659 = arith.mulf %mul3A_644, %add3A_658 : vector<16xf32>
    %convert_element_type3A = arith.sitofp %add3A_633 : vector<16xi32> to vector<16xf32>
    %mul3A_660 = arith.constant 0.693147182 : f32
    %mul3A_661 = vector.broadcast %mul3A_660 : f32 to vector<16xf32>
    %mul3A_662 = arith.mulf %convert_element_type3A, %mul3A_661 : vector<16xf32>
    %add3A_663 = arith.addf %mul3A_662, %mul3A_659 : vector<16xf32>
    %swap3A_664 = arith.constant 0 : index
    %swap3A_665 = tpu.vector_load %arg10[%swap3A_664] {strides = array<i32>} : memref<64xf32, #tpu.memory_space<vmem>>, vector<16xf32>,
    tpu.vector_store %arg10[%swap3A_664], %add3A_663 {strides = array<i32>} : memref<64xf32, #tpu.memory_space<vmem>>, vector<16xf32>,
    %add3A_666 = arith.constant 16 : i32
    %add3A_667 = vector.broadcast %add3A_666 : i32 to vector<16xi32>
    %add3A_668 = arith.addi %iota3A, %add3A_667 : vector<16xi32>
    %get3A_669 = arith.constant 16 : index
    %get3A_670 = tpu.vector_load %arg9[%get3A_669] {strides = array<i32>} : memref<64xf32, #tpu.memory_space<vmem>>, vector<16xf32>,
    %broadcast_in_dim3A_671 = arith.constant 0 : i32
    %broadcast_in_dim3A_672 = vector.broadcast %broadcast_in_dim3A_671 : i32 to vector<16xi32>
    %add3A_673 = arith.constant 15 : i32
    %add3A_674 = vector.broadcast %add3A_673 : i32 to vector<16xi32>
    %add3A_675 = arith.addi %broadcast_in_dim3A_672, %add3A_674 : vector<16xi32>
    %gather3A_676 = tpu.vector_load_idx %arg13[%add3A_668, %add3A_675] : memref<64x128xf32, #tpu.memory_space<vmem>>[vector<16xi32>, vector<16xi32>], vector<16xf32>,
    %lt3A_677 = arith.cmpf olt, %gather3A_676, %get3A_670 : vector<16xf32>
    %jit3A_678 = arith.constant 16 : i32
    %jit3A_679 = arith.constant 0 : i32
    %broadcast_in_dim3A_680 = vector.broadcast %jit3A_678 : i32 to vector<16xi32>
    %broadcast_in_dim3A_681 = vector.broadcast %jit3A_679 : i32 to vector<16xi32>
    %select_n3A_682 = arith.select %lt3A_677, %broadcast_in_dim3A_680, %broadcast_in_dim3A_681 : vector<16xi1>, vector<16xi32>
    %add3A_683 = arith.addi %broadcast_in_dim3A_672, %select_n3A_682 : vector<16xi32>
    %add3A_684 = arith.constant 7 : i32
    %add3A_685 = vector.broadcast %add3A_684 : i32 to vector<16xi32>
    %add3A_686 = arith.addi %add3A_683, %add3A_685 : vector<16xi32>
    %gather3A_687 = tpu.vector_load_idx %arg13[%add3A_668, %add3A_686] : memref<64x128xf32, #tpu.memory_space<vmem>>[vector<16xi32>, vector<16xi32>], vector<16xf32>,
    %lt3A_688 = arith.cmpf olt, %gather3A_687, %get3A_670 : vector<16xf32>
    %jit3A_689 = arith.constant 8 : i32
    %jit3A_690 = arith.constant 0 : i32
    %broadcast_in_dim3A_691 = vector.broadcast %jit3A_689 : i32 to vector<16xi32>
    %broadcast_in_dim3A_692 = vector.broadcast %jit3A_690 : i32 to vector<16xi32>
    %select_n3A_693 = arith.select %lt3A_688, %broadcast_in_dim3A_691, %broadcast_in_dim3A_692 : vector<16xi1>, vector<16xi32>
    %add3A_694 = arith.addi %add3A_683, %select_n3A_693 : vector<16xi32>
    %add3A_695 = arith.constant 3 : i32
    %add3A_696 = vector.broadcast %add3A_695 : i32 to vector<16xi32>
    %add3A_697 = arith.addi %add3A_694, %add3A_696 : vector<16xi32>
    %gather3A_698 = tpu.vector_load_idx %arg13[%add3A_668, %add3A_697] : memref<64x128xf32, #tpu.memory_space<vmem>>[vector<16xi32>, vector<16xi32>], vector<16xf32>,
    %lt3A_699 = arith.cmpf olt, %gather3A_698, %get3A_670 : vector<16xf32>
    %jit3A_700 = arith.constant 4 : i32
    %jit3A_701 = arith.constant 0 : i32
    %broadcast_in_dim3A_702 = vector.broadcast %jit3A_700 : i32 to vector<16xi32>
    %broadcast_in_dim3A_703 = vector.broadcast %jit3A_701 : i32 to vector<16xi32>
    %select_n3A_704 = arith.select %lt3A_699, %broadcast_in_dim3A_702, %broadcast_in_dim3A_703 : vector<16xi1>, vector<16xi32>
    %add3A_705 = arith.addi %add3A_694, %select_n3A_704 : vector<16xi32>
    %add3A_706 = arith.constant 1 : i32
    %add3A_707 = vector.broadcast %add3A_706 : i32 to vector<16xi32>
    %add3A_708 = arith.addi %add3A_705, %add3A_707 : vector<16xi32>
    %gather3A_709 = tpu.vector_load_idx %arg13[%add3A_668, %add3A_708] : memref<64x128xf32, #tpu.memory_space<vmem>>[vector<16xi32>, vector<16xi32>], vector<16xf32>,
    %lt3A_710 = arith.cmpf olt, %gather3A_709, %get3A_670 : vector<16xf32>
    %jit3A_711 = arith.constant 2 : i32
    %jit3A_712 = arith.constant 0 : i32
    %broadcast_in_dim3A_713 = vector.broadcast %jit3A_711 : i32 to vector<16xi32>
    %broadcast_in_dim3A_714 = vector.broadcast %jit3A_712 : i32 to vector<16xi32>
    %select_n3A_715 = arith.select %lt3A_710, %broadcast_in_dim3A_713, %broadcast_in_dim3A_714 : vector<16xi1>, vector<16xi32>
    %add3A_716 = arith.addi %add3A_705, %select_n3A_715 : vector<16xi32>
    %add3A_717 = arith.constant 0 : i32
    %add3A_718 = vector.broadcast %add3A_717 : i32 to vector<16xi32>
    %add3A_719 = arith.addi %add3A_716, %add3A_718 : vector<16xi32>
    %gather3A_720 = tpu.vector_load_idx %arg13[%add3A_668, %add3A_719] : memref<64x128xf32, #tpu.memory_space<vmem>>[vector<16xi32>, vector<16xi32>], vector<16xf32>,
    %lt3A_721 = arith.cmpf olt, %gather3A_720, %get3A_670 : vector<16xf32>
    %jit3A_722 = arith.constant 1 : i32
    %jit3A_723 = arith.constant 0 : i32
    %broadcast_in_dim3A_724 = vector.broadcast %jit3A_722 : i32 to vector<16xi32>
    %broadcast_in_dim3A_725 = vector.broadcast %jit3A_723 : i32 to vector<16xi32>
    %select_n3A_726 = arith.select %lt3A_721, %broadcast_in_dim3A_724, %broadcast_in_dim3A_725 : vector<16xi1>, vector<16xi32>
    %add3A_727 = arith.addi %add3A_716, %select_n3A_726 : vector<16xi32>
    %sub3A_728 = arith.constant 1 : i32
    %sub3A_729 = vector.broadcast %sub3A_728 : i32 to vector<16xi32>
    %sub3A_730 = arith.subi %add3A_727, %sub3A_729 : vector<16xi32>
    %max3A_731 = arith.constant 0 : i32
    %max3A_732 = vector.broadcast %max3A_731 : i32 to vector<16xi32>
    %max3A_733 = arith.maxsi %sub3A_730, %max3A_732 : vector<16xi32>
    %min3A_734 = arith.constant 30 : i32
    %min3A_735 = vector.broadcast %min3A_734 : i32 to vector<16xi32>
    %min3A_736 = arith.minsi %max3A_733, %min3A_735 : vector<16xi32>
    %gather3A_737 = tpu.vector_load_idx %arg13[%add3A_668, %min3A_736] : memref<64x128xf32, #tpu.memory_space<vmem>>[vector<16xi32>, vector<16xi32>], vector<16xf32>,
    %add3A_738 = arith.constant 32 : i32
    %add3A_739 = vector.broadcast %add3A_738 : i32 to vector<16xi32>
    %add3A_740 = arith.addi %add3A_739, %min3A_736 : vector<16xi32>
    %gather3A_741 = tpu.vector_load_idx %arg13[%add3A_668, %add3A_740] : memref<64x128xf32, #tpu.memory_space<vmem>>[vector<16xi32>, vector<16xi32>], vector<16xf32>,
    %add3A_742 = arith.constant 64 : i32
    %add3A_743 = vector.broadcast %add3A_742 : i32 to vector<16xi32>
    %add3A_744 = arith.addi %add3A_743, %min3A_736 : vector<16xi32>
    %gather3A_745 = tpu.vector_load_idx %arg13[%add3A_668, %add3A_744] : memref<64x128xf32, #tpu.memory_space<vmem>>[vector<16xi32>, vector<16xi32>], vector<16xf32>,
    %add3A_746 = arith.constant 65 : i32
    %add3A_747 = vector.broadcast %add3A_746 : i32 to vector<16xi32>
    %add3A_748 = arith.addi %add3A_747, %min3A_736 : vector<16xi32>
    %gather3A_749 = tpu.vector_load_idx %arg13[%add3A_668, %add3A_748] : memref<64x128xf32, #tpu.memory_space<vmem>>[vector<16xi32>, vector<16xi32>], vector<16xf32>,
    %add3A_750 = arith.constant 96 : i32
    %add3A_751 = vector.broadcast %add3A_750 : i32 to vector<16xi32>
    %add3A_752 = arith.addi %add3A_751, %min3A_736 : vector<16xi32>
    %gather3A_753 = tpu.vector_load_idx %arg13[%add3A_668, %add3A_752] : memref<64x128xf32, #tpu.memory_space<vmem>>[vector<16xi32>, vector<16xi32>], vector<16xf32>,
    %sub3A_754 = arith.subf %get3A_670, %gather3A_737 : vector<16xf32>
    %div3A_755 = arith.divf %sub3A_754, %gather3A_741 : vector<16xf32>
    %sub3A_756 = arith.subf %gather3A_749, %gather3A_745 : vector<16xf32>
    %mul3A_757 = arith.constant 5.000000e-01 : f32
    %mul3A_758 = vector.broadcast %mul3A_757 : f32 to vector<16xf32>
    %mul3A_759 = arith.mulf %mul3A_758, %sub3A_756 : vector<16xf32>
    %mul3A_760 = arith.mulf %mul3A_759, %gather3A_741 : vector<16xf32>
    %mul3A_761 = arith.mulf %mul3A_760, %div3A_755 : vector<16xf32>
    %mul3A_762 = arith.mulf %mul3A_761, %div3A_755 : vector<16xf32>
    %mul3A_763 = arith.mulf %gather3A_745, %gather3A_741 : vector<16xf32>
    %mul3A_764 = arith.mulf %mul3A_763, %div3A_755 : vector<16xf32>
    %add3A_765 = arith.addf %mul3A_762, %mul3A_764 : vector<16xf32>
    %add3A_766 = arith.addf %add3A_765, %gather3A_753 : vector<16xf32>
    %max3A_767 = arith.constant 0.000000e+00 : f32
    %max3A_768 = vector.broadcast %max3A_767 : f32 to vector<16xf32>
    %max3A_769 = arith.maximumf %add3A_766, %max3A_768 : vector<16xf32>
    %min3A_770 = arith.constant 1.000000e+00 : f32
    %min3A_771 = vector.broadcast %min3A_770 : f32 to vector<16xf32>
    %min3A_772 = arith.minimumf %max3A_769, %min3A_771 : vector<16xf32>
    %mul3A_773 = arith.mulf %div3A_755, %sub3A_756 : vector<16xf32>
    %add3A_774 = arith.addf %gather3A_745, %mul3A_773 : vector<16xf32>
    %swap3A_775 = arith.constant 16 : index
    %swap3A_776 = tpu.vector_load %arg11[%swap3A_775] {strides = array<i32>} : memref<64xf32, #tpu.memory_space<vmem>>, vector<16xf32>,
    tpu.vector_store %arg11[%swap3A_775], %min3A_772 {strides = array<i32>} : memref<64xf32, #tpu.memory_space<vmem>>, vector<16xf32>,
    %get3A_777 = arith.constant 16 : index
    %get3A_778 = tpu.vector_load %arg10[%get3A_777] {strides = array<i32>} : memref<64xf32, #tpu.memory_space<vmem>>, vector<16xf32>,
    %mul3A_779 = arith.mulf %get3A_778, %add3A_774 : vector<16xf32>
    %bitcast3A_780 = vector.bitcast %mul3A_779 : vector<16xf32> to vector<16xi32>
    %shift_right_logical3A_781 = arith.constant 23 : i32
    %shift_right_logical3A_782 = vector.broadcast %shift_right_logical3A_781 : i32 to vector<16xi32>
    %shift_right_logical3A_783 = arith.shrui %bitcast3A_780, %shift_right_logical3A_782 : vector<16xi32>
    %sub3A_784 = arith.constant 127 : i32
    %sub3A_785 = vector.broadcast %sub3A_784 : i32 to vector<16xi32>
    %sub3A_786 = arith.subi %shift_right_logical3A_783, %sub3A_785 : vector<16xi32>
    %and3A_787 = arith.constant 8388607 : i32
    %and3A_788 = vector.broadcast %and3A_787 : i32 to vector<16xi32>
    %and3A_789 = arith.andi %bitcast3A_780, %and3A_788 : vector<16xi32>
    %or3A_790 = arith.constant 1065353216 : i32
    %or3A_791 = vector.broadcast %or3A_790 : i32 to vector<16xi32>
    %or3A_792 = arith.ori %and3A_789, %or3A_791 : vector<16xi32>
    %bitcast3A_793 = vector.bitcast %or3A_792 : vector<16xi32> to vector<16xf32>
    %gt3A_794 = arith.constant 1.41421354 : f32
    %gt3A_795 = vector.broadcast %gt3A_794 : f32 to vector<16xf32>
    %gt3A_796 = arith.cmpf ogt, %bitcast3A_793, %gt3A_795 : vector<16xf32>
    %mul3A_797 = arith.constant 5.000000e-01 : f32
    %mul3A_798 = vector.broadcast %mul3A_797 : f32 to vector<16xf32>
    %mul3A_799 = arith.mulf %bitcast3A_793, %mul3A_798 : vector<16xf32>
    %select_n3A_800 = arith.select %gt3A_796, %mul3A_799, %bitcast3A_793 : vector<16xi1>, vector<16xf32>
    %jit3A_801 = arith.constant 1 : i32
    %jit3A_802 = arith.constant 0 : i32
    %broadcast_in_dim3A_803 = vector.broadcast %jit3A_801 : i32 to vector<16xi32>
    %broadcast_in_dim3A_804 = vector.broadcast %jit3A_802 : i32 to vector<16xi32>
    %select_n3A_805 = arith.select %gt3A_796, %broadcast_in_dim3A_803, %broadcast_in_dim3A_804 : vector<16xi1>, vector<16xi32>
    %add3A_806 = arith.addi %sub3A_786, %select_n3A_805 : vector<16xi32>
    %sub3A_807 = arith.constant 1.000000e+00 : f32
    %sub3A_808 = vector.broadcast %sub3A_807 : f32 to vector<16xf32>
    %sub3A_809 = arith.subf %select_n3A_800, %sub3A_808 : vector<16xf32>
    %add3A_810 = arith.constant 1.000000e+00 : f32
    %add3A_811 = vector.broadcast %add3A_810 : f32 to vector<16xf32>
    %add3A_812 = arith.addf %select_n3A_800, %add3A_811 : vector<16xf32>
    %div3A_813 = arith.divf %sub3A_809, %add3A_812 : vector<16xf32>
    %mul3A_814 = arith.mulf %div3A_813, %div3A_813 : vector<16xf32>
    %mul3A_815 = arith.constant 2.000000e+00 : f32
    %mul3A_816 = vector.broadcast %mul3A_815 : f32 to vector<16xf32>
    %mul3A_817 = arith.mulf %mul3A_816, %div3A_813 : vector<16xf32>
    %mul3A_818 = arith.constant 0.142857149 : f32
    %mul3A_819 = vector.broadcast %mul3A_818 : f32 to vector<16xf32>
    %mul3A_820 = arith.mulf %mul3A_814, %mul3A_819 : vector<16xf32>
    %add3A_821 = arith.constant 2.000000e-01 : f32
    %add3A_822 = vector.broadcast %add3A_821 : f32 to vector<16xf32>
    %add3A_823 = arith.addf %add3A_822, %mul3A_820 : vector<16xf32>
    %mul3A_824 = arith.mulf %mul3A_814, %add3A_823 : vector<16xf32>
    %add3A_825 = arith.constant 0.333333343 : f32
    %add3A_826 = vector.broadcast %add3A_825 : f32 to vector<16xf32>
    %add3A_827 = arith.addf %add3A_826, %mul3A_824 : vector<16xf32>
    %mul3A_828 = arith.mulf %mul3A_814, %add3A_827 : vector<16xf32>
    %add3A_829 = arith.constant 1.000000e+00 : f32
    %add3A_830 = vector.broadcast %add3A_829 : f32 to vector<16xf32>
    %add3A_831 = arith.addf %add3A_830, %mul3A_828 : vector<16xf32>
    %mul3A_832 = arith.mulf %mul3A_817, %add3A_831 : vector<16xf32>
    %convert_element_type3A_833 = arith.sitofp %add3A_806 : vector<16xi32> to vector<16xf32>
    %mul3A_834 = arith.constant 0.693147182 : f32
    %mul3A_835 = vector.broadcast %mul3A_834 : f32 to vector<16xf32>
    %mul3A_836 = arith.mulf %convert_element_type3A_833, %mul3A_835 : vector<16xf32>
    %add3A_837 = arith.addf %mul3A_836, %mul3A_832 : vector<16xf32>
    %swap3A_838 = arith.constant 16 : index
    %swap3A_839 = tpu.vector_load %arg10[%swap3A_838] {strides = array<i32>} : memref<64xf32, #tpu.memory_space<vmem>>, vector<16xf32>,
    tpu.vector_store %arg10[%swap3A_838], %add3A_837 {strides = array<i32>} : memref<64xf32, #tpu.memory_space<vmem>>, vector<16xf32>,
    %add3A_840 = arith.constant 32 : i32
    %add3A_841 = vector.broadcast %add3A_840 : i32 to vector<16xi32>
    %add3A_842 = arith.addi %iota3A, %add3A_841 : vector<16xi32>
    %get3A_843 = arith.constant 32 : index
    %get3A_844 = tpu.vector_load %arg9[%get3A_843] {strides = array<i32>} : memref<64xf32, #tpu.memory_space<vmem>>, vector<16xf32>,
    %broadcast_in_dim3A_845 = arith.constant 0 : i32
    %broadcast_in_dim3A_846 = vector.broadcast %broadcast_in_dim3A_845 : i32 to vector<16xi32>
    %add3A_847 = arith.constant 15 : i32
    %add3A_848 = vector.broadcast %add3A_847 : i32 to vector<16xi32>
    %add3A_849 = arith.addi %broadcast_in_dim3A_846, %add3A_848 : vector<16xi32>
    %gather3A_850 = tpu.vector_load_idx %arg13[%add3A_842, %add3A_849] : memref<64x128xf32, #tpu.memory_space<vmem>>[vector<16xi32>, vector<16xi32>], vector<16xf32>,
    %lt3A_851 = arith.cmpf olt, %gather3A_850, %get3A_844 : vector<16xf32>
    %jit3A_852 = arith.constant 16 : i32
    %jit3A_853 = arith.constant 0 : i32
    %broadcast_in_dim3A_854 = vector.broadcast %jit3A_852 : i32 to vector<16xi32>
    %broadcast_in_dim3A_855 = vector.broadcast %jit3A_853 : i32 to vector<16xi32>
    %select_n3A_856 = arith.select %lt3A_851, %broadcast_in_dim3A_854, %broadcast_in_dim3A_855 : vector<16xi1>, vector<16xi32>
    %add3A_857 = arith.addi %broadcast_in_dim3A_846, %select_n3A_856 : vector<16xi32>
    %add3A_858 = arith.constant 7 : i32
    %add3A_859 = vector.broadcast %add3A_858 : i32 to vector<16xi32>
    %add3A_860 = arith.addi %add3A_857, %add3A_859 : vector<16xi32>
    %gather3A_861 = tpu.vector_load_idx %arg13[%add3A_842, %add3A_860] : memref<64x128xf32, #tpu.memory_space<vmem>>[vector<16xi32>, vector<16xi32>], vector<16xf32>,
    %lt3A_862 = arith.cmpf olt, %gather3A_861, %get3A_844 : vector<16xf32>
    %jit3A_863 = arith.constant 8 : i32
    %jit3A_864 = arith.constant 0 : i32
    %broadcast_in_dim3A_865 = vector.broadcast %jit3A_863 : i32 to vector<16xi32>
    %broadcast_in_dim3A_866 = vector.broadcast %jit3A_864 : i32 to vector<16xi32>
    %select_n3A_867 = arith.select %lt3A_862, %broadcast_in_dim3A_865, %broadcast_in_dim3A_866 : vector<16xi1>, vector<16xi32>
    %add3A_868 = arith.addi %add3A_857, %select_n3A_867 : vector<16xi32>
    %add3A_869 = arith.constant 3 : i32
    %add3A_870 = vector.broadcast %add3A_869 : i32 to vector<16xi32>
    %add3A_871 = arith.addi %add3A_868, %add3A_870 : vector<16xi32>
    %gather3A_872 = tpu.vector_load_idx %arg13[%add3A_842, %add3A_871] : memref<64x128xf32, #tpu.memory_space<vmem>>[vector<16xi32>, vector<16xi32>], vector<16xf32>,
    %lt3A_873 = arith.cmpf olt, %gather3A_872, %get3A_844 : vector<16xf32>
    %jit3A_874 = arith.constant 4 : i32
    %jit3A_875 = arith.constant 0 : i32
    %broadcast_in_dim3A_876 = vector.broadcast %jit3A_874 : i32 to vector<16xi32>
    %broadcast_in_dim3A_877 = vector.broadcast %jit3A_875 : i32 to vector<16xi32>
    %select_n3A_878 = arith.select %lt3A_873, %broadcast_in_dim3A_876, %broadcast_in_dim3A_877 : vector<16xi1>, vector<16xi32>
    %add3A_879 = arith.addi %add3A_868, %select_n3A_878 : vector<16xi32>
    %add3A_880 = arith.constant 1 : i32
    %add3A_881 = vector.broadcast %add3A_880 : i32 to vector<16xi32>
    %add3A_882 = arith.addi %add3A_879, %add3A_881 : vector<16xi32>
    %gather3A_883 = tpu.vector_load_idx %arg13[%add3A_842, %add3A_882] : memref<64x128xf32, #tpu.memory_space<vmem>>[vector<16xi32>, vector<16xi32>], vector<16xf32>,
    %lt3A_884 = arith.cmpf olt, %gather3A_883, %get3A_844 : vector<16xf32>
    %jit3A_885 = arith.constant 2 : i32
    %jit3A_886 = arith.constant 0 : i32
    %broadcast_in_dim3A_887 = vector.broadcast %jit3A_885 : i32 to vector<16xi32>
    %broadcast_in_dim3A_888 = vector.broadcast %jit3A_886 : i32 to vector<16xi32>
    %select_n3A_889 = arith.select %lt3A_884, %broadcast_in_dim3A_887, %broadcast_in_dim3A_888 : vector<16xi1>, vector<16xi32>
    %add3A_890 = arith.addi %add3A_879, %select_n3A_889 : vector<16xi32>
    %add3A_891 = arith.constant 0 : i32
    %add3A_892 = vector.broadcast %add3A_891 : i32 to vector<16xi32>
    %add3A_893 = arith.addi %add3A_890, %add3A_892 : vector<16xi32>
    %gather3A_894 = tpu.vector_load_idx %arg13[%add3A_842, %add3A_893] : memref<64x128xf32, #tpu.memory_space<vmem>>[vector<16xi32>, vector<16xi32>], vector<16xf32>,
    %lt3A_895 = arith.cmpf olt, %gather3A_894, %get3A_844 : vector<16xf32>
    %jit3A_896 = arith.constant 1 : i32
    %jit3A_897 = arith.constant 0 : i32
    %broadcast_in_dim3A_898 = vector.broadcast %jit3A_896 : i32 to vector<16xi32>
    %broadcast_in_dim3A_899 = vector.broadcast %jit3A_897 : i32 to vector<16xi32>
    %select_n3A_900 = arith.select %lt3A_895, %broadcast_in_dim3A_898, %broadcast_in_dim3A_899 : vector<16xi1>, vector<16xi32>
    %add3A_901 = arith.addi %add3A_890, %select_n3A_900 : vector<16xi32>
    %sub3A_902 = arith.constant 1 : i32
    %sub3A_903 = vector.broadcast %sub3A_902 : i32 to vector<16xi32>
    %sub3A_904 = arith.subi %add3A_901, %sub3A_903 : vector<16xi32>
    %max3A_905 = arith.constant 0 : i32
    %max3A_906 = vector.broadcast %max3A_905 : i32 to vector<16xi32>
    %max3A_907 = arith.maxsi %sub3A_904, %max3A_906 : vector<16xi32>
    %min3A_908 = arith.constant 30 : i32
    %min3A_909 = vector.broadcast %min3A_908 : i32 to vector<16xi32>
    %min3A_910 = arith.minsi %max3A_907, %min3A_909 : vector<16xi32>
    %gather3A_911 = tpu.vector_load_idx %arg13[%add3A_842, %min3A_910] : memref<64x128xf32, #tpu.memory_space<vmem>>[vector<16xi32>, vector<16xi32>], vector<16xf32>,
    %add3A_912 = arith.constant 32 : i32
    %add3A_913 = vector.broadcast %add3A_912 : i32 to vector<16xi32>
    %add3A_914 = arith.addi %add3A_913, %min3A_910 : vector<16xi32>
    %gather3A_915 = tpu.vector_load_idx %arg13[%add3A_842, %add3A_914] : memref<64x128xf32, #tpu.memory_space<vmem>>[vector<16xi32>, vector<16xi32>], vector<16xf32>,
    %add3A_916 = arith.constant 64 : i32
    %add3A_917 = vector.broadcast %add3A_916 : i32 to vector<16xi32>
    %add3A_918 = arith.addi %add3A_917, %min3A_910 : vector<16xi32>
    %gather3A_919 = tpu.vector_load_idx %arg13[%add3A_842, %add3A_918] : memref<64x128xf32, #tpu.memory_space<vmem>>[vector<16xi32>, vector<16xi32>], vector<16xf32>,
    %add3A_920 = arith.constant 65 : i32
    %add3A_921 = vector.broadcast %add3A_920 : i32 to vector<16xi32>
    %add3A_922 = arith.addi %add3A_921, %min3A_910 : vector<16xi32>
    %gather3A_923 = tpu.vector_load_idx %arg13[%add3A_842, %add3A_922] : memref<64x128xf32, #tpu.memory_space<vmem>>[vector<16xi32>, vector<16xi32>], vector<16xf32>,
    %add3A_924 = arith.constant 96 : i32
    %add3A_925 = vector.broadcast %add3A_924 : i32 to vector<16xi32>
    %add3A_926 = arith.addi %add3A_925, %min3A_910 : vector<16xi32>
    %gather3A_927 = tpu.vector_load_idx %arg13[%add3A_842, %add3A_926] : memref<64x128xf32, #tpu.memory_space<vmem>>[vector<16xi32>, vector<16xi32>], vector<16xf32>,
    %sub3A_928 = arith.subf %get3A_844, %gather3A_911 : vector<16xf32>
    %div3A_929 = arith.divf %sub3A_928, %gather3A_915 : vector<16xf32>
    %sub3A_930 = arith.subf %gather3A_923, %gather3A_919 : vector<16xf32>
    %mul3A_931 = arith.constant 5.000000e-01 : f32
    %mul3A_932 = vector.broadcast %mul3A_931 : f32 to vector<16xf32>
    %mul3A_933 = arith.mulf %mul3A_932, %sub3A_930 : vector<16xf32>
    %mul3A_934 = arith.mulf %mul3A_933, %gather3A_915 : vector<16xf32>
    %mul3A_935 = arith.mulf %mul3A_934, %div3A_929 : vector<16xf32>
    %mul3A_936 = arith.mulf %mul3A_935, %div3A_929 : vector<16xf32>
    %mul3A_937 = arith.mulf %gather3A_919, %gather3A_915 : vector<16xf32>
    %mul3A_938 = arith.mulf %mul3A_937, %div3A_929 : vector<16xf32>
    %add3A_939 = arith.addf %mul3A_936, %mul3A_938 : vector<16xf32>
    %add3A_940 = arith.addf %add3A_939, %gather3A_927 : vector<16xf32>
    %max3A_941 = arith.constant 0.000000e+00 : f32
    %max3A_942 = vector.broadcast %max3A_941 : f32 to vector<16xf32>
    %max3A_943 = arith.maximumf %add3A_940, %max3A_942 : vector<16xf32>
    %min3A_944 = arith.constant 1.000000e+00 : f32
    %min3A_945 = vector.broadcast %min3A_944 : f32 to vector<16xf32>
    %min3A_946 = arith.minimumf %max3A_943, %min3A_945 : vector<16xf32>
    %mul3A_947 = arith.mulf %div3A_929, %sub3A_930 : vector<16xf32>
    %add3A_948 = arith.addf %gather3A_919, %mul3A_947 : vector<16xf32>
    %swap3A_949 = arith.constant 32 : index
    %swap3A_950 = tpu.vector_load %arg11[%swap3A_949] {strides = array<i32>} : memref<64xf32, #tpu.memory_space<vmem>>, vector<16xf32>,
    tpu.vector_store %arg11[%swap3A_949], %min3A_946 {strides = array<i32>} : memref<64xf32, #tpu.memory_space<vmem>>, vector<16xf32>,
    %get3A_951 = arith.constant 32 : index
    %get3A_952 = tpu.vector_load %arg10[%get3A_951] {strides = array<i32>} : memref<64xf32, #tpu.memory_space<vmem>>, vector<16xf32>,
    %mul3A_953 = arith.mulf %get3A_952, %add3A_948 : vector<16xf32>
    %bitcast3A_954 = vector.bitcast %mul3A_953 : vector<16xf32> to vector<16xi32>
    %shift_right_logical3A_955 = arith.constant 23 : i32
    %shift_right_logical3A_956 = vector.broadcast %shift_right_logical3A_955 : i32 to vector<16xi32>
    %shift_right_logical3A_957 = arith.shrui %bitcast3A_954, %shift_right_logical3A_956 : vector<16xi32>
    %sub3A_958 = arith.constant 127 : i32
    %sub3A_959 = vector.broadcast %sub3A_958 : i32 to vector<16xi32>
    %sub3A_960 = arith.subi %shift_right_logical3A_957, %sub3A_959 : vector<16xi32>
    %and3A_961 = arith.constant 8388607 : i32
    %and3A_962 = vector.broadcast %and3A_961 : i32 to vector<16xi32>
    %and3A_963 = arith.andi %bitcast3A_954, %and3A_962 : vector<16xi32>
    %or3A_964 = arith.constant 1065353216 : i32
    %or3A_965 = vector.broadcast %or3A_964 : i32 to vector<16xi32>
    %or3A_966 = arith.ori %and3A_963, %or3A_965 : vector<16xi32>
    %bitcast3A_967 = vector.bitcast %or3A_966 : vector<16xi32> to vector<16xf32>
    %gt3A_968 = arith.constant 1.41421354 : f32
    %gt3A_969 = vector.broadcast %gt3A_968 : f32 to vector<16xf32>
    %gt3A_970 = arith.cmpf ogt, %bitcast3A_967, %gt3A_969 : vector<16xf32>
    %mul3A_971 = arith.constant 5.000000e-01 : f32
    %mul3A_972 = vector.broadcast %mul3A_971 : f32 to vector<16xf32>
    %mul3A_973 = arith.mulf %bitcast3A_967, %mul3A_972 : vector<16xf32>
    %select_n3A_974 = arith.select %gt3A_970, %mul3A_973, %bitcast3A_967 : vector<16xi1>, vector<16xf32>
    %jit3A_975 = arith.constant 1 : i32
    %jit3A_976 = arith.constant 0 : i32
    %broadcast_in_dim3A_977 = vector.broadcast %jit3A_975 : i32 to vector<16xi32>
    %broadcast_in_dim3A_978 = vector.broadcast %jit3A_976 : i32 to vector<16xi32>
    %select_n3A_979 = arith.select %gt3A_970, %broadcast_in_dim3A_977, %broadcast_in_dim3A_978 : vector<16xi1>, vector<16xi32>
    %add3A_980 = arith.addi %sub3A_960, %select_n3A_979 : vector<16xi32>
    %sub3A_981 = arith.constant 1.000000e+00 : f32
    %sub3A_982 = vector.broadcast %sub3A_981 : f32 to vector<16xf32>
    %sub3A_983 = arith.subf %select_n3A_974, %sub3A_982 : vector<16xf32>
    %add3A_984 = arith.constant 1.000000e+00 : f32
    %add3A_985 = vector.broadcast %add3A_984 : f32 to vector<16xf32>
    %add3A_986 = arith.addf %select_n3A_974, %add3A_985 : vector<16xf32>
    %div3A_987 = arith.divf %sub3A_983, %add3A_986 : vector<16xf32>
    %mul3A_988 = arith.mulf %div3A_987, %div3A_987 : vector<16xf32>
    %mul3A_989 = arith.constant 2.000000e+00 : f32
    %mul3A_990 = vector.broadcast %mul3A_989 : f32 to vector<16xf32>
    %mul3A_991 = arith.mulf %mul3A_990, %div3A_987 : vector<16xf32>
    %mul3A_992 = arith.constant 0.142857149 : f32
    %mul3A_993 = vector.broadcast %mul3A_992 : f32 to vector<16xf32>
    %mul3A_994 = arith.mulf %mul3A_988, %mul3A_993 : vector<16xf32>
    %add3A_995 = arith.constant 2.000000e-01 : f32
    %add3A_996 = vector.broadcast %add3A_995 : f32 to vector<16xf32>
    %add3A_997 = arith.addf %add3A_996, %mul3A_994 : vector<16xf32>
    %mul3A_998 = arith.mulf %mul3A_988, %add3A_997 : vector<16xf32>
    %add3A_999 = arith.constant 0.333333343 : f32
    %add3A_1000 = vector.broadcast %add3A_999 : f32 to vector<16xf32>
    %add3A_1001 = arith.addf %add3A_1000, %mul3A_998 : vector<16xf32>
    %mul3A_1002 = arith.mulf %mul3A_988, %add3A_1001 : vector<16xf32>
    %add3A_1003 = arith.constant 1.000000e+00 : f32
    %add3A_1004 = vector.broadcast %add3A_1003 : f32 to vector<16xf32>
    %add3A_1005 = arith.addf %add3A_1004, %mul3A_1002 : vector<16xf32>
    %mul3A_1006 = arith.mulf %mul3A_991, %add3A_1005 : vector<16xf32>
    %convert_element_type3A_1007 = arith.sitofp %add3A_980 : vector<16xi32> to vector<16xf32>
    %mul3A_1008 = arith.constant 0.693147182 : f32
    %mul3A_1009 = vector.broadcast %mul3A_1008 : f32 to vector<16xf32>
    %mul3A_1010 = arith.mulf %convert_element_type3A_1007, %mul3A_1009 : vector<16xf32>
    %add3A_1011 = arith.addf %mul3A_1010, %mul3A_1006 : vector<16xf32>
    %swap3A_1012 = arith.constant 32 : index
    %swap3A_1013 = tpu.vector_load %arg10[%swap3A_1012] {strides = array<i32>} : memref<64xf32, #tpu.memory_space<vmem>>, vector<16xf32>,
    tpu.vector_store %arg10[%swap3A_1012], %add3A_1011 {strides = array<i32>} : memref<64xf32, #tpu.memory_space<vmem>>, vector<16xf32>,
    %add3A_1014 = arith.constant 48 : i32
    %add3A_1015 = vector.broadcast %add3A_1014 : i32 to vector<16xi32>
    %add3A_1016 = arith.addi %iota3A, %add3A_1015 : vector<16xi32>
    %get3A_1017 = arith.constant 48 : index
    %get3A_1018 = tpu.vector_load %arg9[%get3A_1017] {strides = array<i32>} : memref<64xf32, #tpu.memory_space<vmem>>, vector<16xf32>,
    %broadcast_in_dim3A_1019 = arith.constant 0 : i32
    %broadcast_in_dim3A_1020 = vector.broadcast %broadcast_in_dim3A_1019 : i32 to vector<16xi32>
    %add3A_1021 = arith.constant 15 : i32
    %add3A_1022 = vector.broadcast %add3A_1021 : i32 to vector<16xi32>
    %add3A_1023 = arith.addi %broadcast_in_dim3A_1020, %add3A_1022 : vector<16xi32>
    %gather3A_1024 = tpu.vector_load_idx %arg13[%add3A_1016, %add3A_1023] : memref<64x128xf32, #tpu.memory_space<vmem>>[vector<16xi32>, vector<16xi32>], vector<16xf32>,
    %lt3A_1025 = arith.cmpf olt, %gather3A_1024, %get3A_1018 : vector<16xf32>
    %jit3A_1026 = arith.constant 16 : i32
    %jit3A_1027 = arith.constant 0 : i32
    %broadcast_in_dim3A_1028 = vector.broadcast %jit3A_1026 : i32 to vector<16xi32>
    %broadcast_in_dim3A_1029 = vector.broadcast %jit3A_1027 : i32 to vector<16xi32>
    %select_n3A_1030 = arith.select %lt3A_1025, %broadcast_in_dim3A_1028, %broadcast_in_dim3A_1029 : vector<16xi1>, vector<16xi32>
    %add3A_1031 = arith.addi %broadcast_in_dim3A_1020, %select_n3A_1030 : vector<16xi32>
    %add3A_1032 = arith.constant 7 : i32
    %add3A_1033 = vector.broadcast %add3A_1032 : i32 to vector<16xi32>
    %add3A_1034 = arith.addi %add3A_1031, %add3A_1033 : vector<16xi32>
    %gather3A_1035 = tpu.vector_load_idx %arg13[%add3A_1016, %add3A_1034] : memref<64x128xf32, #tpu.memory_space<vmem>>[vector<16xi32>, vector<16xi32>], vector<16xf32>,
    %lt3A_1036 = arith.cmpf olt, %gather3A_1035, %get3A_1018 : vector<16xf32>
    %jit3A_1037 = arith.constant 8 : i32
    %jit3A_1038 = arith.constant 0 : i32
    %broadcast_in_dim3A_1039 = vector.broadcast %jit3A_1037 : i32 to vector<16xi32>
    %broadcast_in_dim3A_1040 = vector.broadcast %jit3A_1038 : i32 to vector<16xi32>
    %select_n3A_1041 = arith.select %lt3A_1036, %broadcast_in_dim3A_1039, %broadcast_in_dim3A_1040 : vector<16xi1>, vector<16xi32>
    %add3A_1042 = arith.addi %add3A_1031, %select_n3A_1041 : vector<16xi32>
    %add3A_1043 = arith.constant 3 : i32
    %add3A_1044 = vector.broadcast %add3A_1043 : i32 to vector<16xi32>
    %add3A_1045 = arith.addi %add3A_1042, %add3A_1044 : vector<16xi32>
    %gather3A_1046 = tpu.vector_load_idx %arg13[%add3A_1016, %add3A_1045] : memref<64x128xf32, #tpu.memory_space<vmem>>[vector<16xi32>, vector<16xi32>], vector<16xf32>,
    %lt3A_1047 = arith.cmpf olt, %gather3A_1046, %get3A_1018 : vector<16xf32>
    %jit3A_1048 = arith.constant 4 : i32
    %jit3A_1049 = arith.constant 0 : i32
    %broadcast_in_dim3A_1050 = vector.broadcast %jit3A_1048 : i32 to vector<16xi32>
    %broadcast_in_dim3A_1051 = vector.broadcast %jit3A_1049 : i32 to vector<16xi32>
    %select_n3A_1052 = arith.select %lt3A_1047, %broadcast_in_dim3A_1050, %broadcast_in_dim3A_1051 : vector<16xi1>, vector<16xi32>
    %add3A_1053 = arith.addi %add3A_1042, %select_n3A_1052 : vector<16xi32>
    %add3A_1054 = arith.constant 1 : i32
    %add3A_1055 = vector.broadcast %add3A_1054 : i32 to vector<16xi32>
    %add3A_1056 = arith.addi %add3A_1053, %add3A_1055 : vector<16xi32>
    %gather3A_1057 = tpu.vector_load_idx %arg13[%add3A_1016, %add3A_1056] : memref<64x128xf32, #tpu.memory_space<vmem>>[vector<16xi32>, vector<16xi32>], vector<16xf32>,
    %lt3A_1058 = arith.cmpf olt, %gather3A_1057, %get3A_1018 : vector<16xf32>
    %jit3A_1059 = arith.constant 2 : i32
    %jit3A_1060 = arith.constant 0 : i32
    %broadcast_in_dim3A_1061 = vector.broadcast %jit3A_1059 : i32 to vector<16xi32>
    %broadcast_in_dim3A_1062 = vector.broadcast %jit3A_1060 : i32 to vector<16xi32>
    %select_n3A_1063 = arith.select %lt3A_1058, %broadcast_in_dim3A_1061, %broadcast_in_dim3A_1062 : vector<16xi1>, vector<16xi32>
    %add3A_1064 = arith.addi %add3A_1053, %select_n3A_1063 : vector<16xi32>
    %add3A_1065 = arith.constant 0 : i32
    %add3A_1066 = vector.broadcast %add3A_1065 : i32 to vector<16xi32>
    %add3A_1067 = arith.addi %add3A_1064, %add3A_1066 : vector<16xi32>
    %gather3A_1068 = tpu.vector_load_idx %arg13[%add3A_1016, %add3A_1067] : memref<64x128xf32, #tpu.memory_space<vmem>>[vector<16xi32>, vector<16xi32>], vector<16xf32>,
    %lt3A_1069 = arith.cmpf olt, %gather3A_1068, %get3A_1018 : vector<16xf32>
    %jit3A_1070 = arith.constant 1 : i32
    %jit3A_1071 = arith.constant 0 : i32
    %broadcast_in_dim3A_1072 = vector.broadcast %jit3A_1070 : i32 to vector<16xi32>
    %broadcast_in_dim3A_1073 = vector.broadcast %jit3A_1071 : i32 to vector<16xi32>
    %select_n3A_1074 = arith.select %lt3A_1069, %broadcast_in_dim3A_1072, %broadcast_in_dim3A_1073 : vector<16xi1>, vector<16xi32>
    %add3A_1075 = arith.addi %add3A_1064, %select_n3A_1074 : vector<16xi32>
    %sub3A_1076 = arith.constant 1 : i32
    %sub3A_1077 = vector.broadcast %sub3A_1076 : i32 to vector<16xi32>
    %sub3A_1078 = arith.subi %add3A_1075, %sub3A_1077 : vector<16xi32>
    %max3A_1079 = arith.constant 0 : i32
    %max3A_1080 = vector.broadcast %max3A_1079 : i32 to vector<16xi32>
    %max3A_1081 = arith.maxsi %sub3A_1078, %max3A_1080 : vector<16xi32>
    %min3A_1082 = arith.constant 30 : i32
    %min3A_1083 = vector.broadcast %min3A_1082 : i32 to vector<16xi32>
    %min3A_1084 = arith.minsi %max3A_1081, %min3A_1083 : vector<16xi32>
    %gather3A_1085 = tpu.vector_load_idx %arg13[%add3A_1016, %min3A_1084] : memref<64x128xf32, #tpu.memory_space<vmem>>[vector<16xi32>, vector<16xi32>], vector<16xf32>,
    %add3A_1086 = arith.constant 32 : i32
    %add3A_1087 = vector.broadcast %add3A_1086 : i32 to vector<16xi32>
    %add3A_1088 = arith.addi %add3A_1087, %min3A_1084 : vector<16xi32>
    %gather3A_1089 = tpu.vector_load_idx %arg13[%add3A_1016, %add3A_1088] : memref<64x128xf32, #tpu.memory_space<vmem>>[vector<16xi32>, vector<16xi32>], vector<16xf32>,
    %add3A_1090 = arith.constant 64 : i32
    %add3A_1091 = vector.broadcast %add3A_1090 : i32 to vector<16xi32>
    %add3A_1092 = arith.addi %add3A_1091, %min3A_1084 : vector<16xi32>
    %gather3A_1093 = tpu.vector_load_idx %arg13[%add3A_1016, %add3A_1092] : memref<64x128xf32, #tpu.memory_space<vmem>>[vector<16xi32>, vector<16xi32>], vector<16xf32>,
    %add3A_1094 = arith.constant 65 : i32
    %add3A_1095 = vector.broadcast %add3A_1094 : i32 to vector<16xi32>
    %add3A_1096 = arith.addi %add3A_1095, %min3A_1084 : vector<16xi32>
    %gather3A_1097 = tpu.vector_load_idx %arg13[%add3A_1016, %add3A_1096] : memref<64x128xf32, #tpu.memory_space<vmem>>[vector<16xi32>, vector<16xi32>], vector<16xf32>,
    %add3A_1098 = arith.constant 96 : i32
    %add3A_1099 = vector.broadcast %add3A_1098 : i32 to vector<16xi32>
    %add3A_1100 = arith.addi %add3A_1099, %min3A_1084 : vector<16xi32>
    %gather3A_1101 = tpu.vector_load_idx %arg13[%add3A_1016, %add3A_1100] : memref<64x128xf32, #tpu.memory_space<vmem>>[vector<16xi32>, vector<16xi32>], vector<16xf32>,
    %sub3A_1102 = arith.subf %get3A_1018, %gather3A_1085 : vector<16xf32>
    %div3A_1103 = arith.divf %sub3A_1102, %gather3A_1089 : vector<16xf32>
    %sub3A_1104 = arith.subf %gather3A_1097, %gather3A_1093 : vector<16xf32>
    %mul3A_1105 = arith.constant 5.000000e-01 : f32
    %mul3A_1106 = vector.broadcast %mul3A_1105 : f32 to vector<16xf32>
    %mul3A_1107 = arith.mulf %mul3A_1106, %sub3A_1104 : vector<16xf32>
    %mul3A_1108 = arith.mulf %mul3A_1107, %gather3A_1089 : vector<16xf32>
    %mul3A_1109 = arith.mulf %mul3A_1108, %div3A_1103 : vector<16xf32>
    %mul3A_1110 = arith.mulf %mul3A_1109, %div3A_1103 : vector<16xf32>
    %mul3A_1111 = arith.mulf %gather3A_1093, %gather3A_1089 : vector<16xf32>
    %mul3A_1112 = arith.mulf %mul3A_1111, %div3A_1103 : vector<16xf32>
    %add3A_1113 = arith.addf %mul3A_1110, %mul3A_1112 : vector<16xf32>
    %add3A_1114 = arith.addf %add3A_1113, %gather3A_1101 : vector<16xf32>
    %max3A_1115 = arith.constant 0.000000e+00 : f32
    %max3A_1116 = vector.broadcast %max3A_1115 : f32 to vector<16xf32>
    %max3A_1117 = arith.maximumf %add3A_1114, %max3A_1116 : vector<16xf32>
    %min3A_1118 = arith.constant 1.000000e+00 : f32
    %min3A_1119 = vector.broadcast %min3A_1118 : f32 to vector<16xf32>
    %min3A_1120 = arith.minimumf %max3A_1117, %min3A_1119 : vector<16xf32>
    %mul3A_1121 = arith.mulf %div3A_1103, %sub3A_1104 : vector<16xf32>
    %add3A_1122 = arith.addf %gather3A_1093, %mul3A_1121 : vector<16xf32>
    %swap3A_1123 = arith.constant 48 : index
    %swap3A_1124 = tpu.vector_load %arg11[%swap3A_1123] {strides = array<i32>} : memref<64xf32, #tpu.memory_space<vmem>>, vector<16xf32>,
    tpu.vector_store %arg11[%swap3A_1123], %min3A_1120 {strides = array<i32>} : memref<64xf32, #tpu.memory_space<vmem>>, vector<16xf32>,
    %get3A_1125 = arith.constant 48 : index
    %get3A_1126 = tpu.vector_load %arg10[%get3A_1125] {strides = array<i32>} : memref<64xf32, #tpu.memory_space<vmem>>, vector<16xf32>,
    %mul3A_1127 = arith.mulf %get3A_1126, %add3A_1122 : vector<16xf32>
    %bitcast3A_1128 = vector.bitcast %mul3A_1127 : vector<16xf32> to vector<16xi32>
    %shift_right_logical3A_1129 = arith.constant 23 : i32
    %shift_right_logical3A_1130 = vector.broadcast %shift_right_logical3A_1129 : i32 to vector<16xi32>
    %shift_right_logical3A_1131 = arith.shrui %bitcast3A_1128, %shift_right_logical3A_1130 : vector<16xi32>
    %sub3A_1132 = arith.constant 127 : i32
    %sub3A_1133 = vector.broadcast %sub3A_1132 : i32 to vector<16xi32>
    %sub3A_1134 = arith.subi %shift_right_logical3A_1131, %sub3A_1133 : vector<16xi32>
    %and3A_1135 = arith.constant 8388607 : i32
    %and3A_1136 = vector.broadcast %and3A_1135 : i32 to vector<16xi32>
    %and3A_1137 = arith.andi %bitcast3A_1128, %and3A_1136 : vector<16xi32>
    %or3A_1138 = arith.constant 1065353216 : i32
    %or3A_1139 = vector.broadcast %or3A_1138 : i32 to vector<16xi32>
    %or3A_1140 = arith.ori %and3A_1137, %or3A_1139 : vector<16xi32>
    %bitcast3A_1141 = vector.bitcast %or3A_1140 : vector<16xi32> to vector<16xf32>
    %gt3A_1142 = arith.constant 1.41421354 : f32
    %gt3A_1143 = vector.broadcast %gt3A_1142 : f32 to vector<16xf32>
    %gt3A_1144 = arith.cmpf ogt, %bitcast3A_1141, %gt3A_1143 : vector<16xf32>
    %mul3A_1145 = arith.constant 5.000000e-01 : f32
    %mul3A_1146 = vector.broadcast %mul3A_1145 : f32 to vector<16xf32>
    %mul3A_1147 = arith.mulf %bitcast3A_1141, %mul3A_1146 : vector<16xf32>
    %select_n3A_1148 = arith.select %gt3A_1144, %mul3A_1147, %bitcast3A_1141 : vector<16xi1>, vector<16xf32>
    %jit3A_1149 = arith.constant 1 : i32
    %jit3A_1150 = arith.constant 0 : i32
    %broadcast_in_dim3A_1151 = vector.broadcast %jit3A_1149 : i32 to vector<16xi32>
    %broadcast_in_dim3A_1152 = vector.broadcast %jit3A_1150 : i32 to vector<16xi32>
    %select_n3A_1153 = arith.select %gt3A_1144, %broadcast_in_dim3A_1151, %broadcast_in_dim3A_1152 : vector<16xi1>, vector<16xi32>
    %add3A_1154 = arith.addi %sub3A_1134, %select_n3A_1153 : vector<16xi32>
    %sub3A_1155 = arith.constant 1.000000e+00 : f32
    %sub3A_1156 = vector.broadcast %sub3A_1155 : f32 to vector<16xf32>
    %sub3A_1157 = arith.subf %select_n3A_1148, %sub3A_1156 : vector<16xf32>
    %add3A_1158 = arith.constant 1.000000e+00 : f32
    %add3A_1159 = vector.broadcast %add3A_1158 : f32 to vector<16xf32>
    %add3A_1160 = arith.addf %select_n3A_1148, %add3A_1159 : vector<16xf32>
    %div3A_1161 = arith.divf %sub3A_1157, %add3A_1160 : vector<16xf32>
    %mul3A_1162 = arith.mulf %div3A_1161, %div3A_1161 : vector<16xf32>
    %mul3A_1163 = arith.constant 2.000000e+00 : f32
    %mul3A_1164 = vector.broadcast %mul3A_1163 : f32 to vector<16xf32>
    %mul3A_1165 = arith.mulf %mul3A_1164, %div3A_1161 : vector<16xf32>
    %mul3A_1166 = arith.constant 0.142857149 : f32
    %mul3A_1167 = vector.broadcast %mul3A_1166 : f32 to vector<16xf32>
    %mul3A_1168 = arith.mulf %mul3A_1162, %mul3A_1167 : vector<16xf32>
    %add3A_1169 = arith.constant 2.000000e-01 : f32
    %add3A_1170 = vector.broadcast %add3A_1169 : f32 to vector<16xf32>
    %add3A_1171 = arith.addf %add3A_1170, %mul3A_1168 : vector<16xf32>
    %mul3A_1172 = arith.mulf %mul3A_1162, %add3A_1171 : vector<16xf32>
    %add3A_1173 = arith.constant 0.333333343 : f32
    %add3A_1174 = vector.broadcast %add3A_1173 : f32 to vector<16xf32>
    %add3A_1175 = arith.addf %add3A_1174, %mul3A_1172 : vector<16xf32>
    %mul3A_1176 = arith.mulf %mul3A_1162, %add3A_1175 : vector<16xf32>
    %add3A_1177 = arith.constant 1.000000e+00 : f32
    %add3A_1178 = vector.broadcast %add3A_1177 : f32 to vector<16xf32>
    %add3A_1179 = arith.addf %add3A_1178, %mul3A_1176 : vector<16xf32>
    %mul3A_1180 = arith.mulf %mul3A_1165, %add3A_1179 : vector<16xf32>
    %convert_element_type3A_1181 = arith.sitofp %add3A_1154 : vector<16xi32> to vector<16xf32>
    %mul3A_1182 = arith.constant 0.693147182 : f32
    %mul3A_1183 = vector.broadcast %mul3A_1182 : f32 to vector<16xf32>
    %mul3A_1184 = arith.mulf %convert_element_type3A_1181, %mul3A_1183 : vector<16xf32>
    %add3A_1185 = arith.addf %mul3A_1184, %mul3A_1180 : vector<16xf32>
    %swap3A_1186 = arith.constant 48 : index
    %swap3A_1187 = tpu.vector_load %arg10[%swap3A_1186] {strides = array<i32>} : memref<64xf32, #tpu.memory_space<vmem>>, vector<16xf32>,
    tpu.vector_store %arg10[%swap3A_1186], %add3A_1185 {strides = array<i32>} : memref<64xf32, #tpu.memory_space<vmem>>, vector<16xf32>,
    "tpu.region"() ({
      %run_scoped3A = tpu.sem_alloc : memref<!tpu.dma_semaphore, #tpu.memory_space<semaphore_mem>>
      %dma_start3A_1188 = tpu.memref_slice %arg6[%mul3A_2] : memref<2048xf32, #tpu.memory_space<hbm>> -> memref<64xf32, #tpu.memory_space<hbm>>
      %dma_start3A_1189 = tpu.memref_slice %arg6[%mul3A_2] : memref<2048xf32, #tpu.memory_space<hbm>> -> memref<64xf32, #tpu.memory_space<hbm>>
      tpu.enqueue_dma source(%arg11 : memref<64xf32, #tpu.memory_space<vmem>>) target(%dma_start3A_1189 : memref<64xf32, #tpu.memory_space<hbm>>) target_semaphore(%run_scoped3A : memref<!tpu.dma_semaphore, #tpu.memory_space<semaphore_mem>>)
      %dma_wait3A_1190 = tpu.memref_slice %arg6[%mul3A_2] : memref<2048xf32, #tpu.memory_space<hbm>> -> memref<64xf32, #tpu.memory_space<hbm>>
      %dma_wait3A_1191 = tpu.memref_slice %arg6[%mul3A_2] : memref<2048xf32, #tpu.memory_space<hbm>> -> memref<64xf32, #tpu.memory_space<hbm>>
      tpu.wait_dma2 semaphore(%run_scoped3A : memref<!tpu.dma_semaphore, #tpu.memory_space<semaphore_mem>>) src(%arg11 : memref<64xf32, #tpu.memory_space<vmem>>) dst(%dma_wait3A_1191 : memref<64xf32, #tpu.memory_space<hbm>>)
      tpu.yield
    }) : () -> ()
    "tpu.region"() ({
      %run_scoped3A = tpu.sem_alloc : memref<!tpu.dma_semaphore, #tpu.memory_space<semaphore_mem>>
      %dma_start3A_1188 = tpu.memref_slice %arg7[%mul3A_2] : memref<2048xf32, #tpu.memory_space<hbm>> -> memref<64xf32, #tpu.memory_space<hbm>>
      %dma_start3A_1189 = tpu.memref_slice %arg7[%mul3A_2] : memref<2048xf32, #tpu.memory_space<hbm>> -> memref<64xf32, #tpu.memory_space<hbm>>
      tpu.enqueue_dma source(%arg10 : memref<64xf32, #tpu.memory_space<vmem>>) target(%dma_start3A_1189 : memref<64xf32, #tpu.memory_space<hbm>>) target_semaphore(%run_scoped3A : memref<!tpu.dma_semaphore, #tpu.memory_space<semaphore_mem>>)
      %dma_wait3A_1190 = tpu.memref_slice %arg7[%mul3A_2] : memref<2048xf32, #tpu.memory_space<hbm>> -> memref<64xf32, #tpu.memory_space<hbm>>
      %dma_wait3A_1191 = tpu.memref_slice %arg7[%mul3A_2] : memref<2048xf32, #tpu.memory_space<hbm>> -> memref<64xf32, #tpu.memory_space<hbm>>
      tpu.wait_dma2 semaphore(%run_scoped3A : memref<!tpu.dma_semaphore, #tpu.memory_space<semaphore_mem>>) src(%arg10 : memref<64xf32, #tpu.memory_space<vmem>>) dst(%dma_wait3A_1191 : memref<64xf32, #tpu.memory_space<hbm>>)
      tpu.yield
    }) : () -> ()
    return
  }
}

module attributes {stable_mosaic.version = 14 : i64} {
  func.func @_tables_body(%arg0: memref<128x94xf32, #tpu.memory_space<vmem>>, %arg1: memref<128x96xf32, #tpu.memory_space<vmem>>, %arg2: memref<16x128x96xf32, #tpu.memory_space<vmem>>, %arg3: memref<16x128x256xf32, #tpu.memory_space<vmem>>, %arg4: memref<16x128x128xf32, #tpu.memory_space<vmem>>) attributes {dimension_semantics = [], scalar_prefetch = 0 : i64, scratch_operands = 0 : i64, tpu.core_type = #tpu.core_type<tc>} {
    %iota3A = tpu.iota {dimensions = array<i32: 0>} : vector<64x64xi32>
    %iota3A_0 = tpu.iota {dimensions = array<i32: 1>} : vector<64x64xi32>
    %lt3A = arith.cmpi slt, %iota3A, %iota3A_0 : vector<64x64xi32>
    %convert_element_type3A = arith.extui %lt3A : vector<64x64xi1> to vector<64x64xi32>
    %convert_element_type3A_1 = arith.sitofp %convert_element_type3A : vector<64x64xi32> to vector<64x64xf32>
    %iota3A_2 = tpu.iota {dimensions = array<i32: 0>} : vector<32x32xi32>
    %iota3A_3 = tpu.iota {dimensions = array<i32: 1>} : vector<32x32xi32>
    %lt3A_4 = arith.cmpi slt, %iota3A_2, %iota3A_3 : vector<32x32xi32>
    %convert_element_type3A_5 = arith.extui %lt3A_4 : vector<32x32xi1> to vector<32x32xi32>
    %convert_element_type3A_6 = arith.sitofp %convert_element_type3A_5 : vector<32x32xi32> to vector<32x32xf32>
    %broadcast_in_dim3A = arith.constant -1.000000e+09 : f32
    %broadcast_in_dim3A_7 = vector.broadcast %broadcast_in_dim3A : f32 to vector<128x1xf32>
    %get3A = arith.constant 0 : index
    %get3A_8 = arith.constant 0 : index
    %get3A_9 = vector.load %arg0[%get3A, %get3A_8] : memref<128x94xf32, #tpu.memory_space<vmem>>, vector<128x63xf32>
    %concatenate3A = tpu.concatenate %get3A_9, %broadcast_in_dim3A_7 in 1 : vector<128x63xf32>, vector<128x1xf32> -> vector<128x64xf32>
    %get3A_10 = arith.constant 0 : index
    %get3A_11 = arith.constant 63 : index
    %get3A_12 = vector.load %arg0[%get3A_10, %get3A_11] : memref<128x94xf32, #tpu.memory_space<vmem>>, vector<128x31xf32>
    %concatenate3A_13 = tpu.concatenate %get3A_12, %broadcast_in_dim3A_7 in 1 : vector<128x31xf32>, vector<128x1xf32> -> vector<128x32xf32>
    %get3A_14 = arith.constant 0 : index
    %get3A_15 = arith.constant 0 : index
    %get3A_16 = vector.load %arg1[%get3A_14, %get3A_15] : memref<128x96xf32, #tpu.memory_space<vmem>>, vector<128x64xf32>
    %get3A_17 = arith.constant 0 : index
    %get3A_18 = arith.constant 64 : index
    %get3A_19 = vector.load %arg1[%get3A_17, %get3A_18] : memref<128x96xf32, #tpu.memory_space<vmem>>, vector<128x32xf32>
    %get3A_20 = arith.constant 0 : index
    %get3A_21 = arith.constant 0 : index
    %get3A_22 = arith.constant 0 : index
    %get3A_23 = vector.load %arg2[%get3A_20, %get3A_21, %get3A_22] : memref<16x128x96xf32, #tpu.memory_space<vmem>>, vector<16x128x64xf32>
    %get3A_24 = arith.constant 0 : index
    %get3A_25 = arith.constant 0 : index
    %get3A_26 = arith.constant 64 : index
    %get3A_27 = vector.load %arg2[%get3A_24, %get3A_25, %get3A_26] : memref<16x128x96xf32, #tpu.memory_space<vmem>>, vector<16x128x32xf32>
    %broadcast_in_dim3A_28 = arith.constant 7.812500e-03 : f32
    %broadcast_in_dim3A_29 = vector.broadcast %broadcast_in_dim3A_28 : f32 to vector<16x128x1xf32>
    %exp3A = math.exp %concatenate3A : vector<128x64xf32>
    %reduce_sum3A = arith.constant dense<0.000000e+00> : vector<128xf32>
    %reduce_sum3A_30 = vector.multi_reduction <add>, %exp3A, %reduce_sum3A [1] : vector<128x64xf32> to vector<128xf32>
    %broadcast_in_dim3A_31 = vector.shape_cast %reduce_sum3A_30 : vector<128xf32> to vector<128x1xf32>
    %div3A = vector.broadcast %broadcast_in_dim3A_31 : vector<128x1xf32> to vector<128x64xf32>
    %div3A_32 = arith.divf %exp3A, %div3A : vector<128x64xf32>
    %broadcast_in_dim3A_33 = vector.shape_cast %div3A_32 : vector<128x64xf32> to vector<1x128x64xf32>
    %mul3A = vector.broadcast %broadcast_in_dim3A_33 : vector<1x128x64xf32> to vector<16x128x64xf32>
    %mul3A_34 = vector.broadcast %broadcast_in_dim3A_29 : vector<16x128x1xf32> to vector<16x128x64xf32>
    %mul3A_35 = arith.mulf %mul3A, %mul3A_34 : vector<16x128x64xf32>
    %reshape3A = vector.shape_cast %mul3A_35 : vector<16x128x64xf32> to vector<2048x64xf32>
    %dot_general3A = arith.constant dense<0.000000e+00> : vector<2048x64xf32>
    %dot_general3A_36 = tpu.matmul %reshape3A, %convert_element_type3A_1, %dot_general3A {dimension_numbers = #tpu.dot_dimension_numbers<[1], [0], [0], [1], [0, 0, 1, 1], [], []>, precision = #tpu.contract_precision<fp32>, transpose_lhs_hint = false} : vector<2048x64xf32>, vector<64x64xf32>, vector<2048x64xf32> -> vector<2048x64xf32>
    %reshape3A_37 = vector.shape_cast %dot_general3A_36 : vector<2048x64xf32> to vector<16x128x64xf32>
    %reduce_sum3A_38 = arith.constant dense<0.000000e+00> : vector<16x128xf32>
    %reduce_sum3A_39 = vector.multi_reduction <add>, %mul3A_35, %reduce_sum3A_38 [2] : vector<16x128x64xf32> to vector<16x128xf32>
    %broadcast_in_dim3A_40 = vector.shape_cast %reduce_sum3A_39 : vector<16x128xf32> to vector<16x128x1xf32>
    %broadcast_in_dim3A_41 = arith.constant 0.000000e+00 : f32
    %broadcast_in_dim3A_42 = vector.broadcast %broadcast_in_dim3A_41 : f32 to vector<16x1x1xf32>
    %slice3A = vector.extract_strided_slice %broadcast_in_dim3A_40 {offsets = [0, 0, 0], sizes = [16, 127, 1], strides = [1, 1, 1]} : vector<16x128x1xf32> to vector<16x127x1xf32>
    %concatenate3A_43 = tpu.concatenate %broadcast_in_dim3A_42, %slice3A in 1 : vector<16x1x1xf32>, vector<16x127x1xf32> -> vector<16x128x1xf32>
    %add3A = arith.addf %broadcast_in_dim3A_40, %concatenate3A_43 : vector<16x128x1xf32>
    %broadcast_in_dim3A_44 = arith.constant 0.000000e+00 : f32
    %broadcast_in_dim3A_45 = vector.broadcast %broadcast_in_dim3A_44 : f32 to vector<16x2x1xf32>
    %slice3A_46 = vector.extract_strided_slice %add3A {offsets = [0, 0, 0], sizes = [16, 126, 1], strides = [1, 1, 1]} : vector<16x128x1xf32> to vector<16x126x1xf32>
    %concatenate3A_47 = tpu.concatenate %broadcast_in_dim3A_45, %slice3A_46 in 1 : vector<16x2x1xf32>, vector<16x126x1xf32> -> vector<16x128x1xf32>
    %add3A_48 = arith.addf %add3A, %concatenate3A_47 : vector<16x128x1xf32>
    %broadcast_in_dim3A_49 = arith.constant 0.000000e+00 : f32
    %broadcast_in_dim3A_50 = vector.broadcast %broadcast_in_dim3A_49 : f32 to vector<16x4x1xf32>
    %slice3A_51 = vector.extract_strided_slice %add3A_48 {offsets = [0, 0, 0], sizes = [16, 124, 1], strides = [1, 1, 1]} : vector<16x128x1xf32> to vector<16x124x1xf32>
    %concatenate3A_52 = tpu.concatenate %broadcast_in_dim3A_50, %slice3A_51 in 1 : vector<16x4x1xf32>, vector<16x124x1xf32> -> vector<16x128x1xf32>
    %add3A_53 = arith.addf %add3A_48, %concatenate3A_52 : vector<16x128x1xf32>
    %broadcast_in_dim3A_54 = arith.constant 0.000000e+00 : f32
    %broadcast_in_dim3A_55 = vector.broadcast %broadcast_in_dim3A_54 : f32 to vector<16x8x1xf32>
    %slice3A_56 = vector.extract_strided_slice %add3A_53 {offsets = [0, 0, 0], sizes = [16, 120, 1], strides = [1, 1, 1]} : vector<16x128x1xf32> to vector<16x120x1xf32>
    %concatenate3A_57 = tpu.concatenate %broadcast_in_dim3A_55, %slice3A_56 in 1 : vector<16x8x1xf32>, vector<16x120x1xf32> -> vector<16x128x1xf32>
    %add3A_58 = arith.addf %add3A_53, %concatenate3A_57 : vector<16x128x1xf32>
    %broadcast_in_dim3A_59 = arith.constant 0.000000e+00 : f32
    %broadcast_in_dim3A_60 = vector.broadcast %broadcast_in_dim3A_59 : f32 to vector<16x16x1xf32>
    %slice3A_61 = vector.extract_strided_slice %add3A_58 {offsets = [0, 0, 0], sizes = [16, 112, 1], strides = [1, 1, 1]} : vector<16x128x1xf32> to vector<16x112x1xf32>
    %concatenate3A_62 = tpu.concatenate %broadcast_in_dim3A_60, %slice3A_61 in 1 : vector<16x16x1xf32>, vector<16x112x1xf32> -> vector<16x128x1xf32>
    %add3A_63 = arith.addf %add3A_58, %concatenate3A_62 : vector<16x128x1xf32>
    %broadcast_in_dim3A_64 = arith.constant 0.000000e+00 : f32
    %broadcast_in_dim3A_65 = vector.broadcast %broadcast_in_dim3A_64 : f32 to vector<16x32x1xf32>
    %slice3A_66 = vector.extract_strided_slice %add3A_63 {offsets = [0, 0, 0], sizes = [16, 96, 1], strides = [1, 1, 1]} : vector<16x128x1xf32> to vector<16x96x1xf32>
    %concatenate3A_67 = tpu.concatenate %broadcast_in_dim3A_65, %slice3A_66 in 1 : vector<16x32x1xf32>, vector<16x96x1xf32> -> vector<16x128x1xf32>
    %add3A_68 = arith.addf %add3A_63, %concatenate3A_67 : vector<16x128x1xf32>
    %broadcast_in_dim3A_69 = arith.constant 0.000000e+00 : f32
    %broadcast_in_dim3A_70 = vector.broadcast %broadcast_in_dim3A_69 : f32 to vector<16x64x1xf32>
    %slice3A_71 = vector.extract_strided_slice %add3A_68 {offsets = [0, 0, 0], sizes = [16, 64, 1], strides = [1, 1, 1]} : vector<16x128x1xf32> to vector<16x64x1xf32>
    %concatenate3A_72 = tpu.concatenate %broadcast_in_dim3A_70, %slice3A_71 in 1 : vector<16x64x1xf32>, vector<16x64x1xf32> -> vector<16x128x1xf32>
    %add3A_73 = arith.addf %add3A_68, %concatenate3A_72 : vector<16x128x1xf32>
    %sub3A = arith.subf %add3A_73, %broadcast_in_dim3A_40 : vector<16x128x1xf32>
    %iota3A_74 = tpu.iota {dimensions = array<i32: 1>} : vector<16x128x64xi32>
    %iota3A_75 = tpu.iota {dimensions = array<i32: 2>} : vector<16x128x64xi32>
    %eq3A = arith.constant 127 : i32
    %eq3A_76 = vector.broadcast %eq3A : i32 to vector<16x128x64xi32>
    %eq3A_77 = arith.cmpi eq, %iota3A_74, %eq3A_76 : vector<16x128x64xi32>
    %eq3A_78 = arith.constant 63 : i32
    %eq3A_79 = vector.broadcast %eq3A_78 : i32 to vector<16x128x64xi32>
    %eq3A_80 = arith.cmpi eq, %iota3A_75, %eq3A_79 : vector<16x128x64xi32>
    %and3A = arith.andi %eq3A_77, %eq3A_80 : vector<16x128x64xi1>
    %add3A_81 = vector.broadcast %sub3A : vector<16x128x1xf32> to vector<16x128x64xf32>
    %add3A_82 = arith.addf %add3A_81, %reshape3A_37 : vector<16x128x64xf32>
    %jit3A = arith.constant 1.000000e+00 : f32
    %broadcast_in_dim3A_83 = vector.broadcast %jit3A : f32 to vector<16x128x64xf32>
    %select_n3A = arith.select %and3A, %broadcast_in_dim3A_83, %add3A_82 : vector<16x128x64xi1>, vector<16x128x64xf32>
    %swap3A = arith.constant 0 : index
    %swap3A_84 = arith.constant 0 : index
    %swap3A_85 = arith.constant 0 : index
    %swap3A_86 = vector.load %arg3[%swap3A, %swap3A_84, %swap3A_85] : memref<16x128x256xf32, #tpu.memory_space<vmem>>, vector<16x128x64xf32>
    tpu.vector_store %arg3[%swap3A, %swap3A_84, %swap3A_85], %select_n3A {strides = array<i32>} : memref<16x128x256xf32, #tpu.memory_space<vmem>>, vector<16x128x64xf32>,
    %swap3A_87 = arith.constant 0 : index
    %swap3A_88 = arith.constant 0 : index
    %swap3A_89 = arith.constant 64 : index
    %swap3A_90 = vector.load %arg3[%swap3A_87, %swap3A_88, %swap3A_89] : memref<16x128x256xf32, #tpu.memory_space<vmem>>, vector<16x128x64xf32>
    tpu.vector_store %arg3[%swap3A_87, %swap3A_88, %swap3A_89], %mul3A_35 {strides = array<i32>} : memref<16x128x256xf32, #tpu.memory_space<vmem>>, vector<16x128x64xf32>,
    %broadcast_in_dim3A_91 = vector.shape_cast %get3A_16 : vector<128x64xf32> to vector<1x128x64xf32>
    %add3A_92 = vector.broadcast %broadcast_in_dim3A_91 : vector<1x128x64xf32> to vector<16x128x64xf32>
    %add3A_93 = arith.addf %get3A_23, %add3A_92 : vector<16x128x64xf32>
    %exp3A_94 = math.exp %add3A_93 : vector<16x128x64xf32>
    %slice3A_95 = vector.extract_strided_slice %exp3A_94 {offsets = [0, 0, 1], sizes = [16, 128, 63], strides = [1, 1, 1]} : vector<16x128x64xf32> to vector<16x128x63xf32>
    %slice3A_96 = vector.extract_strided_slice %exp3A_94 {offsets = [0, 0, 63], sizes = [16, 128, 1], strides = [1, 1, 1]} : vector<16x128x64xf32> to vector<16x128x1xf32>
    %concatenate3A_97 = tpu.concatenate %slice3A_95, %slice3A_96 in 2 : vector<16x128x63xf32>, vector<16x128x1xf32> -> vector<16x128x64xf32>
    %add3A_98 = arith.addf %exp3A_94, %concatenate3A_97 : vector<16x128x64xf32>
    %mul3A_99 = arith.constant 5.000000e-01 : f32
    %mul3A_100 = vector.broadcast %mul3A_99 : f32 to vector<16x128x64xf32>
    %mul3A_101 = arith.mulf %add3A_98, %mul3A_100 : vector<16x128x64xf32>
    %mul3A_102 = arith.mulf %mul3A_101, %mul3A_35 : vector<16x128x64xf32>
    %reduce_sum3A_103 = arith.constant dense<0.000000e+00> : vector<16x128xf32>
    %reduce_sum3A_104 = vector.multi_reduction <add>, %mul3A_102, %reduce_sum3A_103 [2] : vector<16x128x64xf32> to vector<16x128xf32>
    %broadcast_in_dim3A_105 = vector.shape_cast %reduce_sum3A_104 : vector<16x128xf32> to vector<16x128x1xf32>
    %reduce_sum3A_106 = arith.constant dense<0.000000e+00> : vector<16x1xf32>
    %reduce_sum3A_107 = vector.multi_reduction <add>, %broadcast_in_dim3A_105, %reduce_sum3A_106 [1] : vector<16x128x1xf32> to vector<16x1xf32>
    %broadcast_in_dim3A_108 = vector.shape_cast %reduce_sum3A_107 : vector<16x1xf32> to vector<16x1x1xf32>
    %div3A_109 = arith.constant 1.000000e+00 : f32
    %div3A_110 = vector.broadcast %div3A_109 : f32 to vector<16x1x1xf32>
    %div3A_111 = arith.divf %div3A_110, %broadcast_in_dim3A_108 : vector<16x1x1xf32>
    %mul3A_112 = vector.broadcast %div3A_111 : vector<16x1x1xf32> to vector<16x128x64xf32>
    %mul3A_113 = arith.mulf %exp3A_94, %mul3A_112 : vector<16x128x64xf32>
    %swap3A_114 = arith.constant 0 : index
    %swap3A_115 = arith.constant 0 : index
    %swap3A_116 = arith.constant 128 : index
    %swap3A_117 = vector.load %arg3[%swap3A_114, %swap3A_115, %swap3A_116] : memref<16x128x256xf32, #tpu.memory_space<vmem>>, vector<16x128x64xf32>
    tpu.vector_store %arg3[%swap3A_114, %swap3A_115, %swap3A_116], %mul3A_113 {strides = array<i32>} : memref<16x128x256xf32, #tpu.memory_space<vmem>>, vector<16x128x64xf32>,
    %mul3A_118 = vector.broadcast %div3A_111 : vector<16x1x1xf32> to vector<16x128x64xf32>
    %mul3A_119 = arith.mulf %mul3A_102, %mul3A_118 : vector<16x128x64xf32>
    %reshape3A_120 = vector.shape_cast %mul3A_119 : vector<16x128x64xf32> to vector<2048x64xf32>
    %dot_general3A_121 = arith.constant dense<0.000000e+00> : vector<2048x64xf32>
    %dot_general3A_122 = tpu.matmul %reshape3A_120, %convert_element_type3A_1, %dot_general3A_121 {dimension_numbers = #tpu.dot_dimension_numbers<[1], [0], [0], [1], [0, 0, 1, 1], [], []>, precision = #tpu.contract_precision<fp32>, transpose_lhs_hint = false} : vector<2048x64xf32>, vector<64x64xf32>, vector<2048x64xf32> -> vector<2048x64xf32>
    %reshape3A_123 = vector.shape_cast %dot_general3A_122 : vector<2048x64xf32> to vector<16x128x64xf32>
    %mul3A_124 = vector.broadcast %div3A_111 : vector<16x1x1xf32> to vector<16x128x1xf32>
    %mul3A_125 = arith.mulf %broadcast_in_dim3A_105, %mul3A_124 : vector<16x128x1xf32>
    %broadcast_in_dim3A_126 = arith.constant 0.000000e+00 : f32
    %broadcast_in_dim3A_127 = vector.broadcast %broadcast_in_dim3A_126 : f32 to vector<16x1x1xf32>
    %slice3A_128 = vector.extract_strided_slice %mul3A_125 {offsets = [0, 0, 0], sizes = [16, 127, 1], strides = [1, 1, 1]} : vector<16x128x1xf32> to vector<16x127x1xf32>
    %concatenate3A_129 = tpu.concatenate %broadcast_in_dim3A_127, %slice3A_128 in 1 : vector<16x1x1xf32>, vector<16x127x1xf32> -> vector<16x128x1xf32>
    %add3A_130 = arith.addf %mul3A_125, %concatenate3A_129 : vector<16x128x1xf32>
    %broadcast_in_dim3A_131 = arith.constant 0.000000e+00 : f32
    %broadcast_in_dim3A_132 = vector.broadcast %broadcast_in_dim3A_131 : f32 to vector<16x2x1xf32>
    %slice3A_133 = vector.extract_strided_slice %add3A_130 {offsets = [0, 0, 0], sizes = [16, 126, 1], strides = [1, 1, 1]} : vector<16x128x1xf32> to vector<16x126x1xf32>
    %concatenate3A_134 = tpu.concatenate %broadcast_in_dim3A_132, %slice3A_133 in 1 : vector<16x2x1xf32>, vector<16x126x1xf32> -> vector<16x128x1xf32>
    %add3A_135 = arith.addf %add3A_130, %concatenate3A_134 : vector<16x128x1xf32>
    %broadcast_in_dim3A_136 = arith.constant 0.000000e+00 : f32
    %broadcast_in_dim3A_137 = vector.broadcast %broadcast_in_dim3A_136 : f32 to vector<16x4x1xf32>
    %slice3A_138 = vector.extract_strided_slice %add3A_135 {offsets = [0, 0, 0], sizes = [16, 124, 1], strides = [1, 1, 1]} : vector<16x128x1xf32> to vector<16x124x1xf32>
    %concatenate3A_139 = tpu.concatenate %broadcast_in_dim3A_137, %slice3A_138 in 1 : vector<16x4x1xf32>, vector<16x124x1xf32> -> vector<16x128x1xf32>
    %add3A_140 = arith.addf %add3A_135, %concatenate3A_139 : vector<16x128x1xf32>
    %broadcast_in_dim3A_141 = arith.constant 0.000000e+00 : f32
    %broadcast_in_dim3A_142 = vector.broadcast %broadcast_in_dim3A_141 : f32 to vector<16x8x1xf32>
    %slice3A_143 = vector.extract_strided_slice %add3A_140 {offsets = [0, 0, 0], sizes = [16, 120, 1], strides = [1, 1, 1]} : vector<16x128x1xf32> to vector<16x120x1xf32>
    %concatenate3A_144 = tpu.concatenate %broadcast_in_dim3A_142, %slice3A_143 in 1 : vector<16x8x1xf32>, vector<16x120x1xf32> -> vector<16x128x1xf32>
    %add3A_145 = arith.addf %add3A_140, %concatenate3A_144 : vector<16x128x1xf32>
    %broadcast_in_dim3A_146 = arith.constant 0.000000e+00 : f32
    %broadcast_in_dim3A_147 = vector.broadcast %broadcast_in_dim3A_146 : f32 to vector<16x16x1xf32>
    %slice3A_148 = vector.extract_strided_slice %add3A_145 {offsets = [0, 0, 0], sizes = [16, 112, 1], strides = [1, 1, 1]} : vector<16x128x1xf32> to vector<16x112x1xf32>
    %concatenate3A_149 = tpu.concatenate %broadcast_in_dim3A_147, %slice3A_148 in 1 : vector<16x16x1xf32>, vector<16x112x1xf32> -> vector<16x128x1xf32>
    %add3A_150 = arith.addf %add3A_145, %concatenate3A_149 : vector<16x128x1xf32>
    %broadcast_in_dim3A_151 = arith.constant 0.000000e+00 : f32
    %broadcast_in_dim3A_152 = vector.broadcast %broadcast_in_dim3A_151 : f32 to vector<16x32x1xf32>
    %slice3A_153 = vector.extract_strided_slice %add3A_150 {offsets = [0, 0, 0], sizes = [16, 96, 1], strides = [1, 1, 1]} : vector<16x128x1xf32> to vector<16x96x1xf32>
    %concatenate3A_154 = tpu.concatenate %broadcast_in_dim3A_152, %slice3A_153 in 1 : vector<16x32x1xf32>, vector<16x96x1xf32> -> vector<16x128x1xf32>
    %add3A_155 = arith.addf %add3A_150, %concatenate3A_154 : vector<16x128x1xf32>
    %broadcast_in_dim3A_156 = arith.constant 0.000000e+00 : f32
    %broadcast_in_dim3A_157 = vector.broadcast %broadcast_in_dim3A_156 : f32 to vector<16x64x1xf32>
    %slice3A_158 = vector.extract_strided_slice %add3A_155 {offsets = [0, 0, 0], sizes = [16, 64, 1], strides = [1, 1, 1]} : vector<16x128x1xf32> to vector<16x64x1xf32>
    %concatenate3A_159 = tpu.concatenate %broadcast_in_dim3A_157, %slice3A_158 in 1 : vector<16x64x1xf32>, vector<16x64x1xf32> -> vector<16x128x1xf32>
    %add3A_160 = arith.addf %add3A_155, %concatenate3A_159 : vector<16x128x1xf32>
    %sub3A_161 = arith.subf %add3A_160, %mul3A_125 : vector<16x128x1xf32>
    %add3A_162 = vector.broadcast %sub3A_161 : vector<16x128x1xf32> to vector<16x128x64xf32>
    %add3A_163 = arith.addf %add3A_162, %reshape3A_123 : vector<16x128x64xf32>
    %jit3A_164 = arith.constant 1.000000e+00 : f32
    %broadcast_in_dim3A_165 = vector.broadcast %jit3A_164 : f32 to vector<16x128x64xf32>
    %select_n3A_166 = arith.select %and3A, %broadcast_in_dim3A_165, %add3A_163 : vector<16x128x64xi1>, vector<16x128x64xf32>
    %swap3A_167 = arith.constant 0 : index
    %swap3A_168 = arith.constant 0 : index
    %swap3A_169 = arith.constant 192 : index
    %swap3A_170 = vector.load %arg3[%swap3A_167, %swap3A_168, %swap3A_169] : memref<16x128x256xf32, #tpu.memory_space<vmem>>, vector<16x128x64xf32>
    tpu.vector_store %arg3[%swap3A_167, %swap3A_168, %swap3A_169], %select_n3A_166 {strides = array<i32>} : memref<16x128x256xf32, #tpu.memory_space<vmem>>, vector<16x128x64xf32>,
    %add3A_171 = arith.addf %sub3A_161, %mul3A_125 : vector<16x128x1xf32>
    %iota3A_172 = tpu.iota {dimensions = array<i32: 1>} : vector<16x128x1xi32>
    %eq3A_173 = arith.constant 127 : i32
    %eq3A_174 = vector.broadcast %eq3A_173 : i32 to vector<16x128x1xi32>
    %eq3A_175 = arith.cmpi eq, %iota3A_172, %eq3A_174 : vector<16x128x1xi32>
    %jit3A_176 = arith.constant 1.000000e+00 : f32
    %broadcast_in_dim3A_177 = vector.broadcast %jit3A_176 : f32 to vector<16x128x1xf32>
    %select_n3A_178 = arith.select %eq3A_175, %broadcast_in_dim3A_177, %add3A_171 : vector<16x128x1xi1>, vector<16x128x1xf32>
    %broadcast_in_dim3A_179 = arith.constant 0.000000e+00 : f32
    %broadcast_in_dim3A_180 = vector.broadcast %broadcast_in_dim3A_179 : f32 to vector<16x1x1xf32>
    %slice3A_181 = vector.extract_strided_slice %select_n3A_178 {offsets = [0, 0, 0], sizes = [16, 127, 1], strides = [1, 1, 1]} : vector<16x128x1xf32> to vector<16x127x1xf32>
    %concatenate3A_182 = tpu.concatenate %broadcast_in_dim3A_180, %slice3A_181 in 1 : vector<16x1x1xf32>, vector<16x127x1xf32> -> vector<16x128x1xf32>
    %sub3A_183 = arith.subf %select_n3A_178, %concatenate3A_182 : vector<16x128x1xf32>
    %exp3A_184 = math.exp %concatenate3A_13 : vector<128x32xf32>
    %reduce_sum3A_185 = arith.constant dense<0.000000e+00> : vector<128xf32>
    %reduce_sum3A_186 = vector.multi_reduction <add>, %exp3A_184, %reduce_sum3A_185 [1] : vector<128x32xf32> to vector<128xf32>
    %broadcast_in_dim3A_187 = vector.shape_cast %reduce_sum3A_186 : vector<128xf32> to vector<128x1xf32>
    %div3A_188 = vector.broadcast %broadcast_in_dim3A_187 : vector<128x1xf32> to vector<128x32xf32>
    %div3A_189 = arith.divf %exp3A_184, %div3A_188 : vector<128x32xf32>
    %broadcast_in_dim3A_190 = vector.shape_cast %div3A_189 : vector<128x32xf32> to vector<1x128x32xf32>
    %mul3A_191 = vector.broadcast %broadcast_in_dim3A_190 : vector<1x128x32xf32> to vector<16x128x32xf32>
    %mul3A_192 = vector.broadcast %sub3A_183 : vector<16x128x1xf32> to vector<16x128x32xf32>
    %mul3A_193 = arith.mulf %mul3A_191, %mul3A_192 : vector<16x128x32xf32>
    %reshape3A_194 = vector.shape_cast %mul3A_193 : vector<16x128x32xf32> to vector<2048x32xf32>
    %dot_general3A_195 = arith.constant dense<0.000000e+00> : vector<2048x32xf32>
    %dot_general3A_196 = tpu.matmul %reshape3A_194, %convert_element_type3A_6, %dot_general3A_195 {dimension_numbers = #tpu.dot_dimension_numbers<[1], [0], [0], [1], [0, 0, 1, 1], [], []>, precision = #tpu.contract_precision<fp32>, transpose_lhs_hint = false} : vector<2048x32xf32>, vector<32x32xf32>, vector<2048x32xf32> -> vector<2048x32xf32>
    %reshape3A_197 = vector.shape_cast %dot_general3A_196 : vector<2048x32xf32> to vector<16x128x32xf32>
    %reduce_sum3A_198 = arith.constant dense<0.000000e+00> : vector<16x128xf32>
    %reduce_sum3A_199 = vector.multi_reduction <add>, %mul3A_193, %reduce_sum3A_198 [2] : vector<16x128x32xf32> to vector<16x128xf32>
    %broadcast_in_dim3A_200 = vector.shape_cast %reduce_sum3A_199 : vector<16x128xf32> to vector<16x128x1xf32>
    %broadcast_in_dim3A_201 = arith.constant 0.000000e+00 : f32
    %broadcast_in_dim3A_202 = vector.broadcast %broadcast_in_dim3A_201 : f32 to vector<16x1x1xf32>
    %slice3A_203 = vector.extract_strided_slice %broadcast_in_dim3A_200 {offsets = [0, 0, 0], sizes = [16, 127, 1], strides = [1, 1, 1]} : vector<16x128x1xf32> to vector<16x127x1xf32>
    %concatenate3A_204 = tpu.concatenate %broadcast_in_dim3A_202, %slice3A_203 in 1 : vector<16x1x1xf32>, vector<16x127x1xf32> -> vector<16x128x1xf32>
    %add3A_205 = arith.addf %broadcast_in_dim3A_200, %concatenate3A_204 : vector<16x128x1xf32>
    %broadcast_in_dim3A_206 = arith.constant 0.000000e+00 : f32
    %broadcast_in_dim3A_207 = vector.broadcast %broadcast_in_dim3A_206 : f32 to vector<16x2x1xf32>
    %slice3A_208 = vector.extract_strided_slice %add3A_205 {offsets = [0, 0, 0], sizes = [16, 126, 1], strides = [1, 1, 1]} : vector<16x128x1xf32> to vector<16x126x1xf32>
    %concatenate3A_209 = tpu.concatenate %broadcast_in_dim3A_207, %slice3A_208 in 1 : vector<16x2x1xf32>, vector<16x126x1xf32> -> vector<16x128x1xf32>
    %add3A_210 = arith.addf %add3A_205, %concatenate3A_209 : vector<16x128x1xf32>
    %broadcast_in_dim3A_211 = arith.constant 0.000000e+00 : f32
    %broadcast_in_dim3A_212 = vector.broadcast %broadcast_in_dim3A_211 : f32 to vector<16x4x1xf32>
    %slice3A_213 = vector.extract_strided_slice %add3A_210 {offsets = [0, 0, 0], sizes = [16, 124, 1], strides = [1, 1, 1]} : vector<16x128x1xf32> to vector<16x124x1xf32>
    %concatenate3A_214 = tpu.concatenate %broadcast_in_dim3A_212, %slice3A_213 in 1 : vector<16x4x1xf32>, vector<16x124x1xf32> -> vector<16x128x1xf32>
    %add3A_215 = arith.addf %add3A_210, %concatenate3A_214 : vector<16x128x1xf32>
    %broadcast_in_dim3A_216 = arith.constant 0.000000e+00 : f32
    %broadcast_in_dim3A_217 = vector.broadcast %broadcast_in_dim3A_216 : f32 to vector<16x8x1xf32>
    %slice3A_218 = vector.extract_strided_slice %add3A_215 {offsets = [0, 0, 0], sizes = [16, 120, 1], strides = [1, 1, 1]} : vector<16x128x1xf32> to vector<16x120x1xf32>
    %concatenate3A_219 = tpu.concatenate %broadcast_in_dim3A_217, %slice3A_218 in 1 : vector<16x8x1xf32>, vector<16x120x1xf32> -> vector<16x128x1xf32>
    %add3A_220 = arith.addf %add3A_215, %concatenate3A_219 : vector<16x128x1xf32>
    %broadcast_in_dim3A_221 = arith.constant 0.000000e+00 : f32
    %broadcast_in_dim3A_222 = vector.broadcast %broadcast_in_dim3A_221 : f32 to vector<16x16x1xf32>
    %slice3A_223 = vector.extract_strided_slice %add3A_220 {offsets = [0, 0, 0], sizes = [16, 112, 1], strides = [1, 1, 1]} : vector<16x128x1xf32> to vector<16x112x1xf32>
    %concatenate3A_224 = tpu.concatenate %broadcast_in_dim3A_222, %slice3A_223 in 1 : vector<16x16x1xf32>, vector<16x112x1xf32> -> vector<16x128x1xf32>
    %add3A_225 = arith.addf %add3A_220, %concatenate3A_224 : vector<16x128x1xf32>
    %broadcast_in_dim3A_226 = arith.constant 0.000000e+00 : f32
    %broadcast_in_dim3A_227 = vector.broadcast %broadcast_in_dim3A_226 : f32 to vector<16x32x1xf32>
    %slice3A_228 = vector.extract_strided_slice %add3A_225 {offsets = [0, 0, 0], sizes = [16, 96, 1], strides = [1, 1, 1]} : vector<16x128x1xf32> to vector<16x96x1xf32>
    %concatenate3A_229 = tpu.concatenate %broadcast_in_dim3A_227, %slice3A_228 in 1 : vector<16x32x1xf32>, vector<16x96x1xf32> -> vector<16x128x1xf32>
    %add3A_230 = arith.addf %add3A_225, %concatenate3A_229 : vector<16x128x1xf32>
    %broadcast_in_dim3A_231 = arith.constant 0.000000e+00 : f32
    %broadcast_in_dim3A_232 = vector.broadcast %broadcast_in_dim3A_231 : f32 to vector<16x64x1xf32>
    %slice3A_233 = vector.extract_strided_slice %add3A_230 {offsets = [0, 0, 0], sizes = [16, 64, 1], strides = [1, 1, 1]} : vector<16x128x1xf32> to vector<16x64x1xf32>
    %concatenate3A_234 = tpu.concatenate %broadcast_in_dim3A_232, %slice3A_233 in 1 : vector<16x64x1xf32>, vector<16x64x1xf32> -> vector<16x128x1xf32>
    %add3A_235 = arith.addf %add3A_230, %concatenate3A_234 : vector<16x128x1xf32>
    %sub3A_236 = arith.subf %add3A_235, %broadcast_in_dim3A_200 : vector<16x128x1xf32>
    %iota3A_237 = tpu.iota {dimensions = array<i32: 1>} : vector<16x128x32xi32>
    %iota3A_238 = tpu.iota {dimensions = array<i32: 2>} : vector<16x128x32xi32>
    %eq3A_239 = arith.constant 127 : i32
    %eq3A_240 = vector.broadcast %eq3A_239 : i32 to vector<16x128x32xi32>
    %eq3A_241 = arith.cmpi eq, %iota3A_237, %eq3A_240 : vector<16x128x32xi32>
    %eq3A_242 = arith.constant 31 : i32
    %eq3A_243 = vector.broadcast %eq3A_242 : i32 to vector<16x128x32xi32>
    %eq3A_244 = arith.cmpi eq, %iota3A_238, %eq3A_243 : vector<16x128x32xi32>
    %and3A_245 = arith.andi %eq3A_241, %eq3A_244 : vector<16x128x32xi1>
    %add3A_246 = vector.broadcast %sub3A_236 : vector<16x128x1xf32> to vector<16x128x32xf32>
    %add3A_247 = arith.addf %add3A_246, %reshape3A_197 : vector<16x128x32xf32>
    %jit3A_248 = arith.constant 1.000000e+00 : f32
    %broadcast_in_dim3A_249 = vector.broadcast %jit3A_248 : f32 to vector<16x128x32xf32>
    %select_n3A_250 = arith.select %and3A_245, %broadcast_in_dim3A_249, %add3A_247 : vector<16x128x32xi1>, vector<16x128x32xf32>
    %swap3A_251 = arith.constant 0 : index
    %swap3A_252 = arith.constant 0 : index
    %swap3A_253 = arith.constant 0 : index
    %swap3A_254 = vector.load %arg4[%swap3A_251, %swap3A_252, %swap3A_253] : memref<16x128x128xf32, #tpu.memory_space<vmem>>, vector<16x128x32xf32>
    tpu.vector_store %arg4[%swap3A_251, %swap3A_252, %swap3A_253], %select_n3A_250 {strides = array<i32>} : memref<16x128x128xf32, #tpu.memory_space<vmem>>, vector<16x128x32xf32>,
    %swap3A_255 = arith.constant 0 : index
    %swap3A_256 = arith.constant 0 : index
    %swap3A_257 = arith.constant 32 : index
    %swap3A_258 = vector.load %arg4[%swap3A_255, %swap3A_256, %swap3A_257] : memref<16x128x128xf32, #tpu.memory_space<vmem>>, vector<16x128x32xf32>
    tpu.vector_store %arg4[%swap3A_255, %swap3A_256, %swap3A_257], %mul3A_193 {strides = array<i32>} : memref<16x128x128xf32, #tpu.memory_space<vmem>>, vector<16x128x32xf32>,
    %broadcast_in_dim3A_259 = vector.shape_cast %get3A_19 : vector<128x32xf32> to vector<1x128x32xf32>
    %add3A_260 = vector.broadcast %broadcast_in_dim3A_259 : vector<1x128x32xf32> to vector<16x128x32xf32>
    %add3A_261 = arith.addf %get3A_27, %add3A_260 : vector<16x128x32xf32>
    %exp3A_262 = math.exp %add3A_261 : vector<16x128x32xf32>
    %slice3A_263 = vector.extract_strided_slice %exp3A_262 {offsets = [0, 0, 1], sizes = [16, 128, 31], strides = [1, 1, 1]} : vector<16x128x32xf32> to vector<16x128x31xf32>
    %slice3A_264 = vector.extract_strided_slice %exp3A_262 {offsets = [0, 0, 31], sizes = [16, 128, 1], strides = [1, 1, 1]} : vector<16x128x32xf32> to vector<16x128x1xf32>
    %concatenate3A_265 = tpu.concatenate %slice3A_263, %slice3A_264 in 2 : vector<16x128x31xf32>, vector<16x128x1xf32> -> vector<16x128x32xf32>
    %add3A_266 = arith.addf %exp3A_262, %concatenate3A_265 : vector<16x128x32xf32>
    %mul3A_267 = arith.constant 5.000000e-01 : f32
    %mul3A_268 = vector.broadcast %mul3A_267 : f32 to vector<16x128x32xf32>
    %mul3A_269 = arith.mulf %add3A_266, %mul3A_268 : vector<16x128x32xf32>
    %mul3A_270 = arith.mulf %mul3A_269, %mul3A_193 : vector<16x128x32xf32>
    %reduce_sum3A_271 = arith.constant dense<0.000000e+00> : vector<16x128xf32>
    %reduce_sum3A_272 = vector.multi_reduction <add>, %mul3A_270, %reduce_sum3A_271 [2] : vector<16x128x32xf32> to vector<16x128xf32>
    %broadcast_in_dim3A_273 = vector.shape_cast %reduce_sum3A_272 : vector<16x128xf32> to vector<16x128x1xf32>
    %reduce_sum3A_274 = arith.constant dense<0.000000e+00> : vector<16x1xf32>
    %reduce_sum3A_275 = vector.multi_reduction <add>, %broadcast_in_dim3A_273, %reduce_sum3A_274 [1] : vector<16x128x1xf32> to vector<16x1xf32>
    %broadcast_in_dim3A_276 = vector.shape_cast %reduce_sum3A_275 : vector<16x1xf32> to vector<16x1x1xf32>
    %div3A_277 = arith.constant 1.000000e+00 : f32
    %div3A_278 = vector.broadcast %div3A_277 : f32 to vector<16x1x1xf32>
    %div3A_279 = arith.divf %div3A_278, %broadcast_in_dim3A_276 : vector<16x1x1xf32>
    %mul3A_280 = vector.broadcast %div3A_279 : vector<16x1x1xf32> to vector<16x128x32xf32>
    %mul3A_281 = arith.mulf %exp3A_262, %mul3A_280 : vector<16x128x32xf32>
    %swap3A_282 = arith.constant 0 : index
    %swap3A_283 = arith.constant 0 : index
    %swap3A_284 = arith.constant 64 : index
    %swap3A_285 = vector.load %arg4[%swap3A_282, %swap3A_283, %swap3A_284] : memref<16x128x128xf32, #tpu.memory_space<vmem>>, vector<16x128x32xf32>
    tpu.vector_store %arg4[%swap3A_282, %swap3A_283, %swap3A_284], %mul3A_281 {strides = array<i32>} : memref<16x128x128xf32, #tpu.memory_space<vmem>>, vector<16x128x32xf32>,
    %mul3A_286 = vector.broadcast %div3A_279 : vector<16x1x1xf32> to vector<16x128x32xf32>
    %mul3A_287 = arith.mulf %mul3A_270, %mul3A_286 : vector<16x128x32xf32>
    %reshape3A_288 = vector.shape_cast %mul3A_287 : vector<16x128x32xf32> to vector<2048x32xf32>
    %dot_general3A_289 = arith.constant dense<0.000000e+00> : vector<2048x32xf32>
    %dot_general3A_290 = tpu.matmul %reshape3A_288, %convert_element_type3A_6, %dot_general3A_289 {dimension_numbers = #tpu.dot_dimension_numbers<[1], [0], [0], [1], [0, 0, 1, 1], [], []>, precision = #tpu.contract_precision<fp32>, transpose_lhs_hint = false} : vector<2048x32xf32>, vector<32x32xf32>, vector<2048x32xf32> -> vector<2048x32xf32>
    %reshape3A_291 = vector.shape_cast %dot_general3A_290 : vector<2048x32xf32> to vector<16x128x32xf32>
    %mul3A_292 = vector.broadcast %div3A_279 : vector<16x1x1xf32> to vector<16x128x1xf32>
    %mul3A_293 = arith.mulf %broadcast_in_dim3A_273, %mul3A_292 : vector<16x128x1xf32>
    %broadcast_in_dim3A_294 = arith.constant 0.000000e+00 : f32
    %broadcast_in_dim3A_295 = vector.broadcast %broadcast_in_dim3A_294 : f32 to vector<16x1x1xf32>
    %slice3A_296 = vector.extract_strided_slice %mul3A_293 {offsets = [0, 0, 0], sizes = [16, 127, 1], strides = [1, 1, 1]} : vector<16x128x1xf32> to vector<16x127x1xf32>
    %concatenate3A_297 = tpu.concatenate %broadcast_in_dim3A_295, %slice3A_296 in 1 : vector<16x1x1xf32>, vector<16x127x1xf32> -> vector<16x128x1xf32>
    %add3A_298 = arith.addf %mul3A_293, %concatenate3A_297 : vector<16x128x1xf32>
    %broadcast_in_dim3A_299 = arith.constant 0.000000e+00 : f32
    %broadcast_in_dim3A_300 = vector.broadcast %broadcast_in_dim3A_299 : f32 to vector<16x2x1xf32>
    %slice3A_301 = vector.extract_strided_slice %add3A_298 {offsets = [0, 0, 0], sizes = [16, 126, 1], strides = [1, 1, 1]} : vector<16x128x1xf32> to vector<16x126x1xf32>
    %concatenate3A_302 = tpu.concatenate %broadcast_in_dim3A_300, %slice3A_301 in 1 : vector<16x2x1xf32>, vector<16x126x1xf32> -> vector<16x128x1xf32>
    %add3A_303 = arith.addf %add3A_298, %concatenate3A_302 : vector<16x128x1xf32>
    %broadcast_in_dim3A_304 = arith.constant 0.000000e+00 : f32
    %broadcast_in_dim3A_305 = vector.broadcast %broadcast_in_dim3A_304 : f32 to vector<16x4x1xf32>
    %slice3A_306 = vector.extract_strided_slice %add3A_303 {offsets = [0, 0, 0], sizes = [16, 124, 1], strides = [1, 1, 1]} : vector<16x128x1xf32> to vector<16x124x1xf32>
    %concatenate3A_307 = tpu.concatenate %broadcast_in_dim3A_305, %slice3A_306 in 1 : vector<16x4x1xf32>, vector<16x124x1xf32> -> vector<16x128x1xf32>
    %add3A_308 = arith.addf %add3A_303, %concatenate3A_307 : vector<16x128x1xf32>
    %broadcast_in_dim3A_309 = arith.constant 0.000000e+00 : f32
    %broadcast_in_dim3A_310 = vector.broadcast %broadcast_in_dim3A_309 : f32 to vector<16x8x1xf32>
    %slice3A_311 = vector.extract_strided_slice %add3A_308 {offsets = [0, 0, 0], sizes = [16, 120, 1], strides = [1, 1, 1]} : vector<16x128x1xf32> to vector<16x120x1xf32>
    %concatenate3A_312 = tpu.concatenate %broadcast_in_dim3A_310, %slice3A_311 in 1 : vector<16x8x1xf32>, vector<16x120x1xf32> -> vector<16x128x1xf32>
    %add3A_313 = arith.addf %add3A_308, %concatenate3A_312 : vector<16x128x1xf32>
    %broadcast_in_dim3A_314 = arith.constant 0.000000e+00 : f32
    %broadcast_in_dim3A_315 = vector.broadcast %broadcast_in_dim3A_314 : f32 to vector<16x16x1xf32>
    %slice3A_316 = vector.extract_strided_slice %add3A_313 {offsets = [0, 0, 0], sizes = [16, 112, 1], strides = [1, 1, 1]} : vector<16x128x1xf32> to vector<16x112x1xf32>
    %concatenate3A_317 = tpu.concatenate %broadcast_in_dim3A_315, %slice3A_316 in 1 : vector<16x16x1xf32>, vector<16x112x1xf32> -> vector<16x128x1xf32>
    %add3A_318 = arith.addf %add3A_313, %concatenate3A_317 : vector<16x128x1xf32>
    %broadcast_in_dim3A_319 = arith.constant 0.000000e+00 : f32
    %broadcast_in_dim3A_320 = vector.broadcast %broadcast_in_dim3A_319 : f32 to vector<16x32x1xf32>
    %slice3A_321 = vector.extract_strided_slice %add3A_318 {offsets = [0, 0, 0], sizes = [16, 96, 1], strides = [1, 1, 1]} : vector<16x128x1xf32> to vector<16x96x1xf32>
    %concatenate3A_322 = tpu.concatenate %broadcast_in_dim3A_320, %slice3A_321 in 1 : vector<16x32x1xf32>, vector<16x96x1xf32> -> vector<16x128x1xf32>
    %add3A_323 = arith.addf %add3A_318, %concatenate3A_322 : vector<16x128x1xf32>
    %broadcast_in_dim3A_324 = arith.constant 0.000000e+00 : f32
    %broadcast_in_dim3A_325 = vector.broadcast %broadcast_in_dim3A_324 : f32 to vector<16x64x1xf32>
    %slice3A_326 = vector.extract_strided_slice %add3A_323 {offsets = [0, 0, 0], sizes = [16, 64, 1], strides = [1, 1, 1]} : vector<16x128x1xf32> to vector<16x64x1xf32>
    %concatenate3A_327 = tpu.concatenate %broadcast_in_dim3A_325, %slice3A_326 in 1 : vector<16x64x1xf32>, vector<16x64x1xf32> -> vector<16x128x1xf32>
    %add3A_328 = arith.addf %add3A_323, %concatenate3A_327 : vector<16x128x1xf32>
    %sub3A_329 = arith.subf %add3A_328, %mul3A_293 : vector<16x128x1xf32>
    %add3A_330 = vector.broadcast %sub3A_329 : vector<16x128x1xf32> to vector<16x128x32xf32>
    %add3A_331 = arith.addf %add3A_330, %reshape3A_291 : vector<16x128x32xf32>
    %jit3A_332 = arith.constant 1.000000e+00 : f32
    %broadcast_in_dim3A_333 = vector.broadcast %jit3A_332 : f32 to vector<16x128x32xf32>
    %select_n3A_334 = arith.select %and3A_245, %broadcast_in_dim3A_333, %add3A_331 : vector<16x128x32xi1>, vector<16x128x32xf32>
    %swap3A_335 = arith.constant 0 : index
    %swap3A_336 = arith.constant 0 : index
    %swap3A_337 = arith.constant 96 : index
    %swap3A_338 = vector.load %arg4[%swap3A_335, %swap3A_336, %swap3A_337] : memref<16x128x128xf32, #tpu.memory_space<vmem>>, vector<16x128x32xf32>
    tpu.vector_store %arg4[%swap3A_335, %swap3A_336, %swap3A_337], %select_n3A_334 {strides = array<i32>} : memref<16x128x128xf32, #tpu.memory_space<vmem>>, vector<16x128x32xf32>,
    return
  }
}

</mosaic_0001>

<sc_bundles>
// kernel: kernel.4.cloned.1.call-start
scs
__scs_entry_jumppad:
0x0: {  	(pc) =	sbr.rel $0x88, $3  }
0x1: {  	(tag) =	ssettag $0x0;
	lr =	simm.s32 $0x1  }
0x2: {  	[smem:$0x3F9C] =	sst lr;
	_ =	strace $0xD0000000  }
0x3: {  	_ = 	snop  }
0x4: {  	_ = 	snop  }
0x5: {  	_ = 	snop  }
0x6: {  	_ = 	snop  }
0x7: {  	_ = 	snop  }
__scs_overlays_trampoline_lowered:
0x8: {  	[smem:$0x3FAB] =	sst s0  }
0x9: {  	[smem:$0x3FAC] =	sst s1  }
0xa: {  	[smem:$0x3FAD] =	sst s2  }
0xb: {  	[smem:$0x3FAE] =	sst s3  }
0xc: {  	[smem:$0x3FAF] =	sst s4  }
0xd: {  	[smem:$0x3FB0] =	sst s5  }
0xe: {  	[smem:$0x3FB1] =	sst s6  }
0xf: {  	[smem:$0x3FB2] =	sst s7  }
0x10: {  	[smem:$0x3FB3] =	sst s8  }
0x11: {  	[smem:$0x3FB4] =	sst s9;
	s0 =	simm.s32 @!p0 $0x0  }
0x12: {  	s1 =	sld [smem:$0x3F9A];
	s0 =	simm.s32 @p0 $0x1  }
0x13: {  	[smem:$0x3FB5] =	sst s0;
	s0 =	simm.s32 @!p1 $0x0  }
0x14: {  	s2 =	sld [smem:$0x3F99];
	s0 =	simm.s32 @p1 $0x1  }
0x15: {  	[smem:$0x3FB6] =	sst s0;
	s0 =	simm.s32 @!p2 $0x0  }
0x16: {  	s3 =	sld [smem:$0x3FDB];
	s0 =	simm.s32 @p2 $0x1  }
0x17: {  	s4 =	simm.s32 $0x1BF5;
	[smem:$0x3FB8] =	sst s0  }
0x18: {  	s0 =	sld [smem:$0x3F9B];
	_ =	swait.ge [sflag:s4], $0x0  }
0x19: {  	s7 =	sld [smem:$0x3F9C]  }
0x1a: {  	s8 =	sadd.s32 $0xFFFFE003, lr  }
0x1b: {  	s9 =	sadd.s32 $0xFFFFFEF7, lr;
	s5 =	simm.s32 $0xFFFFFFFF;
	p2 =	slt.u32 s8, $0xFFFFF086  }
0x1c: {  	p1 =	slt.u32 s9, $0xF7A;
	s5 =	simm.s32 @!p2 $0x0  }
0x1d: {  	s5 =	simm.s32 @p1 $0x1;
	p0 =	seq.s32 s7, s2  }
0x1e: {  	s7 =	smul.u32 @!p0 $0xF7A, s2;
	p2 =	seq.s32 @!p0 s5, $0x0  }
0x1f: {  	s9 =	smul.u32 $0xF7A, s1;
	s8 =	simm.s32 @!p0 $0x1BF5;
	p2 =	por !p2, p0  }
0x20: {  	[sflag:s8] =	ssyncset.s32 @!p0 $0xFFFFF086;
	s6 =	sadd.s32 @!p0 s3, s7;
	s7 =	simm.s32 @!p0 $0x108  }
0x21: {  	s3 =	sadd.s32 s3, s9;
	s6 =	sadd.s32 @!p0 $0x88, s6;
	s7 =	simm.s32 @p2 $0x1082  }
0x22: {  	[simem:s7], [sflag:s8] =	dma.local @!p0 [hbm:s6], $0xF7A  }
0x23: {  	s9 =	sor.u32 $0xD0000000, s2;
	s6 =	simm.s32 $0x108;
	_ =	swait.ge @!p0 [sflag:s8], $0x0  }
0x24: {  	s3 =	sadd.s32 $0x88, s3;
	s6 =	simm.s32 @!p1 $0x1082;
	[sflag:s4] =	ssyncset.s32 $0xFFFFF086  }
0x25: {  	[simem:s6], [sflag:s4] =	dma.local [hbm:s3], $0xF7A  }
0x26: {  	[smem:$0x3F9C] =	sst s1;
	(tag) =	ssettag s2;
	_ =	strace s9  }
0x27: {  	s1 =	sld [smem:$0x3FAC]  }
0x28: {  	s2 =	sld [smem:$0x3FAD]  }
0x29: {  	s4 =	sld [smem:$0x3FAF]  }
0x2a: {  	p0 =	seq.s32 s5, $0x0;
	s5 =	sld [smem:$0x3FB0]  }
0x2b: {  	s6 =	sld [smem:$0x3FB1]  }
0x2c: {  	s7 =	sld [smem:$0x3FB2]  }
0x2d: {  	s3 =	simm.s32 $0x108;
	s8 =	sld [smem:$0x3FB3]  }
0x2e: {  	s3 =	simm.s32 @!p0 $0x1082;
	s9 =	sld [smem:$0x3FB4]  }
0x2f: {  	lr =	sadd.s32 s0, s3;
	s0 =	sld [smem:$0x3FAB]  }
0x30: {  	s3 =	sld [smem:$0x3FAE]  }
0x31: {  	[smem:$0x3FB7] =	sst s10  }
0x32: {  	s10 =	sld [smem:$0x3FB5];
	_ =	sdelay $0x3  }
0x33: {  	p0 =	seq.s32 s10, $0x1;
	s10 =	sld [smem:$0x3FB7];
	_ =	sdelay $0x3  }
0x34: {  	[smem:$0x3FB7] =	sst s10  }
0x35: {  	s10 =	sld [smem:$0x3FB6];
	_ =	sdelay $0x3  }
0x36: {  	p1 =	seq.s32 s10, $0x1;
	s10 =	sld [smem:$0x3FB7];
	_ =	sdelay $0x3  }
0x37: {  	[smem:$0x3FB7] =	sst s10  }
0x38: {  	s10 =	sld [smem:$0x3FB8]  }
0x39: {  	_ = 	snop;
	(pc) =	sbr.ind lr, $3  }
0x3a: {  	_ = 	snop  }
0x3b: {  	_ = 	snop  }
0x3c: {  	p2 =	seq.s32 s10, $0x1;
	s10 =	sld [smem:$0x3FB7]  }
0x3d: {  	_ =	shalt  }
0x3e: {  	_ =	shalt  }
0x3f: {  	_ =	shalt  }
0x40: {  	_ =	shalt  }
0x41: {  	_ =	shalt  }
0x42: {  	_ =	shalt  }
0x43: {  	_ =	shalt  }
0x44: {  	_ =	shalt  }
0x45: {  	_ =	shalt  }
0x46: {  	_ =	shalt  }
0x47: {  	_ =	shalt  }
0x48: {  	_ =	shalt  }
0x49: {  	_ =	shalt  }
0x4a: {  	_ =	shalt  }
0x4b: {  	_ =	shalt  }
0x4c: {  	_ =	shalt  }
0x4d: {  	_ =	shalt  }
0x4e: {  	_ =	shalt  }
0x4f: {  	_ =	shalt  }
0x50: {  	_ =	shalt  }
0x51: {  	_ =	shalt  }
0x52: {  	_ =	shalt  }
0x53: {  	_ =	shalt  }
0x54: {  	_ =	shalt  }
0x55: {  	_ =	shalt  }
0x56: {  	_ =	shalt  }
0x57: {  	_ =	shalt  }
0x58: {  	_ =	shalt  }
0x59: {  	_ =	shalt  }
0x5a: {  	_ =	shalt  }
0x5b: {  	_ =	shalt  }
0x5c: {  	_ =	shalt  }
0x5d: {  	_ =	shalt  }
0x5e: {  	_ =	shalt  }
0x5f: {  	_ =	shalt  }
0x60: {  	_ =	shalt  }
0x61: {  	_ =	shalt  }
0x62: {  	_ =	shalt  }
0x63: {  	_ =	shalt  }
0x64: {  	_ =	shalt  }
0x65: {  	_ =	shalt  }
0x66: {  	_ =	shalt  }
0x67: {  	_ =	shalt  }
0x68: {  	_ =	shalt  }
0x69: {  	_ =	shalt  }
0x6a: {  	_ =	shalt  }
0x6b: {  	_ =	shalt  }
0x6c: {  	_ =	shalt  }
0x6d: {  	_ =	shalt  }
0x6e: {  	_ =	shalt  }
0x6f: {  	_ =	shalt  }
0x70: {  	_ =	shalt  }
0x71: {  	_ =	shalt  }
0x72: {  	_ =	shalt  }
0x73: {  	_ =	shalt  }
0x74: {  	_ =	shalt  }
0x75: {  	_ =	shalt  }
0x76: {  	_ =	shalt  }
0x77: {  	_ =	shalt  }
0x78: {  	_ =	shalt  }
0x79: {  	_ =	shalt  }
0x7a: {  	_ =	shalt  }
0x7b: {  	_ =	shalt  }
0x7c: {  	_ =	shalt  }
0x7d: {  	_ =	shalt  }
0x7e: {  	_ =	shalt  }
0x7f: {  	_ =	shalt  }
0x80: {  	_ =	shalt  }
0x81: {  	_ =	shalt  }
0x82: {  	_ =	shalt  }
0x83: {  	_ =	shalt  }
0x84: {  	_ =	shalt  }
0x85: {  	_ =	shalt  }
0x86: {  	_ =	shalt  }
0x87: {  	_ =	shalt  }
.Lfunc_end0:
.L_simem_size_0:
called_computation_lowered:
.L_overlay_start_0:
0x88: {  	s2 =	sld [smem:$0x3FD9]  }
0x89: {  	s3 =	sld [smem:$0x3FFE];
	_ =	sdelay $0x1  }
0x8a: {  	s1 =	srdreg.scid  }
0x8b: {  	s0 =	sand.u32 $0x1, s1  }
0x8c: {  	s14 =	sshll.u32 s0, $0xA;
	s2 =	sadd.s32 s3, s2  }
0x8d: {  	s2 =	sadd.s32 s2, s14  }
0x8e: {  	[smem:$0x3FC3] =	sst s2  }
0x8f: {  	_ = 	snop  }
0x90: {  	s2 =	sld [smem:$0x3FD0];
	_ =	sdelay $0x1  }
0x91: {  	s15 =	sld [smem:$0x3FC9]  }
0x92: {  	s5 =	simm.s32 $0xA;
	s6 =	simm.s32 $0x10;
	s4 =	sld [smem:$0x3FC8]  }
0x93: {  	[smem:s6], [sflag:s5] =	dma.local [hbm:s2], $0x1  }
0x94: {  	_ =	swait.eq [sflag:s5], $0x1  }
0x95: {  	[sflag:s5] =	ssyncset.done $0x0  }
0x96: {  	s16 =	sld [smem:$0x10];
	[sflag:s5] =	ssyncadd.s32 $0xFFFFFFFF  }
0x97: {  	s17 =	sld [smem:$0x11];
	(tm) =	ssettm $0x1  }
0x98: {  	s18 =	sld [smem:$0x3FFB];
	_ =	sdelay $0x3  }
0x99: {  	_ =	strace s18  }
0x9a: {  	s6 =	sld [smem:$0x3FFC];
	_ =	sdelay $0x3  }
0x9b: {  	_ =	strace s6  }
0x9c: {  	s6 =	sld [smem:$0x3FFD];
	_ =	sdelay $0x3  }
0x9d: {  	_ =	strace s6  }
0x9e: {  	_ =	strace $0x8FFFFFFF  }
0x9f: {  	s19 =	sld [smem:$0x3FDB];
	_ =	sdelay $0x1  }
0xa0: {  	s7 =	simm.s32 $_scs_section_size  }
0xa1: {  	s8 =	simm.s32 $_size__tile_overlayer_lowered;
	s9 =	simm.s32 $_tile_overlayer_lowered  }
0xa2: {  	s22 =	simm.s32 $0x1BFF;
	s21 =	sshll.u32 s9, $0x1;
	s6 =	sadd.s32 s7, s19  }
0xa3: {  	s10 =	simm.s32 $0x0;
	s20 =	sshll.u32 s8, $0x1;
	s8 =	sadd.s32 s21, s6  }
0xa4: {  	[timem:s10], [sflag:s22] =	dma.local [hbm:s8], s20  }
0xa5: {  	_ =	swait.ge [sflag:s22], s20  }
0xa6: {  	s7 =	ssub.s32 $0x0, s20;
	[sflag:s22] =	ssyncset.done $0x0  }
0xa7: {  	[sflag:s22] =	ssyncadd.s32 s7;
	_ =	sdelay $0x1  }
0xa8: {  	s23 =	simm.s32 $0x1B8B  }
0xa9: {  	_ =	swait.ge [sflag:s23], $0x1  }
0xaa: {  	[sflag:s23] =	ssyncset.done $0x0  }
0xab: {  	s25 =	simm.s32 $0x1B8E;
	s24 =	sld [smem:$0x3FFE];
	[sflag:s23] =	ssyncadd.s32 $0xFFFFFFFF  }
0xac: {  	s26 =	simm.s32 $execute0_lowered;
	[smem:$0x3FD2] =	sst s25  }
0xad: {  	s8 =	sshll.u32 s26, $0x1;
	_ =	strace $0x80000046;
	[dreg:$0x1] =	wrdreg $0xFFFFFFFF  }
0xae: {  	s28 =	simm.s32 $_size_execute0_lowered;
	s6 =	sadd.s32 s6, s8;
	[dreg:$0x0] =	wrdreg $0x0  }
0xaf: {  	s8 =	sshll.u32 s28, $0x1;
	[dreg:$0x2] =	wrdreg s6  }
0xb0: {  	[dreg:$0x3] =	wrdreg s8  }
0xb1: {  	[dreg:$0x4] =	wrdreg $0xC0  }
0xb2: {  	_ =	task [dreg:s10], $0x5FFFF  }
0xb3: {  	[dreg:$0x1] =	wrdreg $0xFFFFFFFF  }
0xb4: {  	[dreg:$0x0] =	wrdreg $0x60  }
0xb5: {  	[dreg:$0x2] =	wrdreg s15  }
0xb6: {  	[dreg:$0x3] =	wrdreg s4  }
0xb7: {  	[dreg:$0x4] =	wrdreg s24  }
0xb8: {  	[dreg:$0x5] =	wrdreg s16  }
0xb9: {  	[dreg:$0x6] =	wrdreg s17  }
0xba: {  	[dreg:$0x7] =	wrdreg $0x9  }
0xbb: {  	_ =	task.clear_ibuf [dreg:s10], $0x8FFFF;
	_ =	strace $0x90000046  }
0xbc: {  	s29 =	simm.s32 $0x9;
	_ =	strace $0x80000048  }
0xbd: {  	_ =	swait.ge [sflag:s29], $0x1  }
0xbe: {  	[sflag:s29] =	ssyncadd.s32 $0xFFFFFFFF  }
0xbf: {  	_ =	strace $0x90000048  }
0xc0: {  	_ =	sfence  }
0xc1: {  	s30 =	sld [smem:$0x0];
	_ =	sdelay $0x2  }
0xc2: {  	s31 =	sshll.u32 s1, $0xD;
	s1 =	sshrl.u32 s1, $0x2  }
0xc3: {  	s3 =	sand.u32 $0x4000, s31;
	s1 =	sadd.s32 s1, s30  }
0xc4: {  	s0 =	sor.u32 s3, s0;
	s1 =	sshll.u32 s1, $0x11  }
0xc5: {  	s0 =	sor.u32 s1, s0  }
0xc6: {  	s0 =	sadd.s32 $0x8F2B, s0  }
0xc7: {  	[sflag:s0] =	ssyncadd.remote.s32 $0x1  }
0xc8: {  	_ =	sfence.sel $0xFFFF  }
0xc9: {  	[dreg:$0x0] =	wrdreg $0xFFFFFFFF;
	(pc) =	sbr.abs _section_cstart, $3  }
0xca: {  	[dreg:$0x1] =	wrdreg $0xFFFFFFFF  }
0xcb: {  	_ =	task.clear_ibuf [dreg:s10], $0x2FFFF;
	_ =	strace $0x9FFFFFFF  }
0xcc: {  	(tm) =	ssettm $0x7FFFFFFF  }
0xcd: {  	_ =	shalt  }
tec
execute0_lowered:
.L_overlay_start_1:
0x0: {  	(tag) =	ssettag $0x1  }
0x1: {  	v0 =	vimm.s32 $0xB9F  }
0x2: {  	vm5 =	vcmask $0x300;
	vm3 =	vcmask $0x704;
	vm4 =	vcmask $0xB08  }
0x3: {  	v1 =	vimm.s32 $0x7FFF;
	vm2 =	vcmask $0xF0C;
	vm1 =	vcmask $0x1310  }
0x4: {  	vm0 =	vcmask $0x700;
	v2 =	vimm.s32 $0xB8F;
	v3 =	vimm.s32 $0xB87  }
0x5: {  	v4 =	vimm.s32 $0xB83;
	v5 =	vimm.s32 $0xB81;
	v6 =	vimm.s32 $0xB80  }
0x6: {  	v7 =	vimm.s32 $0xBBF;
	v8 =	vimm.s32 $0xF80;
	v9 =	vimm.s32 $0xFBF  }
0x7: {  	v10 =	vimm.s32 $0x1B9F;
	v11 =	vimm.s32 $0x1B8F;
	v12 =	vimm.s32 $0x1B87  }
0x8: {  	v13 =	vimm.s32 $0x1B83;
	v14 =	vimm.s32 $0x1B81;
	v15 =	vimm.s32 $0x1B80  }
0x9: {  	v16 =	vimm.s32 $0x1B7F;
	v17 =	vimm.s32 $0x1BBF;
	v18 =	vimm.s32 $0x1F80  }
0xa: {  	v19 =	vimm.s32 $0x1FBF;
	v20 =	vimm.s32 $0x2B9F;
	v21 =	vimm.s32 $0x2B8F  }
0xb: {  	v22 =	vimm.s32 $0x2B87;
	v23 =	vimm.s32 $0x2B83;
	v24 =	vimm.s32 $0x2B81  }
0xc: {  	v25 =	vimm.s32 $0x2B80;
	v26 =	vimm.s32 $0x2B7F;
	v27 =	vimm.s32 $0x2BBF  }
0xd: {  	v28 =	vimm.s32 $0x2F80;
	v29 =	vimm.s32 $0x2FBF;
	v30 =	vimm.s32 $0x3B9F  }
0xe: {  	v31 =	vimm.s32 $0x3B8F;
	v32 =	vimm.s32 $0x3B87;
	v33 =	vimm.s32 $0x3B83  }
0xf: {  	v34 =	vimm.s32 $0x3B81;
	v35 =	vimm.s32 $0x3B80;
	v36 =	vimm.s32 $0x3B7F  }
0x10: {  	v37 =	vimm.s32 $0x3BBF;
	v38 =	vimm.s32 $0x3F80;
	v39 =	vimm.s32 $0x3FBF  }
0x11: {  	v0 =	vsel vm5, $0x1F, v0;
	v1 =	vunpack.c.0.s8.s32 v1;
	v2 =	vsel vm5, $0xF, v2  }
0x12: {  	v3 =	vsel vm5, $0x7, v3;
	v4 =	vsel vm5, $0x3, v4;
	v5 =	vsel vm5, $0x1, v5  }
0x13: {  	v6 =	vsel vm5, $0x0, v6;
	v7 =	vsel vm5, $0x3F, v7;
	v8 =	vsel vm5, $0x400, v8  }
0x14: {  	v9 =	vsel vm5, $0x43F, v9;
	v10 =	vsel vm5, $0x101F, v10;
	v11 =	vsel vm5, $0x100F, v11  }
0x15: {  	v12 =	vsel vm5, $0x1007, v12;
	v13 =	vsel vm5, $0x1003, v13;
	v14 =	vsel vm5, $0x1001, v14  }
0x16: {  	v15 =	vsel vm5, $0x1000, v15;
	v16 =	vsel vm5, $0xFFF, v16;
	v17 =	vsel vm5, $0x103F, v17  }
0x17: {  	v18 =	vsel vm5, $0x1400, v18;
	v19 =	vsel vm5, $0x143F, v19;
	v20 =	vsel vm5, $0x201F, v20  }
0x18: {  	v21 =	vsel vm5, $0x200F, v21;
	v22 =	vsel vm5, $0x2007, v22;
	v23 =	vsel vm5, $0x2003, v23  }
0x19: {  	v24 =	vsel vm5, $0x2001, v24;
	v25 =	vsel vm5, $0x2000, v25;
	v26 =	vsel vm5, $0x1FFF, v26  }
0x1a: {  	v27 =	vsel vm5, $0x203F, v27;
	v28 =	vsel vm5, $0x2400, v28;
	v29 =	vsel vm5, $0x243F, v29  }
0x1b: {  	v30 =	vsel vm5, $0x301F, v30;
	v31 =	vsel vm5, $0x300F, v31;
	v32 =	vsel vm5, $0x3007, v32  }
0x1c: {  	v33 =	vsel vm5, $0x3003, v33;
	v34 =	vsel vm5, $0x3001, v34;
	v35 =	vsel vm5, $0x3000, v35  }
0x1d: {  	v36 =	vsel vm5, $0x2FFF, v36;
	v37 =	vsel vm5, $0x303F, v37;
	v38 =	vsel vm5, $0x3400, v38  }
0x1e: {  	v39 =	vsel vm5, $0x343F, v39;
	v0 =	vsel vm3, $0x9F, v0;
	v2 =	vsel vm3, $0x8F, v2  }
0x1f: {  	v3 =	vsel vm3, $0x87, v3;
	v4 =	vsel vm3, $0x83, v4;
	v5 =	vsel vm3, $0x81, v5  }
0x20: {  	v6 =	vsel vm3, $0x80, v6;
	v7 =	vsel vm3, $0xBF, v7;
	v8 =	vsel vm3, $0x480, v8  }
0x21: {  	v9 =	vsel vm3, $0x4BF, v9;
	v10 =	vsel vm3, $0x109F, v10;
	v11 =	vsel vm3, $0x108F, v11  }
0x22: {  	v12 =	vsel vm3, $0x1087, v12;
	v13 =	vsel vm3, $0x1083, v13;
	v14 =	vsel vm3, $0x1081, v14  }
0x23: {  	v15 =	vsel vm3, $0x1080, v15;
	v16 =	vsel vm3, $0x107F, v16;
	v17 =	vsel vm3, $0x10BF, v17  }
0x24: {  	v18 =	vsel vm3, $0x1480, v18;
	v19 =	vsel vm3, $0x14BF, v19;
	v20 =	vsel vm3, $0x209F, v20  }
0x25: {  	v21 =	vsel vm3, $0x208F, v21;
	v22 =	vsel vm3, $0x2087, v22;
	v23 =	vsel vm3, $0x2083, v23  }
0x26: {  	v24 =	vsel vm3, $0x2081, v24;
	v25 =	vsel vm3, $0x2080, v25;
	v26 =	vsel vm3, $0x207F, v26  }
0x27: {  	v27 =	vsel vm3, $0x20BF, v27;
	v28 =	vsel vm3, $0x2480, v28;
	v29 =	vsel vm3, $0x24BF, v29  }
0x28: {  	v30 =	vsel vm3, $0x309F, v30;
	v31 =	vsel vm3, $0x308F, v31;
	v32 =	vsel vm3, $0x3087, v32  }
0x29: {  	v33 =	vsel vm3, $0x3083, v33;
	v34 =	vsel vm3, $0x3081, v34;
	v35 =	vsel vm3, $0x3080, v35  }
0x2a: {  	v36 =	vsel vm3, $0x307F, v36;
	v37 =	vsel vm3, $0x30BF, v37;
	v38 =	vsel vm3, $0x3480, v38  }
0x2b: {  	v39 =	vsel vm3, $0x34BF, v39;
	vm3 =	vcmask $0x1B18;
	v0 =	vsel vm4, $0x11F, v0  }
0x2c: {  	v1 =	vnsel vm0, $0xB7F, v1;
	vm0 =	vcmask $0x1714;
	v2 =	vsel vm4, $0x10F, v2  }
0x2d: {  	v3 =	vsel vm4, $0x107, v3;
	v4 =	vsel vm4, $0x103, v4;
	v5 =	vsel vm4, $0x101, v5  }
0x2e: {  	v6 =	vsel vm4, $0x100, v6;
	v7 =	vsel vm4, $0x13F, v7;
	v8 =	vsel vm4, $0x500, v8  }
0x2f: {  	v9 =	vsel vm4, $0x53F, v9;
	v10 =	vsel vm4, $0x111F, v10;
	v11 =	vsel vm4, $0x110F, v11  }
0x30: {  	v12 =	vsel vm4, $0x1107, v12;
	v13 =	vsel vm4, $0x1103, v13;
	v14 =	vsel vm4, $0x1101, v14  }
0x31: {  	v15 =	vsel vm4, $0x1100, v15;
	v16 =	vsel vm4, $0x10FF, v16;
	v17 =	vsel vm4, $0x113F, v17  }
0x32: {  	v18 =	vsel vm4, $0x1500, v18;
	v19 =	vsel vm4, $0x153F, v19;
	v20 =	vsel vm4, $0x211F, v20  }
0x33: {  	v21 =	vsel vm4, $0x210F, v21;
	v22 =	vsel vm4, $0x2107, v22;
	v23 =	vsel vm4, $0x2103, v23  }
0x34: {  	v24 =	vsel vm4, $0x2101, v24;
	v25 =	vsel vm4, $0x2100, v25;
	v26 =	vsel vm4, $0x20FF, v26  }
0x35: {  	v27 =	vsel vm4, $0x213F, v27;
	v28 =	vsel vm4, $0x2500, v28;
	v29 =	vsel vm4, $0x253F, v29  }
0x36: {  	v30 =	vsel vm4, $0x311F, v30;
	v31 =	vsel vm4, $0x310F, v31;
	v32 =	vsel vm4, $0x3107, v32  }
0x37: {  	v33 =	vsel vm4, $0x3103, v33;
	v34 =	vsel vm4, $0x3101, v34;
	v35 =	vsel vm4, $0x3100, v35  }
0x38: {  	v36 =	vsel vm4, $0x30FF, v36;
	v37 =	vsel vm4, $0x313F, v37;
	v38 =	vsel vm4, $0x3500, v38  }
0x39: {  	v39 =	vsel vm4, $0x353F, v39;
	v0 =	vsel vm2, $0x19F, v0;
	v1 =	vsel vm4, $0xFF, v1  }
0x3a: {  	v2 =	vsel vm2, $0x18F, v2;
	v3 =	vsel vm2, $0x187, v3;
	v4 =	vsel vm2, $0x183, v4  }
0x3b: {  	v5 =	vsel vm2, $0x181, v5;
	v6 =	vsel vm2, $0x180, v6;
	v7 =	vsel vm2, $0x1BF, v7  }
0x3c: {  	v8 =	vsel vm2, $0x580, v8;
	v9 =	vsel vm2, $0x5BF, v9;
	v10 =	vsel vm2, $0x119F, v10  }
0x3d: {  	v11 =	vsel vm2, $0x118F, v11;
	v12 =	vsel vm2, $0x1187, v12;
	v13 =	vsel vm2, $0x1183, v13  }
0x3e: {  	v14 =	vsel vm2, $0x1181, v14;
	v15 =	vsel vm2, $0x1180, v15;
	v16 =	vsel vm2, $0x117F, v16  }
0x3f: {  	v17 =	vsel vm2, $0x11BF, v17;
	v18 =	vsel vm2, $0x1580, v18;
	v19 =	vsel vm2, $0x15BF, v19  }
0x40: {  	v20 =	vsel vm2, $0x219F, v20;
	v21 =	vsel vm2, $0x218F, v21;
	v22 =	vsel vm2, $0x2187, v22  }
0x41: {  	v23 =	vsel vm2, $0x2183, v23;
	v24 =	vsel vm2, $0x2181, v24;
	v25 =	vsel vm2, $0x2180, v25  }
0x42: {  	v26 =	vsel vm2, $0x217F, v26;
	v27 =	vsel vm2, $0x21BF, v27;
	v28 =	vsel vm2, $0x2580, v28  }
0x43: {  	v29 =	vsel vm2, $0x25BF, v29;
	v30 =	vsel vm2, $0x319F, v30;
	v31 =	vsel vm2, $0x318F, v31  }
0x44: {  	v32 =	vsel vm2, $0x3187, v32;
	v33 =	vsel vm2, $0x3183, v33;
	v34 =	vsel vm2, $0x3181, v34  }
0x45: {  	v35 =	vsel vm2, $0x3180, v35;
	v36 =	vsel vm2, $0x317F, v36;
	v37 =	vsel vm2, $0x31BF, v37  }
0x46: {  	v38 =	vsel vm2, $0x3580, v38;
	v39 =	vsel vm2, $0x35BF, v39;
	v0 =	vsel vm1, $0x21F, v0  }
0x47: {  	v1 =	vsel vm2, $0x17F, v1;
	vm2 =	vcmask $0x1F1C;
	v2 =	vsel vm1, $0x20F, v2  }
0x48: {  	v3 =	vsel vm1, $0x207, v3;
	v4 =	vsel vm1, $0x203, v4;
	v5 =	vsel vm1, $0x201, v5  }
0x49: {  	v6 =	vsel vm1, $0x200, v6;
	v7 =	vsel vm1, $0x23F, v7;
	v8 =	vsel vm1, $0x600, v8  }
0x4a: {  	v9 =	vsel vm1, $0x63F, v9;
	v10 =	vsel vm1, $0x121F, v10;
	v11 =	vsel vm1, $0x120F, v11  }
0x4b: {  	v12 =	vsel vm1, $0x1207, v12;
	v13 =	vsel vm1, $0x1203, v13;
	v14 =	vsel vm1, $0x1201, v14  }
0x4c: {  	v15 =	vsel vm1, $0x1200, v15;
	v16 =	vsel vm1, $0x11FF, v16;
	v17 =	vsel vm1, $0x123F, v17  }
0x4d: {  	v18 =	vsel vm1, $0x1600, v18;
	v19 =	vsel vm1, $0x163F, v19;
	v20 =	vsel vm1, $0x221F, v20  }
0x4e: {  	v21 =	vsel vm1, $0x220F, v21;
	v22 =	vsel vm1, $0x2207, v22;
	v23 =	vsel vm1, $0x2203, v23  }
0x4f: {  	v24 =	vsel vm1, $0x2201, v24;
	v25 =	vsel vm1, $0x2200, v25;
	v26 =	vsel vm1, $0x21FF, v26  }
0x50: {  	v27 =	vsel vm1, $0x223F, v27;
	v28 =	vsel vm1, $0x2600, v28;
	v29 =	vsel vm1, $0x263F, v29  }
0x51: {  	v30 =	vsel vm1, $0x321F, v30;
	v31 =	vsel vm1, $0x320F, v31;
	v32 =	vsel vm1, $0x3207, v32  }
0x52: {  	v33 =	vsel vm1, $0x3203, v33;
	v34 =	vsel vm1, $0x3201, v34;
	v35 =	vsel vm1, $0x3200, v35  }
0x53: {  	v36 =	vsel vm1, $0x31FF, v36;
	v37 =	vsel vm1, $0x323F, v37;
	v38 =	vsel vm1, $0x3600, v38  }
0x54: {  	v39 =	vsel vm1, $0x363F, v39;
	v0 =	vsel vm0, $0x29F, v0;
	v1 =	vsel vm1, $0x1FF, v1  }
0x55: {  	v2 =	vsel vm0, $0x28F, v2;
	v3 =	vsel vm0, $0x287, v3;
	v4 =	vsel vm0, $0x283, v4  }
0x56: {  	v5 =	vsel vm0, $0x281, v5;
	v6 =	vsel vm0, $0x280, v6;
	v7 =	vsel vm0, $0x2BF, v7  }
0x57: {  	v8 =	vsel vm0, $0x680, v8;
	v9 =	vsel vm0, $0x6BF, v9;
	v10 =	vsel vm0, $0x129F, v10  }
0x58: {  	v11 =	vsel vm0, $0x128F, v11;
	v12 =	vsel vm0, $0x1287, v12;
	v13 =	vsel vm0, $0x1283, v13  }
0x59: {  	v14 =	vsel vm0, $0x1281, v14;
	v15 =	vsel vm0, $0x1280, v15;
	v16 =	vsel vm0, $0x127F, v16  }
0x5a: {  	v17 =	vsel vm0, $0x12BF, v17;
	v18 =	vsel vm0, $0x1680, v18;
	v19 =	vsel vm0, $0x16BF, v19  }
0x5b: {  	v20 =	vsel vm0, $0x229F, v20;
	v21 =	vsel vm0, $0x228F, v21;
	v22 =	vsel vm0, $0x2287, v22  }
0x5c: {  	v23 =	vsel vm0, $0x2283, v23;
	v24 =	vsel vm0, $0x2281, v24;
	v25 =	vsel vm0, $0x2280, v25  }
0x5d: {  	v26 =	vsel vm0, $0x227F, v26;
	v27 =	vsel vm0, $0x22BF, v27;
	v28 =	vsel vm0, $0x2680, v28  }
0x5e: {  	v29 =	vsel vm0, $0x26BF, v29;
	v30 =	vsel vm0, $0x329F, v30;
	v31 =	vsel vm0, $0x328F, v31  }
0x5f: {  	v32 =	vsel vm0, $0x3287, v32;
	v33 =	vsel vm0, $0x3283, v33;
	v34 =	vsel vm0, $0x3281, v34  }
0x60: {  	v35 =	vsel vm0, $0x3280, v35;
	v36 =	vsel vm0, $0x327F, v36;
	v37 =	vsel vm0, $0x32BF, v37  }
0x61: {  	v38 =	vsel vm0, $0x3680, v38;
	v39 =	vsel vm0, $0x36BF, v39;
	vm1 =	vcmask $0x2724  }
0x62: {  	v0 =	vsel vm3, $0x31F, v0;
	v1 =	vsel vm0, $0x27F, v1;
	vm0 =	vcmask $0x2320  }
0x63: {  	v2 =	vsel vm3, $0x30F, v2;
	v3 =	vsel vm3, $0x307, v3;
	v4 =	vsel vm3, $0x303, v4  }
0x64: {  	v5 =	vsel vm3, $0x301, v5;
	v6 =	vsel vm3, $0x300, v6;
	v7 =	vsel vm3, $0x33F, v7  }
0x65: {  	v8 =	vsel vm3, $0x700, v8;
	v9 =	vsel vm3, $0x73F, v9;
	v10 =	vsel vm3, $0x131F, v10  }
0x66: {  	v11 =	vsel vm3, $0x130F, v11;
	v12 =	vsel vm3, $0x1307, v12;
	v13 =	vsel vm3, $0x1303, v13  }
0x67: {  	v14 =	vsel vm3, $0x1301, v14;
	v15 =	vsel vm3, $0x1300, v15;
	v16 =	vsel vm3, $0x12FF, v16  }
0x68: {  	v17 =	vsel vm3, $0x133F, v17;
	v18 =	vsel vm3, $0x1700, v18;
	v19 =	vsel vm3, $0x173F, v19  }
0x69: {  	v20 =	vsel vm3, $0x231F, v20;
	v21 =	vsel vm3, $0x230F, v21;
	v22 =	vsel vm3, $0x2307, v22  }
0x6a: {  	v23 =	vsel vm3, $0x2303, v23;
	v24 =	vsel vm3, $0x2301, v24;
	v25 =	vsel vm3, $0x2300, v25  }
0x6b: {  	v26 =	vsel vm3, $0x22FF, v26;
	v27 =	vsel vm3, $0x233F, v27;
	v28 =	vsel vm3, $0x2700, v28  }
0x6c: {  	v29 =	vsel vm3, $0x273F, v29;
	v30 =	vsel vm3, $0x331F, v30;
	v31 =	vsel vm3, $0x330F, v31  }
0x6d: {  	v32 =	vsel vm3, $0x3307, v32;
	v33 =	vsel vm3, $0x3303, v33;
	v34 =	vsel vm3, $0x3301, v34  }
0x6e: {  	v35 =	vsel vm3, $0x3300, v35;
	v36 =	vsel vm3, $0x32FF, v36;
	v37 =	vsel vm3, $0x333F, v37  }
0x6f: {  	v38 =	vsel vm3, $0x3700, v38;
	v39 =	vsel vm3, $0x373F, v39;
	v0 =	vsel vm2, $0x39F, v0  }
0x70: {  	v1 =	vsel vm3, $0x2FF, v1;
	v2 =	vsel vm2, $0x38F, v2;
	v3 =	vsel vm2, $0x387, v3  }
0x71: {  	v4 =	vsel vm2, $0x383, v4;
	v5 =	vsel vm2, $0x381, v5;
	v6 =	vsel vm2, $0x380, v6  }
0x72: {  	v7 =	vsel vm2, $0x3BF, v7;
	v8 =	vsel vm2, $0x780, v8;
	v9 =	vsel vm2, $0x7BF, v9  }
0x73: {  	v10 =	vsel vm2, $0x139F, v10;
	v11 =	vsel vm2, $0x138F, v11;
	v12 =	vsel vm2, $0x1387, v12  }
0x74: {  	v13 =	vsel vm2, $0x1383, v13;
	v14 =	vsel vm2, $0x1381, v14;
	v15 =	vsel vm2, $0x1380, v15  }
0x75: {  	v16 =	vsel vm2, $0x137F, v16;
	v17 =	vsel vm2, $0x13BF, v17;
	v18 =	vsel vm2, $0x1780, v18  }
0x76: {  	v19 =	vsel vm2, $0x17BF, v19;
	v20 =	vsel vm2, $0x239F, v20;
	v21 =	vsel vm2, $0x238F, v21  }
0x77: {  	v22 =	vsel vm2, $0x2387, v22;
	v23 =	vsel vm2, $0x2383, v23;
	v24 =	vsel vm2, $0x2381, v24  }
0x78: {  	v25 =	vsel vm2, $0x2380, v25;
	v26 =	vsel vm2, $0x237F, v26;
	v27 =	vsel vm2, $0x23BF, v27  }
0x79: {  	v28 =	vsel vm2, $0x2780, v28;
	v29 =	vsel vm2, $0x27BF, v29;
	v30 =	vsel vm2, $0x339F, v30  }
0x7a: {  	v31 =	vsel vm2, $0x338F, v31;
	v32 =	vsel vm2, $0x3387, v32;
	v33 =	vsel vm2, $0x3383, v33  }
0x7b: {  	v34 =	vsel vm2, $0x3381, v34;
	v35 =	vsel vm2, $0x3380, v35;
	v36 =	vsel vm2, $0x337F, v36  }
0x7c: {  	v37 =	vsel vm2, $0x33BF, v37;
	v38 =	vsel vm2, $0x3780, v38;
	v39 =	vsel vm2, $0x37BF, v39  }
0x7d: {  	v0 =	vsel vm0, $0x81F, v0;
	v1 =	vsel vm2, $0x37F, v1;
	v2 =	vsel vm0, $0x80F, v2  }
0x7e: {  	v3 =	vsel vm0, $0x807, v3;
	v4 =	vsel vm0, $0x803, v4;
	v5 =	vsel vm0, $0x801, v5  }
0x7f: {  	v6 =	vsel vm0, $0x800, v6;
	v7 =	vsel vm0, $0x83F, v7;
	v8 =	vsel vm0, $0xC00, v8  }
0x80: {  	v9 =	vsel vm0, $0xC3F, v9;
	v10 =	vsel vm0, $0x181F, v10;
	v11 =	vsel vm0, $0x180F, v11  }
0x81: {  	v12 =	vsel vm0, $0x1807, v12;
	v13 =	vsel vm0, $0x1803, v13;
	v14 =	vsel vm0, $0x1801, v14  }
0x82: {  	v15 =	vsel vm0, $0x1800, v15;
	v16 =	vsel vm0, $0x17FF, v16;
	v17 =	vsel vm0, $0x183F, v17  }
0x83: {  	v18 =	vsel vm0, $0x1C00, v18;
	v19 =	vsel vm0, $0x1C3F, v19;
	v20 =	vsel vm0, $0x281F, v20  }
0x84: {  	v21 =	vsel vm0, $0x280F, v21;
	v22 =	vsel vm0, $0x2807, v22;
	v23 =	vsel vm0, $0x2803, v23  }
0x85: {  	v24 =	vsel vm0, $0x2801, v24;
	v25 =	vsel vm0, $0x2800, v25;
	v26 =	vsel vm0, $0x27FF, v26  }
0x86: {  	v27 =	vsel vm0, $0x283F, v27;
	v28 =	vsel vm0, $0x2C00, v28;
	v29 =	vsel vm0, $0x2C3F, v29  }
0x87: {  	v30 =	vsel vm0, $0x381F, v30;
	v31 =	vsel vm0, $0x380F, v31;
	v32 =	vsel vm0, $0x3807, v32  }
0x88: {  	v33 =	vsel vm0, $0x3803, v33;
	v34 =	vsel vm0, $0x3801, v34;
	v35 =	vsel vm0, $0x3800, v35  }
0x89: {  	v36 =	vsel vm0, $0x37FF, v36;
	v37 =	vsel vm0, $0x383F, v37;
	v38 =	vsel vm0, $0x3C00, v38  }
0x8a: {  	v39 =	vsel vm0, $0x3C3F, v39;
	v0 =	vsel vm1, $0x89F, v0;
	v1 =	vsel vm0, $0x7FF, v1  }
0x8b: {  	vm0 =	vcmask $0x2B28;
	v2 =	vsel vm1, $0x88F, v2;
	v3 =	vsel vm1, $0x887, v3  }
0x8c: {  	v4 =	vsel vm1, $0x883, v4;
	v5 =	vsel vm1, $0x881, v5;
	v6 =	vsel vm1, $0x880, v6  }
0x8d: {  	v7 =	vsel vm1, $0x8BF, v7;
	v8 =	vsel vm1, $0xC80, v8;
	v9 =	vsel vm1, $0xCBF, v9  }
0x8e: {  	v10 =	vsel vm1, $0x189F, v10;
	v11 =	vsel vm1, $0x188F, v11;
	v12 =	vsel vm1, $0x1887, v12  }
0x8f: {  	v13 =	vsel vm1, $0x1883, v13;
	v14 =	vsel vm1, $0x1881, v14;
	v15 =	vsel vm1, $0x1880, v15  }
0x90: {  	v16 =	vsel vm1, $0x187F, v16;
	v17 =	vsel vm1, $0x18BF, v17;
	v18 =	vsel vm1, $0x1C80, v18  }
0x91: {  	v19 =	vsel vm1, $0x1CBF, v19;
	v20 =	vsel vm1, $0x289F, v20;
	v21 =	vsel vm1, $0x288F, v21  }
0x92: {  	v22 =	vsel vm1, $0x2887, v22;
	v23 =	vsel vm1, $0x2883, v23;
	v24 =	vsel vm1, $0x2881, v24  }
0x93: {  	v25 =	vsel vm1, $0x2880, v25;
	v26 =	vsel vm1, $0x287F, v26;
	v27 =	vsel vm1, $0x28BF, v27  }
0x94: {  	v28 =	vsel vm1, $0x2C80, v28;
	v29 =	vsel vm1, $0x2CBF, v29;
	v30 =	vsel vm1, $0x389F, v30  }
0x95: {  	v31 =	vsel vm1, $0x388F, v31;
	v32 =	vsel vm1, $0x3887, v32;
	v33 =	vsel vm1, $0x3883, v33  }
0x96: {  	v34 =	vsel vm1, $0x3881, v34;
	v35 =	vsel vm1, $0x3880, v35;
	v36 =	vsel vm1, $0x387F, v36  }
0x97: {  	v37 =	vsel vm1, $0x38BF, v37;
	v38 =	vsel vm1, $0x3C80, v38;
	v39 =	vsel vm1, $0x3CBF, v39  }
0x98: {  	v1 =	vsel vm1, $0x87F, v1;
	v0 =	vsel vm0, $0x91F, v0;
	v2 =	vsel vm0, $0x90F, v2  }
0x99: {  	v3 =	vsel vm0, $0x907, v3;
	v4 =	vsel vm0, $0x903, v4;
	v5 =	vsel vm0, $0x901, v5  }
0x9a: {  	v6 =	vsel vm0, $0x900, v6;
	v7 =	vsel vm0, $0x93F, v7;
	v8 =	vsel vm0, $0xD00, v8  }
0x9b: {  	v9 =	vsel vm0, $0xD3F, v9;
	v10 =	vsel vm0, $0x191F, v10;
	v11 =	vsel vm0, $0x190F, v11  }
0x9c: {  	v12 =	vsel vm0, $0x1907, v12;
	v13 =	vsel vm0, $0x1903, v13;
	v14 =	vsel vm0, $0x1901, v14  }
0x9d: {  	v15 =	vsel vm0, $0x1900, v15;
	v16 =	vsel vm0, $0x18FF, v16;
	v17 =	vsel vm0, $0x193F, v17  }
0x9e: {  	v18 =	vsel vm0, $0x1D00, v18;
	v19 =	vsel vm0, $0x1D3F, v19;
	v20 =	vsel vm0, $0x291F, v20  }
0x9f: {  	v21 =	vsel vm0, $0x290F, v21;
	v22 =	vsel vm0, $0x2907, v22;
	v23 =	vsel vm0, $0x2903, v23  }
0xa0: {  	v24 =	vsel vm0, $0x2901, v24;
	v25 =	vsel vm0, $0x2900, v25;
	v26 =	vsel vm0, $0x28FF, v26  }
0xa1: {  	v27 =	vsel vm0, $0x293F, v27;
	v28 =	vsel vm0, $0x2D00, v28;
	v29 =	vsel vm0, $0x2D3F, v29  }
0xa2: {  	v30 =	vsel vm0, $0x391F, v30;
	v31 =	vsel vm0, $0x390F, v31;
	v32 =	vsel vm0, $0x3907, v32  }
0xa3: {  	v33 =	vsel vm0, $0x3903, v33;
	v34 =	vsel vm0, $0x3901, v34;
	v35 =	vsel vm0, $0x3900, v35  }
0xa4: {  	v36 =	vsel vm0, $0x38FF, v36;
	v37 =	vsel vm0, $0x393F, v37;
	v38 =	vsel vm0, $0x3D00, v38  }
0xa5: {  	v39 =	vsel vm0, $0x3D3F, v39;
	v1 =	vsel vm0, $0x8FF, v1;
	vm0 =	vcmask $0x2F2C  }
0xa6: {  	v40 =	vsel vm0, $0x99F, v0;
	v2 =	vsel vm0, $0x98F, v2  }
0xa7: {  	v3 =	vsel vm0, $0x987, v3;
	v4 =	vsel vm0, $0x983, v4;
	v5 =	vsel vm0, $0x981, v5  }
0xa8: {  	v6 =	vsel vm0, $0x980, v6;
	v1 =	vsel vm0, $0x97F, v1;
	v7 =	vsel vm0, $0x9BF, v7  }
0xa9: {  	v8 =	vsel vm0, $0xD80, v8;
	v9 =	vsel vm0, $0xDBF, v9;
	v10 =	vsel vm0, $0x199F, v10  }
0xaa: {  	v11 =	vsel vm0, $0x198F, v11;
	v12 =	vsel vm0, $0x1987, v12;
	v13 =	vsel vm0, $0x1983, v13  }
0xab: {  	v14 =	vsel vm0, $0x1981, v14;
	v15 =	vsel vm0, $0x1980, v15;
	v16 =	vsel vm0, $0x197F, v16  }
0xac: {  	v17 =	vsel vm0, $0x19BF, v17;
	v18 =	vsel vm0, $0x1D80, v18;
	v19 =	vsel vm0, $0x1DBF, v19  }
0xad: {  	v20 =	vsel vm0, $0x299F, v20;
	v21 =	vsel vm0, $0x298F, v21;
	v22 =	vsel vm0, $0x2987, v22  }
0xae: {  	v23 =	vsel vm0, $0x2983, v23;
	v24 =	vsel vm0, $0x2981, v24;
	v25 =	vsel vm0, $0x2980, v25  }
0xaf: {  	v26 =	vsel vm0, $0x297F, v26;
	v27 =	vsel vm0, $0x29BF, v27;
	v28 =	vsel vm0, $0x2D80, v28  }
0xb0: {  	v29 =	vsel vm0, $0x2DBF, v29;
	v30 =	vsel vm0, $0x399F, v30;
	v31 =	vsel vm0, $0x398F, v31  }
0xb1: {  	v32 =	vsel vm0, $0x3987, v32;
	v33 =	vsel vm0, $0x3983, v33;
	v34 =	vsel vm0, $0x3981, v34  }
0xb2: {  	v35 =	vsel vm0, $0x3980, v35;
	v36 =	vsel vm0, $0x397F, v36;
	v37 =	vsel vm0, $0x39BF, v37  }
0xb3: {  	v38 =	vsel vm0, $0x3D80, v38;
	v39 =	vsel vm0, $0x3DBF, v39;
	vm0 =	vcmask $0x3330  }
0xb4: {  	v40 =	vsel vm0, $0xA1F, v40;
	v2 =	vsel vm0, $0xA0F, v2  }
0xb5: {  	v3 =	vsel vm0, $0xA07, v3;
	v4 =	vsel vm0, $0xA03, v4;
	v5 =	vsel vm0, $0xA01, v5  }
0xb6: {  	v6 =	vsel vm0, $0xA00, v6;
	v1 =	vsel vm0, $0x9FF, v1;
	v7 =	vsel vm0, $0xA3F, v7  }
0xb7: {  	v8 =	vsel vm0, $0xE00, v8;
	v9 =	vsel vm0, $0xE3F, v9;
	v10 =	vsel vm0, $0x1A1F, v10  }
0xb8: {  	v11 =	vsel vm0, $0x1A0F, v11;
	v12 =	vsel vm0, $0x1A07, v12;
	v13 =	vsel vm0, $0x1A03, v13  }
0xb9: {  	v14 =	vsel vm0, $0x1A01, v14;
	v15 =	vsel vm0, $0x1A00, v15;
	v16 =	vsel vm0, $0x19FF, v16  }
0xba: {  	v17 =	vsel vm0, $0x1A3F, v17;
	v18 =	vsel vm0, $0x1E00, v18;
	v19 =	vsel vm0, $0x1E3F, v19  }
0xbb: {  	v20 =	vsel vm0, $0x2A1F, v20;
	v21 =	vsel vm0, $0x2A0F, v21;
	v22 =	vsel vm0, $0x2A07, v22  }
0xbc: {  	v23 =	vsel vm0, $0x2A03, v23;
	v24 =	vsel vm0, $0x2A01, v24;
	v25 =	vsel vm0, $0x2A00, v25  }
0xbd: {  	v26 =	vsel vm0, $0x29FF, v26;
	v27 =	vsel vm0, $0x2A3F, v27;
	v28 =	vsel vm0, $0x2E00, v28  }
0xbe: {  	v29 =	vsel vm0, $0x2E3F, v29;
	v30 =	vsel vm0, $0x3A1F, v30;
	v31 =	vsel vm0, $0x3A0F, v31  }
0xbf: {  	v32 =	vsel vm0, $0x3A07, v32;
	v33 =	vsel vm0, $0x3A03, v33;
	v34 =	vsel vm0, $0x3A01, v34  }
0xc0: {  	v35 =	vsel vm0, $0x3A00, v35;
	v36 =	vsel vm0, $0x39FF, v36;
	v37 =	vsel vm0, $0x3A3F, v37  }
0xc1: {  	v38 =	vsel vm0, $0x3E00, v38;
	v39 =	vsel vm0, $0x3E3F, v39;
	vm0 =	vcmask $0x3734  }
0xc2: {  	v40 =	vsel vm0, $0xA9F, v40;
	v42 =	vsel vm0, $0xA8F, v2  }
0xc3: {  	v44 =	vsel vm0, $0xA87, v3;
	v45 =	vsel vm0, $0xA83, v4;
	v46 =	vsel vm0, $0xA81, v5  }
0xc4: {  	v47 =	vsel vm0, $0xA80, v6;
	v48 =	vsel vm0, $0xA7F, v1;
	v49 =	vsel vm0, $0xABF, v7  }
0xc5: {  	v50 =	vsel vm0, $0xE80, v8;
	v51 =	vsel vm0, $0xEBF, v9;
	v52 =	vsel vm0, $0x1A9F, v10  }
0xc6: {  	v53 =	vsel vm0, $0x1A8F, v11;
	v54 =	vsel vm0, $0x1A87, v12;
	v55 =	vsel vm0, $0x1A83, v13  }
0xc7: {  	v56 =	vsel vm0, $0x1A81, v14;
	v57 =	vsel vm0, $0x1A80, v15;
	v1 =	vsel vm0, $0x2A83, v23  }
0xc8: {  	v58 =	vsel vm0, $0x1A7F, v16;
	v59 =	vsel vm0, $0x1ABF, v17;
	[tilespmem:$0x1FF70] =	vst v1;
	v1 =	vsel vm0, $0x2A81, v24  }
0xc9: {  	v60 =	vsel vm0, $0x1E80, v18;
	v61 =	vsel vm0, $0x1EBF, v19;
	[tilespmem:$0x1FF80] =	vst v1;
	v1 =	vsel vm0, $0x2A80, v25  }
0xca: {  	v62 =	vsel vm0, $0x2A9F, v20;
	v63 =	vsel vm0, $0x2A8F, v21;
	[tilespmem:$0x1FF90] =	vst v1;
	v1 =	vsel vm0, $0x2A7F, v26  }
0xcb: {  	v43 =	vsel vm0, $0x2A87, v22;
	v8 =	vsel vm0, $0x3A87, v32;
	[tilespmem:$0x1FFA0] =	vst v1;
	v1 =	vsel vm0, $0x2ABF, v27  }
0xcc: {  	v9 =	vsel vm0, $0x3A83, v33;
	v11 =	vsel vm0, $0x3A81, v34;
	[tilespmem:$0x1FFB0] =	vst v1;
	v1 =	vsel vm0, $0x2E80, v28  }
0xcd: {  	v5 =	vsel vm0, $0x3A80, v35;
	v6 =	vsel vm0, $0x3A7F, v36;
	[tilespmem:$0x1FFC0] =	vst v1;
	v1 =	vsel vm0, $0x2EBF, v29  }
0xce: {  	v7 =	vsel vm0, $0x3ABF, v37;
	v3 =	vsel vm0, $0x3E80, v38;
	[tilespmem:$0x1FFD0] =	vst v1;
	v1 =	vsel vm0, $0x3A9F, v30  }
0xcf: {  	v4 =	vsel vm0, $0x3EBF, v39;
	[tilespmem:$0x1FFE0] =	vst v1;
	v1 =	vsel vm0, $0x3A8F, v31;
	vm0 =	vcmask $0x3B38  }
0xd0: {  	v2 =	vsel vm0, $0xB1F, v40  }
0xd1: {  	[tilespmem:$0x1FEE0] =	vst v2;
	v2 =	vsel vm0, $0xB0F, v42  }
0xd2: {  	[tilespmem:$0x1FEF0] =	vst v2;
	v2 =	vsel vm0, $0xB07, v44  }
0xd3: {  	[tilespmem:$0x1FF00] =	vst v2;
	v2 =	vsel vm0, $0xB03, v45  }
0xd4: {  	[tilespmem:$0x1FF10] =	vst v2;
	v2 =	vsel vm0, $0xB01, v46  }
0xd5: {  	[tilespmem:$0x1FF20] =	vst v2;
	v2 =	vsel vm0, $0xB00, v47  }
0xd6: {  	[tilespmem:$0x1FF30] =	vst v2;
	v2 =	vsel vm0, $0xAFF, v48  }
0xd7: {  	[tilespmem:$0x1FF40] =	vst v2;
	v2 =	vsel vm0, $0xB3F, v49  }
0xd8: {  	[tilespmem:$0x1FF50] =	vst v2;
	v2 =	vsel vm0, $0xF3F, v51  }
0xd9: {  	[tilespmem:$0x1FF60] =	vst v2;
	v2 =	vld [tilespmem:$0x1FF70];
	_ =	sdelay $0x4  }
0xda: {  	v25 =	vsel vm0, $0x2B03, v2;
	v2 =	vld [tilespmem:$0x1FF80];
	_ =	sdelay $0x4  }
0xdb: {  	v26 =	vsel vm0, $0x2B01, v2;
	v2 =	vld [tilespmem:$0x1FF90];
	_ =	sdelay $0x4  }
0xdc: {  	v27 =	vsel vm0, $0x2B00, v2;
	v2 =	vld [tilespmem:$0x1FFA0];
	_ =	sdelay $0x4  }
0xdd: {  	v28 =	vsel vm0, $0x2AFF, v2;
	v2 =	vld [tilespmem:$0x1FFB0];
	_ =	sdelay $0x2  }
0xde: {  	s6 =	rddreg [dreg:$0x0]  }
0xdf: {  	s5 =	rddreg [dreg:$0x1]  }
0xe0: {  	s4 =	rddreg [dreg:$0x2];
	v29 =	vsel vm0, $0x2B3F, v2;
	v2 =	vld [tilespmem:$0x1FFC0]  }
0xe1: {  	s7 =	rddreg [dreg:$0x3]  }
0xe2: {  	s8 =	rddreg [dreg:$0x4];
	s1 =	simm.s32 $0x0  }
0xe3: {  	[smem:$0x7FF] =	sst s1;
	[tilespmem:$0x1FFF0] =	vst v1  }
0xe4: {  	s0 =	rddreg [dreg:$0x5];
	_ =	strace $0x80000047  }
0xe5: {  	v30 =	vsel vm0, $0x2F00, v2;
	v2 =	vld [tilespmem:$0x1FFD0];
	_ =	sdelay $0x4  }
0xe6: {  	v31 =	vsel vm0, $0x2F3F, v2;
	v2 =	vld [tilespmem:$0x1FFE0]  }
0xe7: {  	v41 =	vlaneseq.u32  }
0xe8: {  	v0 =	vand.u32 $0x7, v41;
	v41 =	vshrl.u32 v41, $0x3  }
0xe9: {  	v1 =	vmul.u32 $0x8, v41;
	v10 =	vsel vm0, $0xF00, v50;
	v12 =	vsel vm0, $0x1B1F, v52  }
0xea: {  	v13 =	vsel vm0, $0x1B0F, v53;
	v14 =	vsel vm0, $0x1B07, v54;
	v15 =	vsel vm0, $0x1B03, v55  }
0xeb: {  	v16 =	vsel vm0, $0x1B01, v56;
	v17 =	vsel vm0, $0x1B00, v57;
	v32 =	vsel vm0, $0x3B1F, v2;
	v2 =	vld [tilespmem:$0x1FFF0]  }
0xec: {  	v18 =	vsel vm0, $0x1AFF, v58;
	v19 =	vsel vm0, $0x1B3F, v59;
	v20 =	vsel vm0, $0x1F00, v60  }
0xed: {  	v21 =	vsel vm0, $0x1F3F, v61;
	v22 =	vsel vm0, $0x2B1F, v62;
	v23 =	vsel vm0, $0x2B0F, v63  }
0xee: {  	s2 =	srdreg.scid;
	s13 =	simm.s32 $0x1200;
	v24 =	vsel vm0, $0x2B07, v43;
	v34 =	vsel vm0, $0x3B07, v8;
	v35 =	vsel vm0, $0x3B03, v9  }
0xef: {  	s14 =	simm.s32 $0x1A00;
	s15 =	simm.s32 $0x2200;
	s16 =	simm.s32 $0x2A00;
	v36 =	vsel vm0, $0x3B01, v11;
	v37 =	vsel vm0, $0x3B00, v5;
	v38 =	vsel vm0, $0x3AFF, v6  }
0xf0: {  	s17 =	simm.s32 $0x3200;
	s18 =	simm.s32 $0x3A00;
	s19 =	simm.s32 $0x40;
	v39 =	vsel vm0, $0x3B3F, v7;
	v33 =	vsel vm0, $0x3B0F, v2;
	v2 =	vlaneseq.u32  }
0xf1: {  	s20 =	simm.s32 $0x4200;
	s21 =	simm.s32 $0x80;
	s22 =	simm.s32 $0x1;
	v40 =	vsel vm0, $0x3F00, v3;
	v41 =	vsel vm0, $0x3F3F, v4;
	v42 =	vmul.u32 $0x80, v2  }
0xf2: {  	s23 =	simm.s32 $0x2;
	s24 =	simm.s32 $0x180;
	s25 =	simm.s32 $0x100;
	v44 =	vimm.s32 $0x0;
	vm0 =	vmmov $0xffff;
	v43 =	vor.u32 $0x8, v2  }
0xf3: {  	s9 =	sand.u32 $0x1, s2;
	s3 =	sadd.s32 $0xC00, s4;
	s2 =	stileid.u32;
	v45 =	vor.u32 $0xF, v42;
	v46 =	vor.u32 $0x7, v42;
	v47 =	vor.u32 $0x3, v42  }
0xf4: {  	s10 =	ssub.s32 $0x2, s9;
	s12 =	sshll.u32 s2, $0x4;
	s9 =	sshll.u32 s9, $0x3;
	v48 =	vor.u32 $0x1, v42;
	v49 =	vadd.s32 $0xFFFFFFFF, v42;
	v50 =	vor.u32 $0x1F, v42  }
0xf5: {  	s4 =	sadd.s32 $0x10C00, s4;
	s11 =	sshrl.u32 s10, $0x1;
	s9 =	sor.u32 s9, s12;
	v51 =	vor.u32 $0x3F, v42;
	v52 =	vor.u32 $0x40, v42;
	v53 =	vor.u32 $0x5F, v42  }
0xf6: {  	s12 =	simm.s32 $0xA00;
	s10 =	ssub.s32 s10, s11;
	s5 =	sadd.s32 s5, s9;
	v54 =	vor.u32 $0x80F, v42;
	v55 =	vor.u32 $0x807, v42;
	v56 =	vor.u32 $0x803, v42  }
0xf7: {  	s6 =	sadd.s32 s6, s9;
	s7 =	sadd.s32 s7, s9;
	s8 =	sadd.s32 s8, s9;
	v57 =	vor.u32 $0x801, v42;
	v58 =	vor.u32 $0x800, v42;
	v59 =	vadd.s32 $0x7FF, v42  }
0xf8: {  	s11 =	simm.s32 $0x200;
	s9 =	smax.u32 s10, $0x1;
	s10 =	simm.s32 $0x3;
	v60 =	vor.u32 $0x81F, v42;
	v61 =	vor.u32 $0x83F, v42;
	v62 =	vor.u32 $0x840, v42  }
.LBB2_1:
0xf9: {  	[tilespmem:s1], [sflag:$0x3] =	stream.linear.gather [hbm4b:s5+s1], $0x40, $0x38;
	[tilespmem:$0x6200] =	vst v63  }
0xfa: {  	_ =	swait.ge [sflag:s10], $0x40  }
0xfb: {  	[sflag:s10] =	ssyncset.done $0x0  }
0xfc: {  	[sflag:s10] =	ssyncadd.s32 $0xFFFFFFC0  }
0xfd: {  	v63 =	vld [tilespmem:$0x0];
	_ =	sdelay $0x4  }
0xfe: {  	v2 =	vshll.u32 v63, $0x1  }
0xff: {  	v63 =	vand.u32 $0x7, v63;
	v2 =	vand.u32 $0xFFFFFFF0, v2  }
0x100: {  	v2 =	vor.u32 v63, v2  }
0x101: {  	v63 =	vperm.xlane v2, v0;
	_ =	sdelay $0x1  }
0x102: {  	v2 =	vperm.xlane v2, v43;
	v63 =	vadd.s32 v1, v63;
	_ =	sdelay $0x1  }
0x103: {  	v2 =	vadd.s32 v1, v2;
	_ =	sdelay $0x2  }
0x104: {  	[tilespmem:s11], [sflag:$0x1] =	stream.indirect_vreg.gather [hbm4b:s3+s1], $0x80, v63, vm0, $0xb8;
	[tilespmem:$0x6200] =	vst v63  }
0x105: {  	_ = 	snop  }
0x106: {  	[tilespmem:s12], [sflag:$0x1] =	stream.indirect_vreg.gather [hbm4b:s3+s1], $0x80, v2, vm0, $0xb8;
	[tilespmem:$0x6200] =	vst v63  }
0x107: {  	v2 =	vld [tilespmem:$0x10];
	_ =	sdelay $0x4  }
0x108: {  	v4 =	vshll.u32 v2, $0x1  }
0x109: {  	v2 =	vand.u32 $0x7, v2;
	v63 =	vand.u32 $0xFFFFFFF0, v4  }
0x10a: {  	v2 =	vor.u32 v2, v63  }
0x10b: {  	v63 =	vperm.xlane v2, v0;
	_ =	sdelay $0x1  }
0x10c: {  	v2 =	vperm.xlane v2, v43;
	v63 =	vadd.s32 v1, v63;
	_ =	sdelay $0x1  }
0x10d: {  	v2 =	vadd.s32 v1, v2;
	_ =	sdelay $0x2  }
0x10e: {  	[tilespmem:s13], [sflag:$0x1] =	stream.indirect_vreg.gather [hbm4b:s3+s1], $0x80, v63, vm0, $0xb8;
	[tilespmem:$0x6200] =	vst v63  }
0x10f: {  	_ = 	snop  }
0x110: {  	[tilespmem:s14], [sflag:$0x1] =	stream.indirect_vreg.gather [hbm4b:s3+s1], $0x80, v2, vm0, $0xb8;
	[tilespmem:$0x6200] =	vst v63  }
0x111: {  	v2 =	vld [tilespmem:$0x20];
	_ =	sdelay $0x4  }
0x112: {  	v5 =	vshll.u32 v2, $0x1  }
0x113: {  	v2 =	vand.u32 $0x7, v2;
	v63 =	vand.u32 $0xFFFFFFF0, v5  }
0x114: {  	v2 =	vor.u32 v2, v63  }
0x115: {  	v63 =	vperm.xlane v2, v0;
	_ =	sdelay $0x1  }
0x116: {  	v2 =	vperm.xlane v2, v43;
	v63 =	vadd.s32 v1, v63;
	_ =	sdelay $0x1  }
0x117: {  	v2 =	vadd.s32 v1, v2;
	_ =	sdelay $0x2  }
0x118: {  	[tilespmem:s15], [sflag:$0x1] =	stream.indirect_vreg.gather [hbm4b:s3+s1], $0x80, v63, vm0, $0xb8;
	[tilespmem:$0x6200] =	vst v63  }
0x119: {  	_ = 	snop  }
0x11a: {  	[tilespmem:s16], [sflag:$0x1] =	stream.indirect_vreg.gather [hbm4b:s3+s1], $0x80, v2, vm0, $0xb8;
	[tilespmem:$0x6200] =	vst v63  }
0x11b: {  	v2 =	vld [tilespmem:$0x30];
	_ =	sdelay $0x4  }
0x11c: {  	v6 =	vshll.u32 v2, $0x1  }
0x11d: {  	v2 =	vand.u32 $0x7, v2;
	v63 =	vand.u32 $0xFFFFFFF0, v6  }
0x11e: {  	v2 =	vor.u32 v2, v63  }
0x11f: {  	v63 =	vperm.xlane v2, v0;
	_ =	sdelay $0x1  }
0x120: {  	v2 =	vperm.xlane v2, v43;
	v63 =	vadd.s32 v1, v63;
	_ =	sdelay $0x1  }
0x121: {  	v2 =	vadd.s32 v1, v2;
	_ =	sdelay $0x2  }
0x122: {  	[tilespmem:s17], [sflag:$0x1] =	stream.indirect_vreg.gather [hbm4b:s3+s1], $0x80, v63, vm0, $0xb8;
	[tilespmem:$0x6200] =	vst v63  }
0x123: {  	_ = 	snop  }
0x124: {  	[tilespmem:s18], [sflag:$0x1] =	stream.indirect_vreg.gather [hbm4b:s3+s1], $0x80, v2, vm0, $0xb8;
	[tilespmem:$0x6200] =	vst v63  }
0x125: {  	_ = 	snop  }
0x126: {  	[tilespmem:s20], [sflag:$0x2] =	stream.indirect.gather [hbm4b:s4+s19], $0x80, s1, s19, $0xb8;
	[tilespmem:$0x6200] =	vst v63  }
0x127: {  	_ = 	snop  }
0x128: {  	[tilespmem:s21], [sflag:$0x3] =	stream.linear.gather [hbm4b:s6+s1], $0x40, $0x38;
	[tilespmem:$0x6200] =	vst v63  }
0x129: {  	_ =	swait.ge [sflag:s10], $0x40  }
0x12a: {  	[sflag:s10] =	ssyncset.done $0x0  }
0x12b: {  	[sflag:s10] =	ssyncadd.s32 $0xFFFFFFC0  }
0x12c: {  	_ =	swait.ge [sflag:s22], $0x4000  }
0x12d: {  	v3 =	vld [tilespmem:$0x1FEE0];
	_ =	sdelay $0x4  }
0x12e: {  	[sflag:s22] =	ssyncset.done $0x0  }
0x12f: {  	[sflag:s22] =	ssyncadd.s32 $0xFFFFC000  }
0x130: {  	v2 =	vld [tilespmem:$0x80]  }
0x131: {  	v7 =	vld.idx.msk [tilespmem:v3+s11+$0x0], $0xffff;
	_ =	sdelay $0x1  }
0x132: {  	v3 =	vld [tilespmem:$0x1FEF0];
	_ =	sdelay $0x2  }
0x133: {  	vm1 =	vlt.f32 v7, v2  }
0x134: {  	v63 =	vsel vm1, $0x20, v44  }
0x135: {  	v3 =	vor.u32 v3, v63;
	_ =	sdelay $0x4  }
0x136: {  	v3 =	vld.idx.msk [tilespmem:v3+s11+$0x0], $0xffff;
	_ =	sdelay $0x2  }
0x137: {  	v4 =	vld [tilespmem:$0x1FF00];
	_ =	sdelay $0x1  }
0x138: {  	vm1 =	vlt.f32 v3, v2  }
0x139: {  	v3 =	vsel vm1, $0x10, v44  }
0x13a: {  	v3 =	vor.u32 v63, v3  }
0x13b: {  	v63 =	vor.u32 v4, v3;
	_ =	sdelay $0x4  }
0x13c: {  	v63 =	vld.idx.msk [tilespmem:v63+s11+$0x0], $0xffff;
	_ =	sdelay $0x4  }
0x13d: {  	vm1 =	vlt.f32 v63, v2  }
0x13e: {  	v63 =	vsel vm1, $0x8, v44  }
0x13f: {  	v3 =	vor.u32 v63, v3;
	v63 =	vld [tilespmem:$0x1FF10];
	_ =	sdelay $0x4  }
0x140: {  	v63 =	vor.u32 v63, v3;
	_ =	sdelay $0x4  }
0x141: {  	v63 =	vld.idx.msk [tilespmem:v63+s11+$0x0], $0xffff;
	_ =	sdelay $0x4  }
0x142: {  	vm1 =	vlt.f32 v63, v2  }
0x143: {  	v63 =	vsel vm1, $0x4, v44  }
0x144: {  	v3 =	vor.u32 v63, v3;
	v63 =	vld [tilespmem:$0x1FF20];
	_ =	sdelay $0x4  }
0x145: {  	v63 =	vor.u32 v63, v3;
	_ =	sdelay $0x4  }
0x146: {  	v63 =	vld.idx.msk [tilespmem:v63+s11+$0x0], $0xffff;
	_ =	sdelay $0x4  }
0x147: {  	vm1 =	vlt.f32 v63, v2  }
0x148: {  	v63 =	vsel vm1, $0x2, v44  }
0x149: {  	v3 =	vor.u32 v63, v3;
	v63 =	vld [tilespmem:$0x1FF30];
	_ =	sdelay $0x4  }
0x14a: {  	v63 =	vor.u32 v63, v3;
	_ =	sdelay $0x4  }
0x14b: {  	v63 =	vld.idx.msk [tilespmem:v63+s11+$0x0], $0xffff;
	_ =	sdelay $0x4  }
0x14c: {  	vm1 =	vlt.f32 v63, v2  }
0x14d: {  	v63 =	vsel vm1, $0x1, v44  }
0x14e: {  	v3 =	vor.u32 v63, v3;
	v63 =	vld [tilespmem:$0x1FF50];
	_ =	sdelay $0x3  }
0x14f: {  	v3 =	vmax.u32 v3, $0x1  }
0x150: {  	v63 =	vadd.s32 v63, v3;
	_ =	sdelay $0x2  }
0x151: {  	v6 =	vld [tilespmem:$0x1FF40]  }
0x152: {  	v4 =	vadd.s32 $0xFFFFFFFF, v3  }
0x153: {  	v5 =	vor.u32 v10, v3;
	v4 =	vand.u32 $0x7F, v4;
	v63 =	vld.idx.msk [tilespmem:v63+s11+$0x0], $0xffff  }
0x154: {  	v4 =	vor.u32 v10, v4;
	_ =	sdelay $0x1  }
0x155: {  	v6 =	vadd.s32 v6, v3;
	_ =	sdelay $0x1  }
0x156: {  	v5 =	vld.idx.msk [tilespmem:v5+s11+$0x0], $0xffff;
	(erf) = vrcp.f32 v63  }
0x157: {  	v4 =	vld.idx.msk [tilespmem:v4+s11+$0x0], $0xffff  }
0x158: {  	v7 =	vld [tilespmem:$0x1FF60]  }
0x159: {  	v6 =	vld.idx.msk [tilespmem:v6+s11+$0x0], $0xffff;
	_ =	sdelay $0x2  }
0x15a: {  	v5 =	vsub.f32 v5, v4;
	_ =	sdelay $0x1  }
0x15b: {  	v3 =	vadd.s32 v7, v3;
	v2 =	vsub.f32 v2, v6;
	v6 =	vmul.f32 $5.000000000e-01, v5  }
0x15c: {  	v7 =	vpop (erf)  }
0x15d: {  	v6 =	vmul.f32 v6, v63;
	v2 =	vmul.f32 v7, v2;
	_ =	sdelay $0x1  }
0x15e: {  	v63 =	vmul.f32 v4, v63;
	v6 =	vmul.f32 v6, v2  }
0x15f: {  	v3 =	vld.idx.msk [tilespmem:v3+s11+$0x0], $0xffff  }
0x160: {  	v7 =	vmul.f32 v2, v63;
	v6 =	vmul.f32 v6, v2;
	_ =	sdelay $0x1  }
0x161: {  	v6 =	vadd.f32 v6, v7  }
0x162: {  	v2 =	vmul.f32 v5, v2  }
0x163: {  	v3 =	vadd.f32 v6, v3  }
0x164: {  	v2 =	vadd.f32 v2, v4  }
0x165: {  	v3 =	vmax.f32 v3, $0.0e+00  }
0x166: {  	[tilespmem:$0x100] =	vst v2;
	v3 =	vmin.f32 v3, $1.000000000e+00  }
0x167: {  	v2 =	vld [tilespmem:$0x90];
	[tilespmem:$0x80] =	vst v3  }
0x168: {  	v3 =	vld.idx.msk [tilespmem:v12+s11+$0x0], $0xffff;
	_ =	sdelay $0x4  }
0x169: {  	vm1 =	vlt.f32 v3, v2  }
0x16a: {  	v3 =	vsel vm1, $0x20, v44  }
0x16b: {  	v63 =	vor.u32 v13, v3;
	_ =	sdelay $0x4  }
0x16c: {  	v4 =	vld.idx.msk [tilespmem:v63+s11+$0x0], $0xffff;
	_ =	sdelay $0x4  }
0x16d: {  	vm1 =	vlt.f32 v4, v2  }
0x16e: {  	v4 =	vsel vm1, $0x10, v44  }
0x16f: {  	v3 =	vor.u32 v3, v4  }
0x170: {  	v4 =	vor.u32 v14, v3;
	_ =	sdelay $0x4  }
0x171: {  	v4 =	vld.idx.msk [tilespmem:v4+s11+$0x0], $0xffff;
	_ =	sdelay $0x4  }
0x172: {  	vm1 =	vlt.f32 v4, v2  }
0x173: {  	v4 =	vsel vm1, $0x8, v44  }
0x174: {  	v3 =	vor.u32 v4, v3  }
0x175: {  	v4 =	vor.u32 v15, v3;
	_ =	sdelay $0x4  }
0x176: {  	v4 =	vld.idx.msk [tilespmem:v4+s11+$0x0], $0xffff;
	_ =	sdelay $0x4  }
0x177: {  	vm1 =	vlt.f32 v4, v2  }
0x178: {  	v4 =	vsel vm1, $0x4, v44  }
0x179: {  	v3 =	vor.u32 v4, v3  }
0x17a: {  	v4 =	vor.u32 v16, v3;
	_ =	sdelay $0x4  }
0x17b: {  	v4 =	vld.idx.msk [tilespmem:v4+s11+$0x0], $0xffff;
	_ =	sdelay $0x4  }
0x17c: {  	vm1 =	vlt.f32 v4, v2  }
0x17d: {  	v4 =	vsel vm1, $0x2, v44  }
0x17e: {  	v3 =	vor.u32 v4, v3  }
0x17f: {  	v4 =	vor.u32 v17, v3;
	_ =	sdelay $0x4  }
0x180: {  	v4 =	vld.idx.msk [tilespmem:v4+s11+$0x0], $0xffff;
	_ =	sdelay $0x4  }
0x181: {  	vm1 =	vlt.f32 v4, v2  }
0x182: {  	v4 =	vsel vm1, $0x1, v44  }
0x183: {  	v3 =	vor.u32 v4, v3  }
0x184: {  	v3 =	vmax.u32 v3, $0x1  }
0x185: {  	v4 =	vadd.s32 v19, v3;
	_ =	sdelay $0x3  }
0x186: {  	v63 =	vadd.s32 $0xFFFFFFFF, v3  }
0x187: {  	v6 =	vor.u32 v20, v3;
	v5 =	vand.u32 $0x7F, v63;
	v4 =	vld.idx.msk [tilespmem:v4+s11+$0x0], $0xffff  }
0x188: {  	v5 =	vor.u32 v20, v5;
	_ =	sdelay $0x1  }
0x189: {  	v63 =	vadd.s32 v18, v3;
	_ =	sdelay $0x1  }
0x18a: {  	v6 =	vld.idx.msk [tilespmem:v6+s11+$0x0], $0xffff;
	(erf) = vrcp.f32 v4  }
0x18b: {  	v5 =	vld.idx.msk [tilespmem:v5+s11+$0x0], $0xffff;
	_ =	sdelay $0x1  }
0x18c: {  	v7 =	vld.idx.msk [tilespmem:v63+s11+$0x0], $0xffff;
	_ =	sdelay $0x2  }
0x18d: {  	v6 =	vsub.f32 v6, v5;
	_ =	sdelay $0x1  }
0x18e: {  	v3 =	vadd.s32 v21, v3;
	v2 =	vsub.f32 v2, v7;
	v7 =	vmul.f32 $5.000000000e-01, v6  }
0x18f: {  	v63 =	vpop (erf)  }
0x190: {  	v7 =	vmul.f32 v7, v4;
	v2 =	vmul.f32 v63, v2;
	_ =	sdelay $0x1  }
0x191: {  	v4 =	vmul.f32 v5, v4;
	v7 =	vmul.f32 v7, v2  }
0x192: {  	v3 =	vld.idx.msk [tilespmem:v3+s11+$0x0], $0xffff  }
0x193: {  	v4 =	vmul.f32 v2, v4;
	v7 =	vmul.f32 v7, v2;
	_ =	sdelay $0x1  }
0x194: {  	v4 =	vadd.f32 v7, v4  }
0x195: {  	v2 =	vmul.f32 v6, v2  }
0x196: {  	v3 =	vadd.f32 v4, v3  }
0x197: {  	v2 =	vadd.f32 v2, v5  }
0x198: {  	v3 =	vmax.f32 v3, $0.0e+00  }
0x199: {  	[tilespmem:$0x110] =	vst v2;
	v3 =	vmin.f32 v3, $1.000000000e+00  }
0x19a: {  	v2 =	vld [tilespmem:$0xA0];
	[tilespmem:$0x90] =	vst v3  }
0x19b: {  	v3 =	vld.idx.msk [tilespmem:v22+s11+$0x0], $0xffff;
	_ =	sdelay $0x4  }
0x19c: {  	vm1 =	vlt.f32 v3, v2  }
0x19d: {  	v3 =	vsel vm1, $0x20, v44  }
0x19e: {  	v63 =	vor.u32 v23, v3;
	_ =	sdelay $0x4  }
0x19f: {  	v4 =	vld.idx.msk [tilespmem:v63+s11+$0x0], $0xffff;
	_ =	sdelay $0x4  }
0x1a0: {  	vm1 =	vlt.f32 v4, v2  }
0x1a1: {  	v4 =	vsel vm1, $0x10, v44  }
0x1a2: {  	v3 =	vor.u32 v3, v4  }
0x1a3: {  	v4 =	vor.u32 v24, v3;
	_ =	sdelay $0x4  }
0x1a4: {  	v4 =	vld.idx.msk [tilespmem:v4+s11+$0x0], $0xffff;
	_ =	sdelay $0x4  }
0x1a5: {  	vm1 =	vlt.f32 v4, v2  }
0x1a6: {  	v4 =	vsel vm1, $0x8, v44  }
0x1a7: {  	v3 =	vor.u32 v4, v3  }
0x1a8: {  	v4 =	vor.u32 v25, v3;
	_ =	sdelay $0x4  }
0x1a9: {  	v4 =	vld.idx.msk [tilespmem:v4+s11+$0x0], $0xffff;
	_ =	sdelay $0x4  }
0x1aa: {  	vm1 =	vlt.f32 v4, v2  }
0x1ab: {  	v4 =	vsel vm1, $0x4, v44  }
0x1ac: {  	v3 =	vor.u32 v4, v3  }
0x1ad: {  	v4 =	vor.u32 v26, v3;
	_ =	sdelay $0x4  }
0x1ae: {  	v4 =	vld.idx.msk [tilespmem:v4+s11+$0x0], $0xffff;
	_ =	sdelay $0x4  }
0x1af: {  	vm1 =	vlt.f32 v4, v2  }
0x1b0: {  	v4 =	vsel vm1, $0x2, v44  }
0x1b1: {  	v3 =	vor.u32 v4, v3  }
0x1b2: {  	v4 =	vor.u32 v27, v3;
	_ =	sdelay $0x4  }
0x1b3: {  	v4 =	vld.idx.msk [tilespmem:v4+s11+$0x0], $0xffff;
	_ =	sdelay $0x4  }
0x1b4: {  	vm1 =	vlt.f32 v4, v2  }
0x1b5: {  	v4 =	vsel vm1, $0x1, v44  }
0x1b6: {  	v3 =	vor.u32 v4, v3  }
0x1b7: {  	v3 =	vmax.u32 v3, $0x1  }
0x1b8: {  	v4 =	vadd.s32 v29, v3;
	_ =	sdelay $0x3  }
0x1b9: {  	v63 =	vadd.s32 $0xFFFFFFFF, v3  }
0x1ba: {  	v6 =	vor.u32 v30, v3;
	v5 =	vand.u32 $0x7F, v63;
	v4 =	vld.idx.msk [tilespmem:v4+s11+$0x0], $0xffff  }
0x1bb: {  	v5 =	vor.u32 v30, v5;
	_ =	sdelay $0x1  }
0x1bc: {  	v63 =	vadd.s32 v28, v3;
	_ =	sdelay $0x1  }
0x1bd: {  	v6 =	vld.idx.msk [tilespmem:v6+s11+$0x0], $0xffff;
	(erf) = vrcp.f32 v4  }
0x1be: {  	v5 =	vld.idx.msk [tilespmem:v5+s11+$0x0], $0xffff;
	_ =	sdelay $0x1  }
0x1bf: {  	v7 =	vld.idx.msk [tilespmem:v63+s11+$0x0], $0xffff;
	_ =	sdelay $0x2  }
0x1c0: {  	v6 =	vsub.f32 v6, v5;
	_ =	sdelay $0x1  }
0x1c1: {  	v3 =	vadd.s32 v31, v3;
	v2 =	vsub.f32 v2, v7;
	v7 =	vmul.f32 $5.000000000e-01, v6  }
0x1c2: {  	v63 =	vpop (erf)  }
0x1c3: {  	v7 =	vmul.f32 v7, v4;
	v2 =	vmul.f32 v63, v2;
	_ =	sdelay $0x1  }
0x1c4: {  	v4 =	vmul.f32 v5, v4;
	v7 =	vmul.f32 v7, v2  }
0x1c5: {  	v3 =	vld.idx.msk [tilespmem:v3+s11+$0x0], $0xffff  }
0x1c6: {  	v4 =	vmul.f32 v2, v4;
	v7 =	vmul.f32 v7, v2;
	_ =	sdelay $0x1  }
0x1c7: {  	v4 =	vadd.f32 v7, v4  }
0x1c8: {  	v2 =	vmul.f32 v6, v2  }
0x1c9: {  	v3 =	vadd.f32 v4, v3  }
0x1ca: {  	v2 =	vadd.f32 v2, v5  }
0x1cb: {  	v3 =	vmax.f32 v3, $0.0e+00  }
0x1cc: {  	[tilespmem:$0x120] =	vst v2;
	v3 =	vmin.f32 v3, $1.000000000e+00  }
0x1cd: {  	v2 =	vld [tilespmem:$0xB0];
	[tilespmem:$0xA0] =	vst v3  }
0x1ce: {  	v3 =	vld.idx.msk [tilespmem:v32+s11+$0x0], $0xffff;
	_ =	sdelay $0x4  }
0x1cf: {  	vm1 =	vlt.f32 v3, v2  }
0x1d0: {  	v3 =	vsel vm1, $0x20, v44  }
0x1d1: {  	v63 =	vor.u32 v33, v3;
	_ =	sdelay $0x4  }
0x1d2: {  	v4 =	vld.idx.msk [tilespmem:v63+s11+$0x0], $0xffff;
	_ =	sdelay $0x4  }
0x1d3: {  	vm1 =	vlt.f32 v4, v2  }
0x1d4: {  	v4 =	vsel vm1, $0x10, v44  }
0x1d5: {  	v3 =	vor.u32 v3, v4  }
0x1d6: {  	v4 =	vor.u32 v34, v3;
	_ =	sdelay $0x4  }
0x1d7: {  	v4 =	vld.idx.msk [tilespmem:v4+s11+$0x0], $0xffff;
	_ =	sdelay $0x4  }
0x1d8: {  	vm1 =	vlt.f32 v4, v2  }
0x1d9: {  	v4 =	vsel vm1, $0x8, v44  }
0x1da: {  	v3 =	vor.u32 v4, v3  }
0x1db: {  	v4 =	vor.u32 v35, v3;
	_ =	sdelay $0x4  }
0x1dc: {  	v4 =	vld.idx.msk [tilespmem:v4+s11+$0x0], $0xffff;
	_ =	sdelay $0x4  }
0x1dd: {  	vm1 =	vlt.f32 v4, v2  }
0x1de: {  	v4 =	vsel vm1, $0x4, v44  }
0x1df: {  	v3 =	vor.u32 v4, v3  }
0x1e0: {  	v4 =	vor.u32 v36, v3;
	_ =	sdelay $0x4  }
0x1e1: {  	v4 =	vld.idx.msk [tilespmem:v4+s11+$0x0], $0xffff;
	_ =	sdelay $0x4  }
0x1e2: {  	vm1 =	vlt.f32 v4, v2  }
0x1e3: {  	v4 =	vsel vm1, $0x2, v44  }
0x1e4: {  	v3 =	vor.u32 v4, v3  }
0x1e5: {  	v4 =	vor.u32 v37, v3;
	_ =	sdelay $0x4  }
0x1e6: {  	v4 =	vld.idx.msk [tilespmem:v4+s11+$0x0], $0xffff;
	_ =	sdelay $0x4  }
0x1e7: {  	vm1 =	vlt.f32 v4, v2  }
0x1e8: {  	v4 =	vsel vm1, $0x1, v44  }
0x1e9: {  	v3 =	vor.u32 v4, v3  }
0x1ea: {  	v3 =	vmax.u32 v3, $0x1  }
0x1eb: {  	v4 =	vadd.s32 v39, v3;
	_ =	sdelay $0x3  }
0x1ec: {  	v63 =	vadd.s32 $0xFFFFFFFF, v3  }
0x1ed: {  	v6 =	vor.u32 v40, v3;
	v5 =	vand.u32 $0x7F, v63;
	v4 =	vld.idx.msk [tilespmem:v4+s11+$0x0], $0xffff  }
0x1ee: {  	v5 =	vor.u32 v40, v5;
	_ =	sdelay $0x1  }
0x1ef: {  	v63 =	vadd.s32 v38, v3;
	_ =	sdelay $0x1  }
0x1f0: {  	v6 =	vld.idx.msk [tilespmem:v6+s11+$0x0], $0xffff;
	(erf) = vrcp.f32 v4  }
0x1f1: {  	v5 =	vld.idx.msk [tilespmem:v5+s11+$0x0], $0xffff;
	_ =	sdelay $0x1  }
0x1f2: {  	v7 =	vld.idx.msk [tilespmem:v63+s11+$0x0], $0xffff;
	_ =	sdelay $0x2  }
0x1f3: {  	v6 =	vsub.f32 v6, v5;
	_ =	sdelay $0x1  }
0x1f4: {  	v3 =	vadd.s32 v41, v3;
	v2 =	vsub.f32 v2, v7;
	v7 =	vmul.f32 $5.000000000e-01, v6  }
0x1f5: {  	v63 =	vpop (erf)  }
0x1f6: {  	v7 =	vmul.f32 v7, v4;
	v2 =	vmul.f32 v63, v2;
	_ =	sdelay $0x1  }
0x1f7: {  	v4 =	vmul.f32 v5, v4;
	v7 =	vmul.f32 v7, v2  }
0x1f8: {  	v3 =	vld.idx.msk [tilespmem:v3+s11+$0x0], $0xffff  }
0x1f9: {  	v4 =	vmul.f32 v2, v4;
	v7 =	vmul.f32 v7, v2;
	_ =	sdelay $0x1  }
0x1fa: {  	v4 =	vadd.f32 v7, v4  }
0x1fb: {  	v2 =	vmul.f32 v6, v2  }
0x1fc: {  	v3 =	vadd.f32 v4, v3  }
0x1fd: {  	v2 =	vadd.f32 v2, v5  }
0x1fe: {  	v3 =	vmax.f32 v3, $0.0e+00  }
0x1ff: {  	[tilespmem:$0x130] =	vst v2;
	v3 =	vmin.f32 v3, $1.000000000e+00  }
0x200: {  	[tilespmem:$0xB0] =	vst v3  }
0x201: {  	_ =	swait.ge [sflag:s23], $0x2000  }
0x202: {  	[sflag:s23] =	ssyncset.done $0x0  }
0x203: {  	[sflag:s23] =	ssyncadd.s32 $0xFFFFE000  }
0x204: {  	v2 =	vld [tilespmem:$0x80]  }
0x205: {  	v3 =	vld.idx.msk [tilespmem:v45+s20+$0x0], $0xffff;
	_ =	sdelay $0x4  }
0x206: {  	vm1 =	vlt.f32 v3, v2  }
0x207: {  	v3 =	vsel vm1, $0x10, v44  }
0x208: {  	v63 =	vor.u32 v46, v3;
	_ =	sdelay $0x4  }
0x209: {  	v4 =	vld.idx.msk [tilespmem:v63+s20+$0x0], $0xffff;
	_ =	sdelay $0x4  }
0x20a: {  	vm1 =	vlt.f32 v4, v2  }
0x20b: {  	v4 =	vsel vm1, $0x8, v44  }
0x20c: {  	v3 =	vor.u32 v3, v4  }
0x20d: {  	v4 =	vor.u32 v47, v3;
	_ =	sdelay $0x4  }
0x20e: {  	v4 =	vld.idx.msk [tilespmem:v4+s20+$0x0], $0xffff;
	_ =	sdelay $0x4  }
0x20f: {  	vm1 =	vlt.f32 v4, v2  }
0x210: {  	v4 =	vsel vm1, $0x4, v44  }
0x211: {  	v3 =	vor.u32 v4, v3  }
0x212: {  	v4 =	vor.u32 v48, v3;
	_ =	sdelay $0x4  }
0x213: {  	v4 =	vld.idx.msk [tilespmem:v4+s20+$0x0], $0xffff;
	_ =	sdelay $0x4  }
0x214: {  	vm1 =	vlt.f32 v4, v2  }
0x215: {  	v4 =	vsel vm1, $0x2, v44  }
0x216: {  	v3 =	vor.u32 v4, v3  }
0x217: {  	v4 =	vor.u32 v42, v3;
	_ =	sdelay $0x4  }
0x218: {  	v4 =	vld.idx.msk [tilespmem:v4+s20+$0x0], $0xffff;
	_ =	sdelay $0x4  }
0x219: {  	vm1 =	vlt.f32 v4, v2  }
0x21a: {  	v4 =	vsel vm1, $0x1, v44  }
0x21b: {  	v3 =	vor.u32 v4, v3  }
0x21c: {  	v3 =	vmax.u32 v3, $0x1  }
0x21d: {  	v63 =	vadd.s32 v50, v3;
	_ =	sdelay $0x4  }
0x21e: {  	v4 =	vld.idx.msk [tilespmem:v63+s20+$0x0], $0xffff;
	_ =	sdelay $0x2  }
0x21f: {  	v5 =	vadd.s32 v49, v3  }
0x220: {  	v6 =	vadd.s32 v51, v3  }
0x221: {  	v63 =	vor.u32 v52, v3;
	(erf) = vrcp.f32 v4;
	_ =	sdelay $0x2  }
0x222: {  	v5 =	vld.idx.msk [tilespmem:v5+s20+$0x0], $0xffff  }
0x223: {  	v6 =	vld.idx.msk [tilespmem:v6+s20+$0x0], $0xffff  }
0x224: {  	v7 =	vld.idx.msk [tilespmem:v63+s20+$0x0], $0xffff;
	_ =	sdelay $0x2  }
0x225: {  	v2 =	vsub.f32 v2, v5  }
0x226: {  	v63 =	vpop (erf)  }
0x227: {  	v5 =	vsub.f32 v7, v6;
	v2 =	vmul.f32 v63, v2  }
0x228: {  	v7 =	vld [tilespmem:$0x100]  }
0x229: {  	v63 =	vmul.f32 v5, v2;
	_ =	sdelay $0x1  }
0x22a: {  	v63 =	vadd.f32 v63, v6;
	_ =	sdelay $0x1  }
0x22b: {  	v7 =	vmul.f32 v63, v7;
	_ =	sdelay $0x1  }
0x22c: {  	v63 =	vand.u32 $0x7FFFFF, v7  }
0x22d: {  	v63 =	vor.u32 $0x3F800000, v63  }
0x22e: {  	v8 =	vmul.f32 $5.000000000e-01, v63  }
0x22f: {  	vm1 =	vgt.f32 v63, $1.414213540e+00  }
0x230: {  	v8 =	vsel vm1, v8, v63  }
0x231: {  	v63 =	vadd.f32 $1.000000000e+00, v8;
	_ =	sdelay $0x1  }
0x232: {  	(erf) = vrcp.f32 v63;
	_ =	sdelay $0x7  }
0x233: {  	v8 =	vadd.f32 $-1.000000000e+00, v8  }
0x234: {  	v63 =	vpop (erf)  }
0x235: {  	v8 =	vmul.f32 v63, v8;
	_ =	sdelay $0x1  }
0x236: {  	v63 =	vmul.f32 v8, v8;
	_ =	sdelay $0x1  }
0x237: {  	v5 =	vmul.f32 $5.000000000e-01, v5;
	v9 =	vmul.f32 $1.428571490e-01, v63  }
0x238: {  	v3 =	vadd.s32 v53, v3  }
0x239: {  	v5 =	vmul.f32 v5, v4;
	v9 =	vadd.f32 $2.000000030e-01, v9;
	_ =	sdelay $0x1  }
0x23a: {  	v5 =	vmul.f32 v5, v2;
	v9 =	vmul.f32 v9, v63  }
0x23b: {  	v4 =	vmul.f32 v6, v4  }
0x23c: {  	v3 =	vld.idx.msk [tilespmem:v3+s20+$0x0], $0xffff;
	v5 =	vmul.f32 v5, v2;
	v6 =	vadd.f32 $3.333333430e-01, v9  }
0x23d: {  	v2 =	vmul.f32 v2, v4;
	v4 =	vshrl.u32 v7, $0x17;
	v7 =	vsel vm1, $0x1, v44  }
0x23e: {  	v4 =	vadd.s32 v7, v4;
	v6 =	vmul.f32 v6, v63  }
0x23f: {  	v2 =	vadd.f32 v5, v2;
	v4 =	vadd.s32 $0xFFFFFF81, v4  }
0x240: {  	v4 =	vcvt.s32.f32 v4;
	v63 =	vadd.f32 v8, v8;
	v6 =	vadd.f32 $1.000000000e+00, v6  }
0x241: {  	v2 =	vadd.f32 v2, v3  }
0x242: {  	v4 =	vmul.f32 $6.931471820e-01, v4;
	v3 =	vmul.f32 v6, v63  }
0x243: {  	v2 =	vmax.f32 v2, $0.0e+00  }
0x244: {  	v2 =	vmin.f32 v2, $1.000000000e+00;
	v3 =	vadd.f32 v3, v4  }
0x245: {  	[tilespmem:$0x180] =	vst v2  }
0x246: {  	v2 =	vld [tilespmem:$0x90];
	[tilespmem:$0x100] =	vst v3  }
0x247: {  	v3 =	vld.idx.msk [tilespmem:v54+s20+$0x0], $0xffff;
	_ =	sdelay $0x4  }
0x248: {  	vm1 =	vlt.f32 v3, v2  }
0x249: {  	v3 =	vsel vm1, $0x10, v44  }
0x24a: {  	v63 =	vor.u32 v55, v3;
	_ =	sdelay $0x4  }
0x24b: {  	v4 =	vld.idx.msk [tilespmem:v63+s20+$0x0], $0xffff;
	_ =	sdelay $0x4  }
0x24c: {  	vm1 =	vlt.f32 v4, v2  }
0x24d: {  	v4 =	vsel vm1, $0x8, v44  }
0x24e: {  	v3 =	vor.u32 v3, v4  }
0x24f: {  	v4 =	vor.u32 v56, v3;
	_ =	sdelay $0x4  }
0x250: {  	v4 =	vld.idx.msk [tilespmem:v4+s20+$0x0], $0xffff;
	_ =	sdelay $0x4  }
0x251: {  	vm1 =	vlt.f32 v4, v2  }
0x252: {  	v4 =	vsel vm1, $0x4, v44  }
0x253: {  	v3 =	vor.u32 v4, v3  }
0x254: {  	v4 =	vor.u32 v57, v3;
	_ =	sdelay $0x4  }
0x255: {  	v4 =	vld.idx.msk [tilespmem:v4+s20+$0x0], $0xffff;
	_ =	sdelay $0x4  }
0x256: {  	vm1 =	vlt.f32 v4, v2  }
0x257: {  	v4 =	vsel vm1, $0x2, v44  }
0x258: {  	v3 =	vor.u32 v4, v3  }
0x259: {  	v4 =	vor.u32 v58, v3;
	_ =	sdelay $0x4  }
0x25a: {  	v4 =	vld.idx.msk [tilespmem:v4+s20+$0x0], $0xffff;
	_ =	sdelay $0x4  }
0x25b: {  	vm1 =	vlt.f32 v4, v2  }
0x25c: {  	v4 =	vsel vm1, $0x1, v44  }
0x25d: {  	v3 =	vor.u32 v4, v3  }
0x25e: {  	v3 =	vmax.u32 v3, $0x1  }
0x25f: {  	v63 =	vadd.s32 v60, v3;
	_ =	sdelay $0x4  }
0x260: {  	v4 =	vld.idx.msk [tilespmem:v63+s20+$0x0], $0xffff;
	_ =	sdelay $0x2  }
0x261: {  	v5 =	vadd.s32 v59, v3  }
0x262: {  	v6 =	vadd.s32 v61, v3  }
0x263: {  	v63 =	vor.u32 v62, v3;
	(erf) = vrcp.f32 v4;
	_ =	sdelay $0x2  }
0x264: {  	v5 =	vld.idx.msk [tilespmem:v5+s20+$0x0], $0xffff  }
0x265: {  	v6 =	vld.idx.msk [tilespmem:v6+s20+$0x0], $0xffff  }
0x266: {  	v7 =	vld.idx.msk [tilespmem:v63+s20+$0x0], $0xffff;
	_ =	sdelay $0x2  }
0x267: {  	v2 =	vsub.f32 v2, v5  }
0x268: {  	v63 =	vpop (erf)  }
0x269: {  	v5 =	vsub.f32 v7, v6;
	v2 =	vmul.f32 v63, v2  }
0x26a: {  	v63 =	vld [tilespmem:$0x110]  }
0x26b: {  	v8 =	vmul.f32 v5, v2;
	_ =	sdelay $0x1  }
0x26c: {  	v8 =	vadd.f32 v8, v6;
	_ =	sdelay $0x1  }
0x26d: {  	v7 =	vmul.f32 v8, v63;
	_ =	sdelay $0x1  }
0x26e: {  	v8 =	vand.u32 $0x7FFFFF, v7  }
0x26f: {  	v8 =	vor.u32 $0x3F800000, v8  }
0x270: {  	v9 =	vmul.f32 $5.000000000e-01, v8  }
0x271: {  	vm1 =	vgt.f32 v8, $1.414213540e+00  }
0x272: {  	v8 =	vsel vm1, v9, v8  }
0x273: {  	v9 =	vadd.f32 $1.000000000e+00, v8;
	_ =	sdelay $0x1  }
0x274: {  	(erf) = vrcp.f32 v9;
	_ =	sdelay $0x7  }
0x275: {  	v8 =	vadd.f32 $-1.000000000e+00, v8  }
0x276: {  	v9 =	vpop (erf)  }
0x277: {  	v8 =	vmul.f32 v9, v8;
	_ =	sdelay $0x1  }
0x278: {  	v9 =	vmul.f32 v8, v8;
	_ =	sdelay $0x1  }
0x279: {  	v5 =	vmul.f32 $5.000000000e-01, v5;
	v63 =	vor.u32 $0x85F, v42;
	v11 =	vmul.f32 $1.428571490e-01, v9  }
0x27a: {  	v3 =	vadd.s32 v63, v3  }
0x27b: {  	v5 =	vmul.f32 v5, v4;
	v11 =	vadd.f32 $2.000000030e-01, v11;
	_ =	sdelay $0x1  }
0x27c: {  	v5 =	vmul.f32 v5, v2;
	v11 =	vmul.f32 v11, v9  }
0x27d: {  	v4 =	vmul.f32 v6, v4  }
0x27e: {  	v5 =	vmul.f32 v5, v2;
	v3 =	vld.idx.msk [tilespmem:v3+s20+$0x0], $0xffff;
	v6 =	vadd.f32 $3.333333430e-01, v11  }
0x27f: {  	v2 =	vmul.f32 v2, v4;
	v4 =	vshrl.u32 v7, $0x17;
	v63 =	vsel vm1, $0x1, v44  }
0x280: {  	v4 =	vadd.s32 v63, v4;
	v6 =	vmul.f32 v6, v9  }
0x281: {  	v2 =	vadd.f32 v5, v2;
	v4 =	vadd.s32 $0xFFFFFF81, v4  }
0x282: {  	v4 =	vcvt.s32.f32 v4;
	v63 =	vadd.f32 v8, v8;
	v6 =	vadd.f32 $1.000000000e+00, v6  }
0x283: {  	v2 =	vadd.f32 v2, v3  }
0x284: {  	v4 =	vmul.f32 $6.931471820e-01, v4;
	v3 =	vmul.f32 v6, v63;
	v63 =	vor.u32 $0x100F, v42  }
0x285: {  	v2 =	vmax.f32 v2, $0.0e+00  }
0x286: {  	v2 =	vmin.f32 v2, $1.000000000e+00;
	v3 =	vadd.f32 v3, v4  }
0x287: {  	[tilespmem:$0x190] =	vst v2  }
0x288: {  	v2 =	vld [tilespmem:$0xA0];
	[tilespmem:$0x110] =	vst v3  }
0x289: {  	v3 =	vld.idx.msk [tilespmem:v63+s20+$0x0], $0xffff;
	_ =	sdelay $0x4  }
0x28a: {  	vm1 =	vlt.f32 v3, v2  }
0x28b: {  	v63 =	vor.u32 $0x1007, v42;
	v3 =	vsel vm1, $0x10, v44  }
0x28c: {  	v4 =	vor.u32 v63, v3;
	_ =	sdelay $0x4  }
0x28d: {  	v4 =	vld.idx.msk [tilespmem:v4+s20+$0x0], $0xffff;
	_ =	sdelay $0x4  }
0x28e: {  	vm1 =	vlt.f32 v4, v2  }
0x28f: {  	v4 =	vsel vm1, $0x8, v44  }
0x290: {  	v63 =	vor.u32 $0x1003, v42;
	v3 =	vor.u32 v3, v4  }
0x291: {  	v4 =	vor.u32 v63, v3;
	_ =	sdelay $0x4  }
0x292: {  	v4 =	vld.idx.msk [tilespmem:v4+s20+$0x0], $0xffff;
	_ =	sdelay $0x4  }
0x293: {  	vm1 =	vlt.f32 v4, v2  }
0x294: {  	v4 =	vsel vm1, $0x4, v44  }
0x295: {  	v63 =	vor.u32 $0x1001, v42;
	v3 =	vor.u32 v4, v3  }
0x296: {  	v4 =	vor.u32 v63, v3;
	_ =	sdelay $0x4  }
0x297: {  	v4 =	vld.idx.msk [tilespmem:v4+s20+$0x0], $0xffff;
	_ =	sdelay $0x4  }
0x298: {  	vm1 =	vlt.f32 v4, v2  }
0x299: {  	v4 =	vsel vm1, $0x2, v44  }
0x29a: {  	v63 =	vor.u32 $0x1000, v42;
	v3 =	vor.u32 v4, v3  }
0x29b: {  	v4 =	vor.u32 v63, v3;
	_ =	sdelay $0x4  }
0x29c: {  	v4 =	vld.idx.msk [tilespmem:v4+s20+$0x0], $0xffff;
	_ =	sdelay $0x4  }
0x29d: {  	vm1 =	vlt.f32 v4, v2  }
0x29e: {  	v4 =	vsel vm1, $0x1, v44  }
0x29f: {  	v3 =	vor.u32 v4, v3  }
0x2a0: {  	v63 =	vor.u32 $0x101F, v42;
	v3 =	vmax.u32 v3, $0x1  }
0x2a1: {  	v4 =	vadd.s32 v63, v3;
	_ =	sdelay $0x4  }
0x2a2: {  	v4 =	vld.idx.msk [tilespmem:v4+s20+$0x0], $0xffff;
	_ =	sdelay $0x1  }
0x2a3: {  	v63 =	vadd.s32 $0xFFF, v42  }
0x2a4: {  	v5 =	vadd.s32 v63, v3;
	v63 =	vor.u32 $0x103F, v42  }
0x2a5: {  	v6 =	vadd.s32 v63, v3;
	v63 =	vor.u32 $0x1040, v42  }
0x2a6: {  	v7 =	vor.u32 v63, v3;
	(erf) = vrcp.f32 v4;
	_ =	sdelay $0x2  }
0x2a7: {  	v5 =	vld.idx.msk [tilespmem:v5+s20+$0x0], $0xffff  }
0x2a8: {  	v6 =	vld.idx.msk [tilespmem:v6+s20+$0x0], $0xffff  }
0x2a9: {  	v7 =	vld.idx.msk [tilespmem:v7+s20+$0x0], $0xffff;
	_ =	sdelay $0x2  }
0x2aa: {  	v2 =	vsub.f32 v2, v5  }
0x2ab: {  	v63 =	vpop (erf)  }
0x2ac: {  	v5 =	vsub.f32 v7, v6;
	v2 =	vmul.f32 v63, v2  }
0x2ad: {  	v63 =	vld [tilespmem:$0x120]  }
0x2ae: {  	v8 =	vmul.f32 v5, v2;
	_ =	sdelay $0x1  }
0x2af: {  	v8 =	vadd.f32 v8, v6;
	_ =	sdelay $0x1  }
0x2b0: {  	v7 =	vmul.f32 v8, v63;
	_ =	sdelay $0x1  }
0x2b1: {  	v8 =	vand.u32 $0x7FFFFF, v7  }
0x2b2: {  	v8 =	vor.u32 $0x3F800000, v8  }
0x2b3: {  	v9 =	vmul.f32 $5.000000000e-01, v8  }
0x2b4: {  	vm1 =	vgt.f32 v8, $1.414213540e+00  }
0x2b5: {  	v8 =	vsel vm1, v9, v8  }
0x2b6: {  	v9 =	vadd.f32 $1.000000000e+00, v8;
	_ =	sdelay $0x1  }
0x2b7: {  	(erf) = vrcp.f32 v9;
	_ =	sdelay $0x7  }
0x2b8: {  	v8 =	vadd.f32 $-1.000000000e+00, v8  }
0x2b9: {  	v9 =	vpop (erf)  }
0x2ba: {  	v8 =	vmul.f32 v9, v8;
	_ =	sdelay $0x1  }
0x2bb: {  	v9 =	vmul.f32 v8, v8;
	_ =	sdelay $0x1  }
0x2bc: {  	v11 =	vor.u32 $0x105F, v42;
	v5 =	vmul.f32 $5.000000000e-01, v5;
	v63 =	vmul.f32 $1.428571490e-01, v9  }
0x2bd: {  	v3 =	vadd.s32 v11, v3  }
0x2be: {  	v5 =	vmul.f32 v5, v4;
	v11 =	vadd.f32 $2.000000030e-01, v63;
	_ =	sdelay $0x1  }
0x2bf: {  	v5 =	vmul.f32 v5, v2;
	v11 =	vmul.f32 v11, v9  }
0x2c0: {  	v4 =	vmul.f32 v6, v4  }
0x2c1: {  	v3 =	vld.idx.msk [tilespmem:v3+s20+$0x0], $0xffff;
	v5 =	vmul.f32 v5, v2;
	v6 =	vadd.f32 $3.333333430e-01, v11  }
0x2c2: {  	v2 =	vmul.f32 v2, v4;
	v4 =	vshrl.u32 v7, $0x17;
	v63 =	vsel vm1, $0x1, v44  }
0x2c3: {  	v4 =	vadd.s32 v63, v4;
	v6 =	vmul.f32 v6, v9  }
0x2c4: {  	v2 =	vadd.f32 v5, v2;
	v4 =	vadd.s32 $0xFFFFFF81, v4  }
0x2c5: {  	v63 =	vadd.f32 v8, v8;
	v4 =	vcvt.s32.f32 v4;
	v6 =	vadd.f32 $1.000000000e+00, v6  }
0x2c6: {  	v2 =	vadd.f32 v2, v3  }
0x2c7: {  	v4 =	vmul.f32 $6.931471820e-01, v4;
	v3 =	vmul.f32 v6, v63;
	v63 =	vor.u32 $0x180F, v42  }
0x2c8: {  	v2 =	vmax.f32 v2, $0.0e+00  }
0x2c9: {  	v2 =	vmin.f32 v2, $1.000000000e+00;
	v3 =	vadd.f32 v3, v4  }
0x2ca: {  	[tilespmem:$0x1A0] =	vst v2  }
0x2cb: {  	v2 =	vld [tilespmem:$0xB0];
	[tilespmem:$0x120] =	vst v3  }
0x2cc: {  	v3 =	vld.idx.msk [tilespmem:v63+s20+$0x0], $0xffff;
	_ =	sdelay $0x4  }
0x2cd: {  	vm1 =	vlt.f32 v3, v2  }
0x2ce: {  	v63 =	vor.u32 $0x1807, v42;
	v3 =	vsel vm1, $0x10, v44  }
0x2cf: {  	v4 =	vor.u32 v63, v3;
	_ =	sdelay $0x4  }
0x2d0: {  	v4 =	vld.idx.msk [tilespmem:v4+s20+$0x0], $0xffff;
	_ =	sdelay $0x4  }
0x2d1: {  	vm1 =	vlt.f32 v4, v2  }
0x2d2: {  	v4 =	vsel vm1, $0x8, v44  }
0x2d3: {  	v63 =	vor.u32 $0x1803, v42;
	v3 =	vor.u32 v3, v4  }
0x2d4: {  	v4 =	vor.u32 v63, v3;
	_ =	sdelay $0x4  }
0x2d5: {  	v4 =	vld.idx.msk [tilespmem:v4+s20+$0x0], $0xffff;
	_ =	sdelay $0x4  }
0x2d6: {  	vm1 =	vlt.f32 v4, v2  }
0x2d7: {  	v4 =	vsel vm1, $0x4, v44  }
0x2d8: {  	v63 =	vor.u32 $0x1801, v42;
	v3 =	vor.u32 v4, v3  }
0x2d9: {  	v4 =	vor.u32 v63, v3;
	_ =	sdelay $0x4  }
0x2da: {  	v4 =	vld.idx.msk [tilespmem:v4+s20+$0x0], $0xffff;
	_ =	sdelay $0x4  }
0x2db: {  	vm1 =	vlt.f32 v4, v2  }
0x2dc: {  	v4 =	vsel vm1, $0x2, v44  }
0x2dd: {  	v63 =	vor.u32 $0x1800, v42;
	v3 =	vor.u32 v4, v3  }
0x2de: {  	v4 =	vor.u32 v63, v3;
	_ =	sdelay $0x4  }
0x2df: {  	v4 =	vld.idx.msk [tilespmem:v4+s20+$0x0], $0xffff;
	_ =	sdelay $0x4  }
0x2e0: {  	vm1 =	vlt.f32 v4, v2  }
0x2e1: {  	v4 =	vsel vm1, $0x1, v44  }
0x2e2: {  	v3 =	vor.u32 v4, v3  }
0x2e3: {  	v63 =	vor.u32 $0x181F, v42;
	v3 =	vmax.u32 v3, $0x1  }
0x2e4: {  	v4 =	vadd.s32 v63, v3;
	_ =	sdelay $0x4  }
0x2e5: {  	v4 =	vld.idx.msk [tilespmem:v4+s20+$0x0], $0xffff;
	_ =	sdelay $0x1  }
0x2e6: {  	v63 =	vadd.s32 $0x17FF, v42  }
0x2e7: {  	v5 =	vadd.s32 v63, v3;
	v63 =	vor.u32 $0x183F, v42  }
0x2e8: {  	v6 =	vadd.s32 v63, v3;
	v63 =	vor.u32 $0x1840, v42  }
0x2e9: {  	v7 =	vor.u32 v63, v3;
	(erf) = vrcp.f32 v4;
	_ =	sdelay $0x2  }
0x2ea: {  	v5 =	vld.idx.msk [tilespmem:v5+s20+$0x0], $0xffff  }
0x2eb: {  	v6 =	vld.idx.msk [tilespmem:v6+s20+$0x0], $0xffff  }
0x2ec: {  	v7 =	vld.idx.msk [tilespmem:v7+s20+$0x0], $0xffff;
	_ =	sdelay $0x2  }
0x2ed: {  	v2 =	vsub.f32 v2, v5  }
0x2ee: {  	v63 =	vpop (erf)  }
0x2ef: {  	v5 =	vsub.f32 v7, v6;
	v2 =	vmul.f32 v63, v2  }
0x2f0: {  	v63 =	vld [tilespmem:$0x130]  }
0x2f1: {  	v8 =	vmul.f32 v5, v2;
	_ =	sdelay $0x1  }
0x2f2: {  	v8 =	vadd.f32 v8, v6;
	_ =	sdelay $0x1  }
0x2f3: {  	v7 =	vmul.f32 v8, v63;
	_ =	sdelay $0x1  }
0x2f4: {  	v8 =	vand.u32 $0x7FFFFF, v7  }
0x2f5: {  	v8 =	vor.u32 $0x3F800000, v8  }
0x2f6: {  	v9 =	vmul.f32 $5.000000000e-01, v8  }
0x2f7: {  	vm1 =	vgt.f32 v8, $1.414213540e+00  }
0x2f8: {  	v8 =	vsel vm1, v9, v8  }
0x2f9: {  	v9 =	vadd.f32 $1.000000000e+00, v8;
	_ =	sdelay $0x1  }
0x2fa: {  	(erf) = vrcp.f32 v9;
	_ =	sdelay $0x7  }
0x2fb: {  	v8 =	vadd.f32 $-1.000000000e+00, v8  }
0x2fc: {  	v9 =	vpop (erf)  }
0x2fd: {  	v8 =	vmul.f32 v9, v8;
	_ =	sdelay $0x1  }
0x2fe: {  	v9 =	vmul.f32 v8, v8;
	_ =	sdelay $0x1  }
0x2ff: {  	v11 =	vor.u32 $0x185F, v42;
	v5 =	vmul.f32 $5.000000000e-01, v5;
	v63 =	vmul.f32 $1.428571490e-01, v9  }
0x300: {  	v3 =	vadd.s32 v11, v3  }
0x301: {  	v5 =	vmul.f32 v5, v4;
	v11 =	vadd.f32 $2.000000030e-01, v63;
	_ =	sdelay $0x1  }
0x302: {  	v5 =	vmul.f32 v5, v2;
	v11 =	vmul.f32 v11, v9  }
0x303: {  	v4 =	vmul.f32 v6, v4  }
0x304: {  	v3 =	vld.idx.msk [tilespmem:v3+s20+$0x0], $0xffff;
	v5 =	vmul.f32 v5, v2;
	v6 =	vadd.f32 $3.333333430e-01, v11  }
0x305: {  	v2 =	vmul.f32 v2, v4;
	v4 =	vshrl.u32 v7, $0x17;
	v63 =	vsel vm1, $0x1, v44  }
0x306: {  	v4 =	vadd.s32 v63, v4;
	v6 =	vmul.f32 v6, v9  }
0x307: {  	v2 =	vadd.f32 v5, v2;
	v4 =	vadd.s32 $0xFFFFFF81, v4  }
0x308: {  	v63 =	vadd.f32 v8, v8;
	v4 =	vcvt.s32.f32 v4;
	v6 =	vadd.f32 $1.000000000e+00, v6  }
0x309: {  	v2 =	vadd.f32 v2, v3  }
0x30a: {  	v4 =	vmul.f32 $6.931471820e-01, v4;
	v3 =	vmul.f32 v6, v63  }
0x30b: {  	v2 =	vmax.f32 v2, $0.0e+00  }
0x30c: {  	v2 =	vmin.f32 v2, $1.000000000e+00;
	v3 =	vadd.f32 v3, v4  }
0x30d: {  	[tilespmem:$0x1B0] =	vst v2  }
0x30e: {  	[tilespmem:$0x130] =	vst v3  }
0x30f: {  	[hbm4b:s7+s1] =	stream.linear.scatter [tilespmem:s24], [sflag:$0x3], $0x40, $0x38;
	[tilespmem:$0x6200] =	vst v63  }
0x310: {  	_ =	swait.ge [sflag:s10], $0x40  }
0x311: {  	p0 =	sne.s32 s9, $0x1;
	[sflag:s10] =	ssyncset.done $0x0  }
.Ltmp0:
0x312: {  	[sflag:s10] =	ssyncadd.s32 $0xFFFFFFC0;
	(pc) =	sbr.rel @p0 .LBB2_1-.Ltmp0, $4  }
0x313: {  	[hbm4b:s8+s1] =	stream.linear.scatter [tilespmem:s25], [sflag:$0x3], $0x40, $0x38;
	[tilespmem:$0x6200] =	vst v63  }
0x314: {  	_ =	swait.ge [sflag:s10], $0x40  }
0x315: {  	[sflag:s10] =	ssyncset.done $0x0  }
0x316: {  	s9 =	sadd.s32 $0xFFFFFFFF, s9;
	[sflag:s10] =	ssyncadd.s32 $0xFFFFFFC0  }
0x317: {  	_ =	sfence.sel $0x180000  }
0x318: {  	[bflag:$0x0] =	sbarrier.arrive $0xFFFF  }
0x319: {  	p0 =	sne.s32 s2, $0x0;
	_ =	strace $0x90000047  }
0x31a: {  	s0 =	sadd.s32 @!p0 $0x100000, s0;
	[bflag:$0x2] =	sbarrier.arrive $0xFFFF  }
0x31b: {  	[sflag:s0] =	ssyncadd.tile.s32 @!p0 $0x1;
	_ =	shalt  }
.Lfunc_end2:
_tile_overlayer_lowered:
.L_overlay_start_2:
0x31c: {  	(tag) =	ssettag $0x2  }
0x31d: {  	s0 =	rddreg [dreg:$0x0];
	s2 =	stileid.u32  }
0x31e: {  	s1 =	rddreg [dreg:$0x1];
	p0 =	sne.s32 s2, $0x0  }
0x31f: {  	s3 =	rddreg [dreg:$0x2];
	[bflag:$0x3] =	sbarrier.arrive $0xFFFF;
	s2 =	simm.s32 @!p0 $0x1C03  }
0x320: {  	[timem:s3], [sflag:s2] =	dma.local @!p0 [hbm:s0], s1  }
0x321: {  	s0 =	simm.s32 @!p0 $0x3  }
0x322: {  	_ =	swait.ge @!p0 [sflag:s0], s1  }
0x323: {  	s1 =	ssub.s32 @!p0 $0x0, s1;
	[sflag:s0] =	ssyncset.done @!p0 $0x0  }
0x324: {  	[sflag:s0] =	ssyncadd.s32 @!p0 s1  }
0x325: {  	[bflag:$0x3] =	sbarrier.arrive $0xFFFF  }
0x326: {  	_ =	shalt  }

</sc_bundles>
